<compile_context>
chip_gen: v7x
topology: tpu7x:2x2x1
jax: 0.10.2.dev20260603
libtpu: 0.0.44.dev20260713+nightly
codegen_flags: <defaults>
</compile_context>

<pallas_src>
import functools

import jax
import jax.numpy as jnp
from jax import lax
from jax.experimental import pallas as pl
from jax.experimental.pallas import tpu as pltpu
from jax.experimental.pallas import tpu_sc as plsc

NC = 2
NS = 16
L = 16
NW = NC * NS


def _f32(shape):
    return jax.ShapeDtypeStruct(shape, jnp.float32)


def kernel(x, edge_index, W_base, b_base, W1, b1, W2, b2):
    N, DI = x.shape
    DO = W_base.shape[1]
    DH = W1.shape[1]
    E = edge_index.shape[1]

    NP = (N // (NS * L) + 1) * (NS * L)
    SL = NP // NS
    EW = E // NW
    CH = 128
    NB = 4
    KP = -(-EW // CH)
    KP = -(-KP // NB) * NB
    EP = KP * CH
    RB = 2000
    GRID = N // RB

    mesh = plsc.VectorSubcoreMesh(
        core_axis_name="c", subcore_axis_name="s",
        num_cores=NC, num_subcores=NS)
    sc_params = pltpu.CompilerParams(
        needs_layout_passes=False, use_tc_tiling_on_sc=False)

    src = edge_index[0]
    dst = edge_index[1]
    pad = EP - EW
    srcp = jnp.pad(src.reshape(NW, EW), ((0, 0), (0, pad))).reshape(
        NW, KP, CH)
    dstp = jnp.pad(dst.reshape(NW, EW), ((0, 0), (0, pad)),
                   constant_values=N).reshape(NW, KP, CH)
    ones8 = jnp.ones((CH, 8), jnp.float32)
    z8 = jnp.zeros((SL, 8), jnp.float32)
    z64 = jnp.zeros((SL, DO), jnp.float32)

    def make_prop(D):
        @functools.partial(
            pl.kernel,
            out_type=_f32((NC, NP, D)),
            mesh=mesh,
            compiler_params=sc_params,
            scratch_types=[
                pltpu.VMEM((KP, CH), jnp.int32),
                pltpu.VMEM((KP, CH), jnp.int32),
                [pltpu.VMEM((CH, D), jnp.float32) for _ in range(NB)],
                [pltpu.SemaphoreType.DMA for _ in range(NB)],
                pltpu.VMEM_SHARED((NP, D), jnp.float32),
            ],
        )
        def k_prop(tab_hbm, srcp_hbm, dstp_hbm, zr_hbm, out_hbm,
                   src_v, dst_v, bufs, gsems, sh_v):
            c = lax.axis_index("c")
            s = lax.axis_index("s")
            wid = c * NS + s
            pltpu.sync_copy(srcp_hbm.at[wid], src_v)
            pltpu.sync_copy(dstp_hbm.at[wid], dst_v)
            pltpu.sync_copy(zr_hbm, sh_v.at[pl.ds(s * SL, SL)])
            plsc.subcore_barrier()

            for b in range(NB):
                pltpu.async_copy(tab_hbm.at[src_v.at[b]], bufs[b], gsems[b])

            def ob(g, carry):
                for b in range(NB):
                    j = g * NB + b
                    pltpu.make_async_copy(
                        tab_hbm.at[src_v.at[j]], bufs[b], gsems[b]).wait()
                    pltpu.sync_copy(bufs[b], sh_v.at[dst_v.at[j]], add=True)
                    pltpu.async_copy(
                        tab_hbm.at[src_v.at[j + NB]], bufs[b], gsems[b])
                return carry
            lax.fori_loop(0, KP // NB - 1, ob, 0)
            for b in range(NB):
                j = KP - NB + b
                pltpu.make_async_copy(
                    tab_hbm.at[src_v.at[j]], bufs[b], gsems[b]).wait()
                pltpu.sync_copy(bufs[b], sh_v.at[dst_v.at[j]], add=True)

            plsc.subcore_barrier()
            pltpu.sync_copy(sh_v.at[pl.ds(s * SL, SL)],
                            out_hbm.at[c, pl.ds(s * SL, SL)])

        return k_prop

    prop_d = make_prop(DO)
    prop_8 = make_prop(8)

    @functools.partial(
        pl.kernel,
        out_type=_f32((NC, NP, 8)),
        mesh=mesh,
        compiler_params=sc_params,
        scratch_types=[
            pltpu.VMEM((KP, CH), jnp.int32),
            pltpu.VMEM((CH, 8), jnp.float32),
            [pltpu.SemaphoreType.DMA for _ in range(NB)],
            pltpu.VMEM_SHARED((NP, 8), jnp.float32),
        ],
    )
    def k_deg(ones_hbm, dstp_hbm, zr_hbm, out_hbm,
              dst_v, ones_v, sems, sh_v):
        c = lax.axis_index("c")
        s = lax.axis_index("s")
        wid = c * NS + s
        pltpu.sync_copy(dstp_hbm.at[wid], dst_v)
        pltpu.sync_copy(ones_hbm, ones_v)
        pltpu.sync_copy(zr_hbm, sh_v.at[pl.ds(s * SL, SL)])
        plsc.subcore_barrier()

        def scat(j, b):
            pltpu.async_copy(ones_v, sh_v.at[dst_v.at[j]], sems[b],
                             add=True)

        def scat_wait(j, b):
            pltpu.make_async_copy(
                ones_v, sh_v.at[dst_v.at[j]], sems[b]).wait()

        for b in range(NB):
            scat(b, b)

        def ob(g, carry):
            for b in range(NB):
                j = g * NB + b
                scat_wait(j, b)
                scat(j + NB, b)
            return carry
        lax.fori_loop(0, KP // NB - 1, ob, 0)
        for b in range(NB):
            scat_wait(KP - NB + b, b)

        plsc.subcore_barrier()
        pltpu.sync_copy(sh_v.at[pl.ds(s * SL, SL)],
                        out_hbm.at[c, pl.ds(s * SL, SL)])

    def tc1_body(deg_ref, x_ref, w_ref, h0p_ref, dinv_ref):
        deg = deg_ref[0][:, 0:1] + deg_ref[1][:, 0:1] + 1.0
        dinv = lax.rsqrt(deg)
        h0 = jnp.dot(x_ref[...], w_ref[...],
                     preferred_element_type=jnp.float32)
        h0p_ref[...] = h0 * dinv
        dinv_ref[...] = dinv

    tc1 = pl.pallas_call(
        tc1_body,
        grid=(GRID,),
        in_specs=[
            pl.BlockSpec((NC, RB, 8), lambda i: (0, i, 0)),
            pl.BlockSpec((RB, DI), lambda i: (i, 0)),
            pl.BlockSpec((DI, DO), lambda i: (0, 0)),
        ],
        out_specs=[
            pl.BlockSpec((RB, DO), lambda i: (i, 0)),
            pl.BlockSpec((RB, 1), lambda i: (i, 0)),
        ],
        out_shape=[_f32((N, DO)), _f32((N, 1))],
    )

    def tc2_body(acc_ref, h0p_ref, dinv_ref, w1_ref, bb_ref,
                 logist_ref, h1p_ref):
        dinv = dinv_ref[...]
        pre = acc_ref[0] + acc_ref[1] + h0p_ref[...]
        logist = pre * dinv + bb_ref[...]
        logist_ref[...] = logist
        h1p_ref[...] = jnp.dot(logist, w1_ref[...],
                               preferred_element_type=jnp.float32) * dinv

    tc2 = pl.pallas_call(
        tc2_body,
        grid=(GRID,),
        in_specs=[
            pl.BlockSpec((NC, RB, DO), lambda i: (0, i, 0)),
            pl.BlockSpec((RB, DO), lambda i: (i, 0)),
            pl.BlockSpec((RB, 1), lambda i: (i, 0)),
            pl.BlockSpec((DO, DH), lambda i: (0, 0)),
            pl.BlockSpec((1, DO), lambda i: (0, 0)),
        ],
        out_specs=[
            pl.BlockSpec((RB, DO), lambda i: (i, 0)),
            pl.BlockSpec((RB, DH), lambda i: (i, 0)),
        ],
        out_shape=[_f32((N, DO)), _f32((N, DH))],
    )

    def tc3_body(acc_ref, h1p_ref, dinv_ref, w2_ref, b1_ref,
                 sp8_ref, sp_ref):
        dinv = dinv_ref[...]
        h = jnp.maximum(
            (acc_ref[0] + acc_ref[1] + h1p_ref[...]) * dinv + b1_ref[...],
            0.0)
        sp = jnp.dot(h, w2_ref[...], preferred_element_type=jnp.float32) \
            * dinv
        sp_ref[...] = sp
        sp8_ref[...] = jnp.concatenate(
            [sp, jnp.zeros((RB, 7), jnp.float32)], axis=1)

    tc3 = pl.pallas_call(
        tc3_body,
        grid=(GRID,),
        in_specs=[
            pl.BlockSpec((NC, RB, DH), lambda i: (0, i, 0)),
            pl.BlockSpec((RB, DH), lambda i: (i, 0)),
            pl.BlockSpec((RB, 1), lambda i: (i, 0)),
            pl.BlockSpec((DH, 1), lambda i: (0, 0)),
            pl.BlockSpec((1, DH), lambda i: (0, 0)),
        ],
        out_specs=[
            pl.BlockSpec((RB, 8), lambda i: (i, 0)),
            pl.BlockSpec((RB, 1), lambda i: (i, 0)),
        ],
        out_shape=[_f32((N, 8)), _f32((N, 1))],
    )

    def tc4_body(accs_ref, sp_ref, dinv_ref, b2_ref, logist_ref, out_ref):
        t = (accs_ref[0][:, 0:1] + accs_ref[1][:, 0:1] + sp_ref[...]) \
            * dinv_ref[...] + b2_ref[0, 0]
        t = jnp.log(jnp.exp(t) + 1.1)
        out_ref[...] = logist_ref[...] * t

    tc4 = pl.pallas_call(
        tc4_body,
        grid=(GRID,),
        in_specs=[
            pl.BlockSpec((NC, RB, 8), lambda i: (0, i, 0)),
            pl.BlockSpec((RB, 1), lambda i: (i, 0)),
            pl.BlockSpec((RB, 1), lambda i: (i, 0)),
            pl.BlockSpec((1, 1), lambda i: (0, 0)),
            pl.BlockSpec((RB, DO), lambda i: (i, 0)),
        ],
        out_specs=pl.BlockSpec((RB, DO), lambda i: (i, 0)),
        out_shape=_f32((N, DO)),
    )

    deg8 = k_deg(ones8, dstp, z8)
    h0p, dinv_col = tc1(deg8, x, W_base)
    acc0 = prop_d(h0p, srcp, dstp, z64)
    logist, h1p = tc2(acc0, h0p, dinv_col, W1, b_base.reshape(1, DO))
    acc1 = prop_d(h1p, srcp, dstp, z64)
    sp8, sp_col = tc3(acc1, h1p, dinv_col, W2, b1.reshape(1, DH))
    accs8 = prop_8(sp8, srcp, dstp, z8)
    return tc4(accs8, sp_col, dinv_col, b2.reshape(1, 1), logist)

# --- scband reference (transcript-rebuilt; emitter-appended) ---
"""Pipeline reference for scband-ca-gcn-26714696581624 (READ-ONLY COPY).

The authoritative reference and input builder live on the scoring server;
editing this copy changes nothing except your own understanding.
"""

import jax, jax.numpy as jnp
import numpy as np

N = 10000
E = 320000
D_IN = 128
D_OUT = 64
D_HID = 64


def gcn_conv(x, edge_index, W, b):
    # PyG-style GCNConv: linear transform, add self loops, sym-normalized scatter-add
    h = x @ W
    src = edge_index[0]
    dst = edge_index[1]
    loop = jnp.arange(N, dtype=edge_index.dtype)
    src = jnp.concatenate([src, loop])
    dst = jnp.concatenate([dst, loop])
    deg = jnp.zeros((N,), dtype=h.dtype).at[dst].add(1.0)
    dinv = jnp.where(deg > 0, deg ** -0.5, 0.0)
    norm = dinv[src] * dinv[dst]
    msg = h[src] * norm[:, None]
    out = jax.ops.segment_sum(msg, dst, num_segments=N)
    return out + b


def setup_inputs(seed: int = 0) -> dict:
    key = jax.random.key(seed)
    ks = jax.random.split(key, 8)
    x = jax.random.normal(ks[0], (N, D_IN), dtype=jnp.float32)
    edge_index = jax.random.randint(ks[1], (2, E), 0, N, dtype=jnp.int32)
    W_base = jax.random.normal(ks[2], (D_IN, D_OUT), dtype=jnp.float32) / np.sqrt(D_IN)
    b_base = jnp.zeros((D_OUT,), dtype=jnp.float32)
    W1 = jax.random.normal(ks[3], (D_OUT, D_HID), dtype=jnp.float32) / np.sqrt(D_OUT)
    b1 = jnp.zeros((D_HID,), dtype=jnp.float32)
    W2 = jax.random.normal(ks[4], (D_HID, 1), dtype=jnp.float32) / np.sqrt(D_HID)
    b2 = jnp.zeros((1,), dtype=jnp.float32)
    return {"x": x, "edge_index": edge_index, "W_base": W_base, "b_base": b_base, "W1": W1, "b1": b1, "W2": W2, "b2": b2}


def reference(x, edge_index, W_base, b_base, W1, b1, W2, b2):
    # base_model: single GCNConv(D_IN, D_OUT) producing frozen logits
    logist = gcn_conv(x, edge_index, W_base, b_base)
    # eval mode: dropout(p=0.5, training=False) is identity
    h = gcn_conv(logist, edge_index, W1, b1)
    h = jax.nn.relu(h)
    temperature = gcn_conv(h, edge_index, W2, b2)
    temperature = jnp.log(jnp.exp(temperature) + 1.1)
    return logist * temperature

if __name__ == "__main__":
    import jax
    _d = setup_inputs()
    print(jax.jit(kernel)(*tuple(_d.values())))

</pallas_src>

<mosaic_0001>
#map = affine_map<(d0, d1) -> (0, 0)>
#map1 = affine_map<(d0, d1) -> (0, 0, 0)>
module attributes {stable_mosaic.version = 14 : i64} {
  func.func @k_deg(%arg0: i32, %arg1: i32, %arg2: memref<128x8xf32, #tpu.memory_space<hbm>>, %arg3: memref<32x80x128xi32, #tpu.memory_space<hbm>>, %arg4: memref<640x8xf32, #tpu.memory_space<hbm>>, %arg5: memref<2x10240x8xf32, #tpu.memory_space<hbm>>, %arg6: memref<80x128xi32, #tpu.memory_space<vmem>>, %arg7: memref<128x8xf32, #tpu.memory_space<vmem>>, %arg8: memref<!tpu.dma_semaphore, #tpu.memory_space<semaphore_mem>>, %arg9: memref<!tpu.dma_semaphore, #tpu.memory_space<semaphore_mem>>, %arg10: memref<!tpu.dma_semaphore, #tpu.memory_space<semaphore_mem>>, %arg11: memref<!tpu.dma_semaphore, #tpu.memory_space<semaphore_mem>>, %arg12: memref<10240x8xf32, #tpu.memory_space<vmem_shared>>) attributes {dimension_semantics = [#tpu.dimension_semantics<core_parallel>, #tpu.dimension_semantics<subcore_parallel>], iteration_bounds = array<i64: 2, 16>, scalar_prefetch = 0 : i64, scratch_operands = 7 : i64, tpu.core_type = #tpu.core_type<sc_vector_subcore>, window_params = [{transform_indices = #map}, {transform_indices = #map1}, {transform_indices = #map}, {transform_indices = #map1}]} {
    %mul3A = arith.constant 16 : i32
    %mul3A_0 = arith.muli %arg0, %mul3A : i32
    %add3A = arith.addi %mul3A_0, %arg1 : i32
    "tpu.region"() ({
      %run_scoped3A = tpu.sem_alloc : memref<!tpu.dma_semaphore, #tpu.memory_space<semaphore_mem>>
      %dma_start3A_67 = arith.constant 0 : i32
      %dma_start3A_68 = arith.constant 0 : i32
      %dma_start3A_69 = tpu.memref_slice %arg3[%add3A, %dma_start3A_67, %dma_start3A_68] : memref<32x80x128xi32, #tpu.memory_space<hbm>> -> memref<1x80x128xi32, #tpu.memory_space<hbm>>
      %dma_start3A_70 = tpu.memref_squeeze %dma_start3A_69 : memref<1x80x128xi32, #tpu.memory_space<hbm>> -> memref<80x128xi32, #tpu.memory_space<hbm>>
      %dma_start3A_71 = arith.constant 0 : i32
      %dma_start3A_72 = arith.constant 0 : i32
      %dma_start3A_73 = tpu.memref_slice %arg3[%add3A, %dma_start3A_71, %dma_start3A_72] : memref<32x80x128xi32, #tpu.memory_space<hbm>> -> memref<1x80x128xi32, #tpu.memory_space<hbm>>
      %dma_start3A_74 = tpu.memref_squeeze %dma_start3A_73 : memref<1x80x128xi32, #tpu.memory_space<hbm>> -> memref<80x128xi32, #tpu.memory_space<hbm>>
      tpu.enqueue_dma source(%dma_start3A_74 : memref<80x128xi32, #tpu.memory_space<hbm>>) target(%arg6 : memref<80x128xi32, #tpu.memory_space<vmem>>) target_semaphore(%run_scoped3A : memref<!tpu.dma_semaphore, #tpu.memory_space<semaphore_mem>>)
      %dma_wait3A_75 = arith.constant 0 : i32
      %dma_wait3A_76 = arith.constant 0 : i32
      %dma_wait3A_77 = tpu.memref_slice %arg3[%add3A, %dma_wait3A_75, %dma_wait3A_76] : memref<32x80x128xi32, #tpu.memory_space<hbm>> -> memref<1x80x128xi32, #tpu.memory_space<hbm>>
      %dma_wait3A_78 = tpu.memref_squeeze %dma_wait3A_77 : memref<1x80x128xi32, #tpu.memory_space<hbm>> -> memref<80x128xi32, #tpu.memory_space<hbm>>
      %dma_wait3A_79 = arith.constant 0 : i32
      %dma_wait3A_80 = arith.constant 0 : i32
      %dma_wait3A_81 = tpu.memref_slice %arg3[%add3A, %dma_wait3A_79, %dma_wait3A_80] : memref<32x80x128xi32, #tpu.memory_space<hbm>> -> memref<1x80x128xi32, #tpu.memory_space<hbm>>
      %dma_wait3A_82 = tpu.memref_squeeze %dma_wait3A_81 : memref<1x80x128xi32, #tpu.memory_space<hbm>> -> memref<80x128xi32, #tpu.memory_space<hbm>>
      tpu.wait_dma2 semaphore(%run_scoped3A : memref<!tpu.dma_semaphore, #tpu.memory_space<semaphore_mem>>) src(%dma_wait3A_82 : memref<80x128xi32, #tpu.memory_space<hbm>>) dst(%arg6 : memref<80x128xi32, #tpu.memory_space<vmem>>)
      tpu.yield
    }) : () -> ()
    "tpu.region"() ({
      %run_scoped3A = tpu.sem_alloc : memref<!tpu.dma_semaphore, #tpu.memory_space<semaphore_mem>>
      tpu.enqueue_dma source(%arg2 : memref<128x8xf32, #tpu.memory_space<hbm>>) target(%arg7 : memref<128x8xf32, #tpu.memory_space<vmem>>) target_semaphore(%run_scoped3A : memref<!tpu.dma_semaphore, #tpu.memory_space<semaphore_mem>>)
      tpu.wait_dma2 semaphore(%run_scoped3A : memref<!tpu.dma_semaphore, #tpu.memory_space<semaphore_mem>>) src(%arg2 : memref<128x8xf32, #tpu.memory_space<hbm>>) dst(%arg7 : memref<128x8xf32, #tpu.memory_space<vmem>>)
      tpu.yield
    }) : () -> ()
    %mul3A_1 = arith.constant 640 : i32
    %mul3A_2 = arith.muli %arg1, %mul3A_1 : i32
    "tpu.region"() ({
      %run_scoped3A = tpu.sem_alloc : memref<!tpu.dma_semaphore, #tpu.memory_space<semaphore_mem>>
      %dma_start3A_67 = arith.constant 0 : i32
      %dma_start3A_68 = tpu.memref_slice %arg12[%mul3A_2, %dma_start3A_67] : memref<10240x8xf32, #tpu.memory_space<vmem_shared>> -> memref<640x8xf32, #tpu.memory_space<vmem_shared>>
      tpu.enqueue_dma source(%arg4 : memref<640x8xf32, #tpu.memory_space<hbm>>) target(%dma_start3A_68 : memref<640x8xf32, #tpu.memory_space<vmem_shared>>) target_semaphore(%run_scoped3A : memref<!tpu.dma_semaphore, #tpu.memory_space<semaphore_mem>>)
      %dma_wait3A_69 = arith.constant 0 : i32
      %dma_wait3A_70 = tpu.memref_slice %arg12[%mul3A_2, %dma_wait3A_69] : memref<10240x8xf32, #tpu.memory_space<vmem_shared>> -> memref<640x8xf32, #tpu.memory_space<vmem_shared>>
      tpu.wait_dma2 semaphore(%run_scoped3A : memref<!tpu.dma_semaphore, #tpu.memory_space<semaphore_mem>>) src(%arg4 : memref<640x8xf32, #tpu.memory_space<hbm>>) dst(%dma_wait3A_70 : memref<640x8xf32, #tpu.memory_space<vmem_shared>>)
      tpu.yield
    }) : () -> ()
    %barrier3A = arith.constant 0 : index
    tpu.barrier barrier_id(%barrier3A)
    %dma_start3A = arith.constant 0 : i32
    %dma_start3A_3 = arith.constant 0 : i32
    %dma_start3A_4 = tpu.memref_slice %arg6[%dma_start3A, %dma_start3A_3] : memref<80x128xi32, #tpu.memory_space<vmem>> -> memref<1x128xi32, #tpu.memory_space<vmem>>
    %dma_start3A_5 = tpu.memref_squeeze %dma_start3A_4 : memref<1x128xi32, #tpu.memory_space<vmem>> -> memref<128xi32, #tpu.memory_space<vmem>>
    %dma_start3A_6 = arith.constant 0 : i32
    %dma_start3A_7 = arith.constant 0 : i32
    %dma_start3A_8 = tpu.memref_slice %arg12[%dma_start3A_6, %dma_start3A_7] : memref<10240x8xf32, #tpu.memory_space<vmem_shared>> -> memref<10240x8xf32, #tpu.memory_space<vmem_shared>>
    tpu.enqueue_indirect_dma source(%arg7 : memref<128x8xf32, #tpu.memory_space<vmem>>) target(%dma_start3A_8 : memref<10240x8xf32, #tpu.memory_space<vmem_shared>>) offsets(%dma_start3A_5 : memref<128xi32, #tpu.memory_space<vmem>>) semaphore(%arg8 : memref<!tpu.dma_semaphore, #tpu.memory_space<semaphore_mem>>) {add = true}
    %dma_start3A_9 = arith.constant 1 : i32
    %dma_start3A_10 = arith.constant 0 : i32
    %dma_start3A_11 = tpu.memref_slice %arg6[%dma_start3A_9, %dma_start3A_10] : memref<80x128xi32, #tpu.memory_space<vmem>> -> memref<1x128xi32, #tpu.memory_space<vmem>>
    %dma_start3A_12 = tpu.memref_squeeze %dma_start3A_11 : memref<1x128xi32, #tpu.memory_space<vmem>> -> memref<128xi32, #tpu.memory_space<vmem>>
    %dma_start3A_13 = arith.constant 0 : i32
    %dma_start3A_14 = arith.constant 0 : i32
    %dma_start3A_15 = tpu.memref_slice %arg12[%dma_start3A_13, %dma_start3A_14] : memref<10240x8xf32, #tpu.memory_space<vmem_shared>> -> memref<10240x8xf32, #tpu.memory_space<vmem_shared>>
    tpu.enqueue_indirect_dma source(%arg7 : memref<128x8xf32, #tpu.memory_space<vmem>>) target(%dma_start3A_15 : memref<10240x8xf32, #tpu.memory_space<vmem_shared>>) offsets(%dma_start3A_12 : memref<128xi32, #tpu.memory_space<vmem>>) semaphore(%arg9 : memref<!tpu.dma_semaphore, #tpu.memory_space<semaphore_mem>>) {add = true}
    %dma_start3A_16 = arith.constant 2 : i32
    %dma_start3A_17 = arith.constant 0 : i32
    %dma_start3A_18 = tpu.memref_slice %arg6[%dma_start3A_16, %dma_start3A_17] : memref<80x128xi32, #tpu.memory_space<vmem>> -> memref<1x128xi32, #tpu.memory_space<vmem>>
    %dma_start3A_19 = tpu.memref_squeeze %dma_start3A_18 : memref<1x128xi32, #tpu.memory_space<vmem>> -> memref<128xi32, #tpu.memory_space<vmem>>
    %dma_start3A_20 = arith.constant 0 : i32
    %dma_start3A_21 = arith.constant 0 : i32
    %dma_start3A_22 = tpu.memref_slice %arg12[%dma_start3A_20, %dma_start3A_21] : memref<10240x8xf32, #tpu.memory_space<vmem_shared>> -> memref<10240x8xf32, #tpu.memory_space<vmem_shared>>
    tpu.enqueue_indirect_dma source(%arg7 : memref<128x8xf32, #tpu.memory_space<vmem>>) target(%dma_start3A_22 : memref<10240x8xf32, #tpu.memory_space<vmem_shared>>) offsets(%dma_start3A_19 : memref<128xi32, #tpu.memory_space<vmem>>) semaphore(%arg10 : memref<!tpu.dma_semaphore, #tpu.memory_space<semaphore_mem>>) {add = true}
    %dma_start3A_23 = arith.constant 3 : i32
    %dma_start3A_24 = arith.constant 0 : i32
    %dma_start3A_25 = tpu.memref_slice %arg6[%dma_start3A_23, %dma_start3A_24] : memref<80x128xi32, #tpu.memory_space<vmem>> -> memref<1x128xi32, #tpu.memory_space<vmem>>
    %dma_start3A_26 = tpu.memref_squeeze %dma_start3A_25 : memref<1x128xi32, #tpu.memory_space<vmem>> -> memref<128xi32, #tpu.memory_space<vmem>>
    %dma_start3A_27 = arith.constant 0 : i32
    %dma_start3A_28 = arith.constant 0 : i32
    %dma_start3A_29 = tpu.memref_slice %arg12[%dma_start3A_27, %dma_start3A_28] : memref<10240x8xf32, #tpu.memory_space<vmem_shared>> -> memref<10240x8xf32, #tpu.memory_space<vmem_shared>>
    tpu.enqueue_indirect_dma source(%arg7 : memref<128x8xf32, #tpu.memory_space<vmem>>) target(%dma_start3A_29 : memref<10240x8xf32, #tpu.memory_space<vmem_shared>>) offsets(%dma_start3A_26 : memref<128xi32, #tpu.memory_space<vmem>>) semaphore(%arg11 : memref<!tpu.dma_semaphore, #tpu.memory_space<semaphore_mem>>) {add = true}
    %scan3A = arith.constant 0 : i32
    %scan3A_30 = arith.constant 0 : i32
    %scan3A_31 = arith.constant 19 : i32
    %scan3A_32 = arith.addi %scan3A_30, %scan3A_31 : i32
    %scan3A_33 = arith.constant 1 : i32
    scf.for %scan3A_67 = %scan3A_30 to %scan3A_32 step %scan3A_33  : i32 {
      %mul3A_68 = arith.constant 4 : i32
      %mul3A_69 = arith.muli %scan3A_67, %mul3A_68 : i32
      %add3A_70 = arith.constant 0 : i32
      %add3A_71 = arith.addi %mul3A_69, %add3A_70 : i32
      %dma_wait3A_72 = arith.constant 0 : i32
      %dma_wait3A_73 = tpu.memref_slice %arg6[%add3A_71, %dma_wait3A_72] : memref<80x128xi32, #tpu.memory_space<vmem>> -> memref<1x128xi32, #tpu.memory_space<vmem>>
      %dma_wait3A_74 = tpu.memref_squeeze %dma_wait3A_73 : memref<1x128xi32, #tpu.memory_space<vmem>> -> memref<128xi32, #tpu.memory_space<vmem>>
      %dma_wait3A_75 = arith.constant 0 : i32
      %dma_wait3A_76 = arith.constant 0 : i32
      %dma_wait3A_77 = tpu.memref_slice %arg12[%dma_wait3A_75, %dma_wait3A_76] : memref<10240x8xf32, #tpu.memory_space<vmem_shared>> -> memref<10240x8xf32, #tpu.memory_space<vmem_shared>>
      tpu.wait_indirect_dma semaphore(%arg8 : memref<!tpu.dma_semaphore, #tpu.memory_space<semaphore_mem>>) src(%arg7 : memref<128x8xf32, #tpu.memory_space<vmem>>) dst(%dma_wait3A_77 : memref<10240x8xf32, #tpu.memory_space<vmem_shared>>)
      %add3A_78 = arith.constant 4 : i32
      %add3A_79 = arith.addi %add3A_71, %add3A_78 : i32
      %dma_start3A_80 = arith.constant 0 : i32
      %dma_start3A_81 = tpu.memref_slice %arg6[%add3A_79, %dma_start3A_80] : memref<80x128xi32, #tpu.memory_space<vmem>> -> memref<1x128xi32, #tpu.memory_space<vmem>>
      %dma_start3A_82 = tpu.memref_squeeze %dma_start3A_81 : memref<1x128xi32, #tpu.memory_space<vmem>> -> memref<128xi32, #tpu.memory_space<vmem>>
      %dma_start3A_83 = arith.constant 0 : i32
      %dma_start3A_84 = arith.constant 0 : i32
      %dma_start3A_85 = tpu.memref_slice %arg12[%dma_start3A_83, %dma_start3A_84] : memref<10240x8xf32, #tpu.memory_space<vmem_shared>> -> memref<10240x8xf32, #tpu.memory_space<vmem_shared>>
      tpu.enqueue_indirect_dma source(%arg7 : memref<128x8xf32, #tpu.memory_space<vmem>>) target(%dma_start3A_85 : memref<10240x8xf32, #tpu.memory_space<vmem_shared>>) offsets(%dma_start3A_82 : memref<128xi32, #tpu.memory_space<vmem>>) semaphore(%arg8 : memref<!tpu.dma_semaphore, #tpu.memory_space<semaphore_mem>>) {add = true}
      %mul3A_86 = arith.constant 4 : i32
      %mul3A_87 = arith.muli %scan3A_67, %mul3A_86 : i32
      %add3A_88 = arith.constant 1 : i32
      %add3A_89 = arith.addi %mul3A_87, %add3A_88 : i32
      %dma_wait3A_90 = arith.constant 0 : i32
      %dma_wait3A_91 = tpu.memref_slice %arg6[%add3A_89, %dma_wait3A_90] : memref<80x128xi32, #tpu.memory_space<vmem>> -> memref<1x128xi32, #tpu.memory_space<vmem>>
      %dma_wait3A_92 = tpu.memref_squeeze %dma_wait3A_91 : memref<1x128xi32, #tpu.memory_space<vmem>> -> memref<128xi32, #tpu.memory_space<vmem>>
      %dma_wait3A_93 = arith.constant 0 : i32
      %dma_wait3A_94 = arith.constant 0 : i32
      %dma_wait3A_95 = tpu.memref_slice %arg12[%dma_wait3A_93, %dma_wait3A_94] : memref<10240x8xf32, #tpu.memory_space<vmem_shared>> -> memref<10240x8xf32, #tpu.memory_space<vmem_shared>>
      tpu.wait_indirect_dma semaphore(%arg9 : memref<!tpu.dma_semaphore, #tpu.memory_space<semaphore_mem>>) src(%arg7 : memref<128x8xf32, #tpu.memory_space<vmem>>) dst(%dma_wait3A_95 : memref<10240x8xf32, #tpu.memory_space<vmem_shared>>)
      %add3A_96 = arith.constant 4 : i32
      %add3A_97 = arith.addi %add3A_89, %add3A_96 : i32
      %dma_start3A_98 = arith.constant 0 : i32
      %dma_start3A_99 = tpu.memref_slice %arg6[%add3A_97, %dma_start3A_98] : memref<80x128xi32, #tpu.memory_space<vmem>> -> memref<1x128xi32, #tpu.memory_space<vmem>>
      %dma_start3A_100 = tpu.memref_squeeze %dma_start3A_99 : memref<1x128xi32, #tpu.memory_space<vmem>> -> memref<128xi32, #tpu.memory_space<vmem>>
      %dma_start3A_101 = arith.constant 0 : i32
      %dma_start3A_102 = arith.constant 0 : i32
      %dma_start3A_103 = tpu.memref_slice %arg12[%dma_start3A_101, %dma_start3A_102] : memref<10240x8xf32, #tpu.memory_space<vmem_shared>> -> memref<10240x8xf32, #tpu.memory_space<vmem_shared>>
      tpu.enqueue_indirect_dma source(%arg7 : memref<128x8xf32, #tpu.memory_space<vmem>>) target(%dma_start3A_103 : memref<10240x8xf32, #tpu.memory_space<vmem_shared>>) offsets(%dma_start3A_100 : memref<128xi32, #tpu.memory_space<vmem>>) semaphore(%arg9 : memref<!tpu.dma_semaphore, #tpu.memory_space<semaphore_mem>>) {add = true}
      %mul3A_104 = arith.constant 4 : i32
      %mul3A_105 = arith.muli %scan3A_67, %mul3A_104 : i32
      %add3A_106 = arith.constant 2 : i32
      %add3A_107 = arith.addi %mul3A_105, %add3A_106 : i32
      %dma_wait3A_108 = arith.constant 0 : i32
      %dma_wait3A_109 = tpu.memref_slice %arg6[%add3A_107, %dma_wait3A_108] : memref<80x128xi32, #tpu.memory_space<vmem>> -> memref<1x128xi32, #tpu.memory_space<vmem>>
      %dma_wait3A_110 = tpu.memref_squeeze %dma_wait3A_109 : memref<1x128xi32, #tpu.memory_space<vmem>> -> memref<128xi32, #tpu.memory_space<vmem>>
      %dma_wait3A_111 = arith.constant 0 : i32
      %dma_wait3A_112 = arith.constant 0 : i32
      %dma_wait3A_113 = tpu.memref_slice %arg12[%dma_wait3A_111, %dma_wait3A_112] : memref<10240x8xf32, #tpu.memory_space<vmem_shared>> -> memref<10240x8xf32, #tpu.memory_space<vmem_shared>>
      tpu.wait_indirect_dma semaphore(%arg10 : memref<!tpu.dma_semaphore, #tpu.memory_space<semaphore_mem>>) src(%arg7 : memref<128x8xf32, #tpu.memory_space<vmem>>) dst(%dma_wait3A_113 : memref<10240x8xf32, #tpu.memory_space<vmem_shared>>)
      %add3A_114 = arith.constant 4 : i32
      %add3A_115 = arith.addi %add3A_107, %add3A_114 : i32
      %dma_start3A_116 = arith.constant 0 : i32
      %dma_start3A_117 = tpu.memref_slice %arg6[%add3A_115, %dma_start3A_116] : memref<80x128xi32, #tpu.memory_space<vmem>> -> memref<1x128xi32, #tpu.memory_space<vmem>>
      %dma_start3A_118 = tpu.memref_squeeze %dma_start3A_117 : memref<1x128xi32, #tpu.memory_space<vmem>> -> memref<128xi32, #tpu.memory_space<vmem>>
      %dma_start3A_119 = arith.constant 0 : i32
      %dma_start3A_120 = arith.constant 0 : i32
      %dma_start3A_121 = tpu.memref_slice %arg12[%dma_start3A_119, %dma_start3A_120] : memref<10240x8xf32, #tpu.memory_space<vmem_shared>> -> memref<10240x8xf32, #tpu.memory_space<vmem_shared>>
      tpu.enqueue_indirect_dma source(%arg7 : memref<128x8xf32, #tpu.memory_space<vmem>>) target(%dma_start3A_121 : memref<10240x8xf32, #tpu.memory_space<vmem_shared>>) offsets(%dma_start3A_118 : memref<128xi32, #tpu.memory_space<vmem>>) semaphore(%arg10 : memref<!tpu.dma_semaphore, #tpu.memory_space<semaphore_mem>>) {add = true}
      %mul3A_122 = arith.constant 4 : i32
      %mul3A_123 = arith.muli %scan3A_67, %mul3A_122 : i32
      %add3A_124 = arith.constant 3 : i32
      %add3A_125 = arith.addi %mul3A_123, %add3A_124 : i32
      %dma_wait3A_126 = arith.constant 0 : i32
      %dma_wait3A_127 = tpu.memref_slice %arg6[%add3A_125, %dma_wait3A_126] : memref<80x128xi32, #tpu.memory_space<vmem>> -> memref<1x128xi32, #tpu.memory_space<vmem>>
      %dma_wait3A_128 = tpu.memref_squeeze %dma_wait3A_127 : memref<1x128xi32, #tpu.memory_space<vmem>> -> memref<128xi32, #tpu.memory_space<vmem>>
      %dma_wait3A_129 = arith.constant 0 : i32
      %dma_wait3A_130 = arith.constant 0 : i32
      %dma_wait3A_131 = tpu.memref_slice %arg12[%dma_wait3A_129, %dma_wait3A_130] : memref<10240x8xf32, #tpu.memory_space<vmem_shared>> -> memref<10240x8xf32, #tpu.memory_space<vmem_shared>>
      tpu.wait_indirect_dma semaphore(%arg11 : memref<!tpu.dma_semaphore, #tpu.memory_space<semaphore_mem>>) src(%arg7 : memref<128x8xf32, #tpu.memory_space<vmem>>) dst(%dma_wait3A_131 : memref<10240x8xf32, #tpu.memory_space<vmem_shared>>)
      %add3A_132 = arith.constant 4 : i32
      %add3A_133 = arith.addi %add3A_125, %add3A_132 : i32
      %dma_start3A_134 = arith.constant 0 : i32
      %dma_start3A_135 = tpu.memref_slice %arg6[%add3A_133, %dma_start3A_134] : memref<80x128xi32, #tpu.memory_space<vmem>> -> memref<1x128xi32, #tpu.memory_space<vmem>>
      %dma_start3A_136 = tpu.memref_squeeze %dma_start3A_135 : memref<1x128xi32, #tpu.memory_space<vmem>> -> memref<128xi32, #tpu.memory_space<vmem>>
      %dma_start3A_137 = arith.constant 0 : i32
      %dma_start3A_138 = arith.constant 0 : i32
      %dma_start3A_139 = tpu.memref_slice %arg12[%dma_start3A_137, %dma_start3A_138] : memref<10240x8xf32, #tpu.memory_space<vmem_shared>> -> memref<10240x8xf32, #tpu.memory_space<vmem_shared>>
      tpu.enqueue_indirect_dma source(%arg7 : memref<128x8xf32, #tpu.memory_space<vmem>>) target(%dma_start3A_139 : memref<10240x8xf32, #tpu.memory_space<vmem_shared>>) offsets(%dma_start3A_136 : memref<128xi32, #tpu.memory_space<vmem>>) semaphore(%arg11 : memref<!tpu.dma_semaphore, #tpu.memory_space<semaphore_mem>>) {add = true}
    }
    %scan3A_34 = arith.constant 19 : i32
    %dma_wait3A = arith.constant 76 : i32
    %dma_wait3A_35 = arith.constant 0 : i32
    %dma_wait3A_36 = tpu.memref_slice %arg6[%dma_wait3A, %dma_wait3A_35] : memref<80x128xi32, #tpu.memory_space<vmem>> -> memref<1x128xi32, #tpu.memory_space<vmem>>
    %dma_wait3A_37 = tpu.memref_squeeze %dma_wait3A_36 : memref<1x128xi32, #tpu.memory_space<vmem>> -> memref<128xi32, #tpu.memory_space<vmem>>
    %dma_wait3A_38 = arith.constant 0 : i32
    %dma_wait3A_39 = arith.constant 0 : i32
    %dma_wait3A_40 = tpu.memref_slice %arg12[%dma_wait3A_38, %dma_wait3A_39] : memref<10240x8xf32, #tpu.memory_space<vmem_shared>> -> memref<10240x8xf32, #tpu.memory_space<vmem_shared>>
    tpu.wait_indirect_dma semaphore(%arg8 : memref<!tpu.dma_semaphore, #tpu.memory_space<semaphore_mem>>) src(%arg7 : memref<128x8xf32, #tpu.memory_space<vmem>>) dst(%dma_wait3A_40 : memref<10240x8xf32, #tpu.memory_space<vmem_shared>>)
    %dma_wait3A_41 = arith.constant 77 : i32
    %dma_wait3A_42 = arith.constant 0 : i32
    %dma_wait3A_43 = tpu.memref_slice %arg6[%dma_wait3A_41, %dma_wait3A_42] : memref<80x128xi32, #tpu.memory_space<vmem>> -> memref<1x128xi32, #tpu.memory_space<vmem>>
    %dma_wait3A_44 = tpu.memref_squeeze %dma_wait3A_43 : memref<1x128xi32, #tpu.memory_space<vmem>> -> memref<128xi32, #tpu.memory_space<vmem>>
    %dma_wait3A_45 = arith.constant 0 : i32
    %dma_wait3A_46 = arith.constant 0 : i32
    %dma_wait3A_47 = tpu.memref_slice %arg12[%dma_wait3A_45, %dma_wait3A_46] : memref<10240x8xf32, #tpu.memory_space<vmem_shared>> -> memref<10240x8xf32, #tpu.memory_space<vmem_shared>>
    tpu.wait_indirect_dma semaphore(%arg9 : memref<!tpu.dma_semaphore, #tpu.memory_space<semaphore_mem>>) src(%arg7 : memref<128x8xf32, #tpu.memory_space<vmem>>) dst(%dma_wait3A_47 : memref<10240x8xf32, #tpu.memory_space<vmem_shared>>)
    %dma_wait3A_48 = arith.constant 78 : i32
    %dma_wait3A_49 = arith.constant 0 : i32
    %dma_wait3A_50 = tpu.memref_slice %arg6[%dma_wait3A_48, %dma_wait3A_49] : memref<80x128xi32, #tpu.memory_space<vmem>> -> memref<1x128xi32, #tpu.memory_space<vmem>>
    %dma_wait3A_51 = tpu.memref_squeeze %dma_wait3A_50 : memref<1x128xi32, #tpu.memory_space<vmem>> -> memref<128xi32, #tpu.memory_space<vmem>>
    %dma_wait3A_52 = arith.constant 0 : i32
    %dma_wait3A_53 = arith.constant 0 : i32
    %dma_wait3A_54 = tpu.memref_slice %arg12[%dma_wait3A_52, %dma_wait3A_53] : memref<10240x8xf32, #tpu.memory_space<vmem_shared>> -> memref<10240x8xf32, #tpu.memory_space<vmem_shared>>
    tpu.wait_indirect_dma semaphore(%arg10 : memref<!tpu.dma_semaphore, #tpu.memory_space<semaphore_mem>>) src(%arg7 : memref<128x8xf32, #tpu.memory_space<vmem>>) dst(%dma_wait3A_54 : memref<10240x8xf32, #tpu.memory_space<vmem_shared>>)
    %dma_wait3A_55 = arith.constant 79 : i32
    %dma_wait3A_56 = arith.constant 0 : i32
    %dma_wait3A_57 = tpu.memref_slice %arg6[%dma_wait3A_55, %dma_wait3A_56] : memref<80x128xi32, #tpu.memory_space<vmem>> -> memref<1x128xi32, #tpu.memory_space<vmem>>
    %dma_wait3A_58 = tpu.memref_squeeze %dma_wait3A_57 : memref<1x128xi32, #tpu.memory_space<vmem>> -> memref<128xi32, #tpu.memory_space<vmem>>
    %dma_wait3A_59 = arith.constant 0 : i32
    %dma_wait3A_60 = arith.constant 0 : i32
    %dma_wait3A_61 = tpu.memref_slice %arg12[%dma_wait3A_59, %dma_wait3A_60] : memref<10240x8xf32, #tpu.memory_space<vmem_shared>> -> memref<10240x8xf32, #tpu.memory_space<vmem_shared>>
    tpu.wait_indirect_dma semaphore(%arg11 : memref<!tpu.dma_semaphore, #tpu.memory_space<semaphore_mem>>) src(%arg7 : memref<128x8xf32, #tpu.memory_space<vmem>>) dst(%dma_wait3A_61 : memref<10240x8xf32, #tpu.memory_space<vmem_shared>>)
    %barrier3A_62 = arith.constant 0 : index
    tpu.barrier barrier_id(%barrier3A_62)
    %mul3A_63 = arith.constant 640 : i32
    %mul3A_64 = arith.muli %arg1, %mul3A_63 : i32
    %mul3A_65 = arith.constant 640 : i32
    %mul3A_66 = arith.muli %arg1, %mul3A_65 : i32
    "tpu.region"() ({
      %run_scoped3A = tpu.sem_alloc : memref<!tpu.dma_semaphore, #tpu.memory_space<semaphore_mem>>
      %dma_start3A_67 = arith.constant 0 : i32
      %dma_start3A_68 = tpu.memref_slice %arg5[%arg0, %mul3A_66, %dma_start3A_67] : memref<2x10240x8xf32, #tpu.memory_space<hbm>> -> memref<1x640x8xf32, #tpu.memory_space<hbm>>
      %dma_start3A_69 = tpu.memref_squeeze %dma_start3A_68 : memref<1x640x8xf32, #tpu.memory_space<hbm>> -> memref<640x8xf32, #tpu.memory_space<hbm>>
      %dma_start3A_70 = arith.constant 0 : i32
      %dma_start3A_71 = tpu.memref_slice %arg12[%mul3A_64, %dma_start3A_70] : memref<10240x8xf32, #tpu.memory_space<vmem_shared>> -> memref<640x8xf32, #tpu.memory_space<vmem_shared>>
      tpu.enqueue_dma source(%dma_start3A_71 : memref<640x8xf32, #tpu.memory_space<vmem_shared>>) target(%dma_start3A_69 : memref<640x8xf32, #tpu.memory_space<hbm>>) target_semaphore(%run_scoped3A : memref<!tpu.dma_semaphore, #tpu.memory_space<semaphore_mem>>)
      %dma_wait3A_72 = arith.constant 0 : i32
      %dma_wait3A_73 = tpu.memref_slice %arg5[%arg0, %mul3A_66, %dma_wait3A_72] : memref<2x10240x8xf32, #tpu.memory_space<hbm>> -> memref<1x640x8xf32, #tpu.memory_space<hbm>>
      %dma_wait3A_74 = tpu.memref_squeeze %dma_wait3A_73 : memref<1x640x8xf32, #tpu.memory_space<hbm>> -> memref<640x8xf32, #tpu.memory_space<hbm>>
      %dma_wait3A_75 = arith.constant 0 : i32
      %dma_wait3A_76 = tpu.memref_slice %arg12[%mul3A_64, %dma_wait3A_75] : memref<10240x8xf32, #tpu.memory_space<vmem_shared>> -> memref<640x8xf32, #tpu.memory_space<vmem_shared>>
      tpu.wait_dma2 semaphore(%run_scoped3A : memref<!tpu.dma_semaphore, #tpu.memory_space<semaphore_mem>>) src(%dma_wait3A_76 : memref<640x8xf32, #tpu.memory_space<vmem_shared>>) dst(%dma_wait3A_74 : memref<640x8xf32, #tpu.memory_space<hbm>>)
      tpu.yield
    }) : () -> ()
    return
  }
}

#map = affine_map<(d0, d1) -> (0, 0)>
#map1 = affine_map<(d0, d1) -> (0, 0, 0)>
module attributes {stable_mosaic.version = 14 : i64} {
  func.func @k_prop(%arg0: i32, %arg1: i32, %arg2: memref<10000x64xf32, #tpu.memory_space<hbm>>, %arg3: memref<32x80x128xi32, #tpu.memory_space<hbm>>, %arg4: memref<32x80x128xi32, #tpu.memory_space<hbm>>, %arg5: memref<640x64xf32, #tpu.memory_space<hbm>>, %arg6: memref<2x10240x64xf32, #tpu.memory_space<hbm>>, %arg7: memref<80x128xi32, #tpu.memory_space<vmem>>, %arg8: memref<80x128xi32, #tpu.memory_space<vmem>>, %arg9: memref<128x64xf32, #tpu.memory_space<vmem>>, %arg10: memref<128x64xf32, #tpu.memory_space<vmem>>, %arg11: memref<128x64xf32, #tpu.memory_space<vmem>>, %arg12: memref<128x64xf32, #tpu.memory_space<vmem>>, %arg13: memref<!tpu.dma_semaphore, #tpu.memory_space<semaphore_mem>>, %arg14: memref<!tpu.dma_semaphore, #tpu.memory_space<semaphore_mem>>, %arg15: memref<!tpu.dma_semaphore, #tpu.memory_space<semaphore_mem>>, %arg16: memref<!tpu.dma_semaphore, #tpu.memory_space<semaphore_mem>>, %arg17: memref<10240x64xf32, #tpu.memory_space<vmem_shared>>) attributes {dimension_semantics = [#tpu.dimension_semantics<core_parallel>, #tpu.dimension_semantics<subcore_parallel>], iteration_bounds = array<i64: 2, 16>, scalar_prefetch = 0 : i64, scratch_operands = 11 : i64, tpu.core_type = #tpu.core_type<sc_vector_subcore>, window_params = [{transform_indices = #map}, {transform_indices = #map1}, {transform_indices = #map1}, {transform_indices = #map}, {transform_indices = #map1}]} {
    %mul3A = arith.constant 16 : i32
    %mul3A_0 = arith.muli %arg0, %mul3A : i32
    %add3A = arith.addi %mul3A_0, %arg1 : i32
    "tpu.region"() ({
      %run_scoped3A_70 = tpu.sem_alloc : memref<!tpu.dma_semaphore, #tpu.memory_space<semaphore_mem>>
      %dma_start3A_71 = arith.constant 0 : i32
      %dma_start3A_72 = arith.constant 0 : i32
      %dma_start3A_73 = tpu.memref_slice %arg3[%add3A, %dma_start3A_71, %dma_start3A_72] : memref<32x80x128xi32, #tpu.memory_space<hbm>> -> memref<1x80x128xi32, #tpu.memory_space<hbm>>
      %dma_start3A_74 = tpu.memref_squeeze %dma_start3A_73 : memref<1x80x128xi32, #tpu.memory_space<hbm>> -> memref<80x128xi32, #tpu.memory_space<hbm>>
      %dma_start3A_75 = arith.constant 0 : i32
      %dma_start3A_76 = arith.constant 0 : i32
      %dma_start3A_77 = tpu.memref_slice %arg3[%add3A, %dma_start3A_75, %dma_start3A_76] : memref<32x80x128xi32, #tpu.memory_space<hbm>> -> memref<1x80x128xi32, #tpu.memory_space<hbm>>
      %dma_start3A_78 = tpu.memref_squeeze %dma_start3A_77 : memref<1x80x128xi32, #tpu.memory_space<hbm>> -> memref<80x128xi32, #tpu.memory_space<hbm>>
      tpu.enqueue_dma source(%dma_start3A_78 : memref<80x128xi32, #tpu.memory_space<hbm>>) target(%arg7 : memref<80x128xi32, #tpu.memory_space<vmem>>) target_semaphore(%run_scoped3A_70 : memref<!tpu.dma_semaphore, #tpu.memory_space<semaphore_mem>>)
      %dma_wait3A_79 = arith.constant 0 : i32
      %dma_wait3A_80 = arith.constant 0 : i32
      %dma_wait3A_81 = tpu.memref_slice %arg3[%add3A, %dma_wait3A_79, %dma_wait3A_80] : memref<32x80x128xi32, #tpu.memory_space<hbm>> -> memref<1x80x128xi32, #tpu.memory_space<hbm>>
      %dma_wait3A_82 = tpu.memref_squeeze %dma_wait3A_81 : memref<1x80x128xi32, #tpu.memory_space<hbm>> -> memref<80x128xi32, #tpu.memory_space<hbm>>
      %dma_wait3A_83 = arith.constant 0 : i32
      %dma_wait3A_84 = arith.constant 0 : i32
      %dma_wait3A_85 = tpu.memref_slice %arg3[%add3A, %dma_wait3A_83, %dma_wait3A_84] : memref<32x80x128xi32, #tpu.memory_space<hbm>> -> memref<1x80x128xi32, #tpu.memory_space<hbm>>
      %dma_wait3A_86 = tpu.memref_squeeze %dma_wait3A_85 : memref<1x80x128xi32, #tpu.memory_space<hbm>> -> memref<80x128xi32, #tpu.memory_space<hbm>>
      tpu.wait_dma2 semaphore(%run_scoped3A_70 : memref<!tpu.dma_semaphore, #tpu.memory_space<semaphore_mem>>) src(%dma_wait3A_86 : memref<80x128xi32, #tpu.memory_space<hbm>>) dst(%arg7 : memref<80x128xi32, #tpu.memory_space<vmem>>)
      tpu.yield
    }) : () -> ()
    "tpu.region"() ({
      %run_scoped3A_70 = tpu.sem_alloc : memref<!tpu.dma_semaphore, #tpu.memory_space<semaphore_mem>>
      %dma_start3A_71 = arith.constant 0 : i32
      %dma_start3A_72 = arith.constant 0 : i32
      %dma_start3A_73 = tpu.memref_slice %arg4[%add3A, %dma_start3A_71, %dma_start3A_72] : memref<32x80x128xi32, #tpu.memory_space<hbm>> -> memref<1x80x128xi32, #tpu.memory_space<hbm>>
      %dma_start3A_74 = tpu.memref_squeeze %dma_start3A_73 : memref<1x80x128xi32, #tpu.memory_space<hbm>> -> memref<80x128xi32, #tpu.memory_space<hbm>>
      %dma_start3A_75 = arith.constant 0 : i32
      %dma_start3A_76 = arith.constant 0 : i32
      %dma_start3A_77 = tpu.memref_slice %arg4[%add3A, %dma_start3A_75, %dma_start3A_76] : memref<32x80x128xi32, #tpu.memory_space<hbm>> -> memref<1x80x128xi32, #tpu.memory_space<hbm>>
      %dma_start3A_78 = tpu.memref_squeeze %dma_start3A_77 : memref<1x80x128xi32, #tpu.memory_space<hbm>> -> memref<80x128xi32, #tpu.memory_space<hbm>>
      tpu.enqueue_dma source(%dma_start3A_78 : memref<80x128xi32, #tpu.memory_space<hbm>>) target(%arg8 : memref<80x128xi32, #tpu.memory_space<vmem>>) target_semaphore(%run_scoped3A_70 : memref<!tpu.dma_semaphore, #tpu.memory_space<semaphore_mem>>)
      %dma_wait3A_79 = arith.constant 0 : i32
      %dma_wait3A_80 = arith.constant 0 : i32
      %dma_wait3A_81 = tpu.memref_slice %arg4[%add3A, %dma_wait3A_79, %dma_wait3A_80] : memref<32x80x128xi32, #tpu.memory_space<hbm>> -> memref<1x80x128xi32, #tpu.memory_space<hbm>>
      %dma_wait3A_82 = tpu.memref_squeeze %dma_wait3A_81 : memref<1x80x128xi32, #tpu.memory_space<hbm>> -> memref<80x128xi32, #tpu.memory_space<hbm>>
      %dma_wait3A_83 = arith.constant 0 : i32
      %dma_wait3A_84 = arith.constant 0 : i32
      %dma_wait3A_85 = tpu.memref_slice %arg4[%add3A, %dma_wait3A_83, %dma_wait3A_84] : memref<32x80x128xi32, #tpu.memory_space<hbm>> -> memref<1x80x128xi32, #tpu.memory_space<hbm>>
      %dma_wait3A_86 = tpu.memref_squeeze %dma_wait3A_85 : memref<1x80x128xi32, #tpu.memory_space<hbm>> -> memref<80x128xi32, #tpu.memory_space<hbm>>
      tpu.wait_dma2 semaphore(%run_scoped3A_70 : memref<!tpu.dma_semaphore, #tpu.memory_space<semaphore_mem>>) src(%dma_wait3A_86 : memref<80x128xi32, #tpu.memory_space<hbm>>) dst(%arg8 : memref<80x128xi32, #tpu.memory_space<vmem>>)
      tpu.yield
    }) : () -> ()
    %mul3A_1 = arith.constant 640 : i32
    %mul3A_2 = arith.muli %arg1, %mul3A_1 : i32
    "tpu.region"() ({
      %run_scoped3A_70 = tpu.sem_alloc : memref<!tpu.dma_semaphore, #tpu.memory_space<semaphore_mem>>
      %dma_start3A_71 = arith.constant 0 : i32
      %dma_start3A_72 = tpu.memref_slice %arg17[%mul3A_2, %dma_start3A_71] : memref<10240x64xf32, #tpu.memory_space<vmem_shared>> -> memref<640x64xf32, #tpu.memory_space<vmem_shared>>
      tpu.enqueue_dma source(%arg5 : memref<640x64xf32, #tpu.memory_space<hbm>>) target(%dma_start3A_72 : memref<640x64xf32, #tpu.memory_space<vmem_shared>>) target_semaphore(%run_scoped3A_70 : memref<!tpu.dma_semaphore, #tpu.memory_space<semaphore_mem>>)
      %dma_wait3A_73 = arith.constant 0 : i32
      %dma_wait3A_74 = tpu.memref_slice %arg17[%mul3A_2, %dma_wait3A_73] : memref<10240x64xf32, #tpu.memory_space<vmem_shared>> -> memref<640x64xf32, #tpu.memory_space<vmem_shared>>
      tpu.wait_dma2 semaphore(%run_scoped3A_70 : memref<!tpu.dma_semaphore, #tpu.memory_space<semaphore_mem>>) src(%arg5 : memref<640x64xf32, #tpu.memory_space<hbm>>) dst(%dma_wait3A_74 : memref<640x64xf32, #tpu.memory_space<vmem_shared>>)
      tpu.yield
    }) : () -> ()
    %barrier3A = arith.constant 0 : index
    tpu.barrier barrier_id(%barrier3A)
    %dma_start3A = arith.constant 0 : i32
    %dma_start3A_3 = arith.constant 0 : i32
    %dma_start3A_4 = tpu.memref_slice %arg7[%dma_start3A, %dma_start3A_3] : memref<80x128xi32, #tpu.memory_space<vmem>> -> memref<1x128xi32, #tpu.memory_space<vmem>>
    %dma_start3A_5 = tpu.memref_squeeze %dma_start3A_4 : memref<1x128xi32, #tpu.memory_space<vmem>> -> memref<128xi32, #tpu.memory_space<vmem>>
    %dma_start3A_6 = arith.constant 0 : i32
    %dma_start3A_7 = arith.constant 0 : i32
    %dma_start3A_8 = tpu.memref_slice %arg2[%dma_start3A_6, %dma_start3A_7] : memref<10000x64xf32, #tpu.memory_space<hbm>> -> memref<10000x64xf32, #tpu.memory_space<hbm>>
    tpu.enqueue_indirect_dma source(%dma_start3A_8 : memref<10000x64xf32, #tpu.memory_space<hbm>>) target(%arg9 : memref<128x64xf32, #tpu.memory_space<vmem>>) offsets(%dma_start3A_5 : memref<128xi32, #tpu.memory_space<vmem>>) semaphore(%arg13 : memref<!tpu.dma_semaphore, #tpu.memory_space<semaphore_mem>>)
    %dma_start3A_9 = arith.constant 1 : i32
    %dma_start3A_10 = arith.constant 0 : i32
    %dma_start3A_11 = tpu.memref_slice %arg7[%dma_start3A_9, %dma_start3A_10] : memref<80x128xi32, #tpu.memory_space<vmem>> -> memref<1x128xi32, #tpu.memory_space<vmem>>
    %dma_start3A_12 = tpu.memref_squeeze %dma_start3A_11 : memref<1x128xi32, #tpu.memory_space<vmem>> -> memref<128xi32, #tpu.memory_space<vmem>>
    %dma_start3A_13 = arith.constant 0 : i32
    %dma_start3A_14 = arith.constant 0 : i32
    %dma_start3A_15 = tpu.memref_slice %arg2[%dma_start3A_13, %dma_start3A_14] : memref<10000x64xf32, #tpu.memory_space<hbm>> -> memref<10000x64xf32, #tpu.memory_space<hbm>>
    tpu.enqueue_indirect_dma source(%dma_start3A_15 : memref<10000x64xf32, #tpu.memory_space<hbm>>) target(%arg10 : memref<128x64xf32, #tpu.memory_space<vmem>>) offsets(%dma_start3A_12 : memref<128xi32, #tpu.memory_space<vmem>>) semaphore(%arg14 : memref<!tpu.dma_semaphore, #tpu.memory_space<semaphore_mem>>)
    %dma_start3A_16 = arith.constant 2 : i32
    %dma_start3A_17 = arith.constant 0 : i32
    %dma_start3A_18 = tpu.memref_slice %arg7[%dma_start3A_16, %dma_start3A_17] : memref<80x128xi32, #tpu.memory_space<vmem>> -> memref<1x128xi32, #tpu.memory_space<vmem>>
    %dma_start3A_19 = tpu.memref_squeeze %dma_start3A_18 : memref<1x128xi32, #tpu.memory_space<vmem>> -> memref<128xi32, #tpu.memory_space<vmem>>
    %dma_start3A_20 = arith.constant 0 : i32
    %dma_start3A_21 = arith.constant 0 : i32
    %dma_start3A_22 = tpu.memref_slice %arg2[%dma_start3A_20, %dma_start3A_21] : memref<10000x64xf32, #tpu.memory_space<hbm>> -> memref<10000x64xf32, #tpu.memory_space<hbm>>
    tpu.enqueue_indirect_dma source(%dma_start3A_22 : memref<10000x64xf32, #tpu.memory_space<hbm>>) target(%arg11 : memref<128x64xf32, #tpu.memory_space<vmem>>) offsets(%dma_start3A_19 : memref<128xi32, #tpu.memory_space<vmem>>) semaphore(%arg15 : memref<!tpu.dma_semaphore, #tpu.memory_space<semaphore_mem>>)
    %dma_start3A_23 = arith.constant 3 : i32
    %dma_start3A_24 = arith.constant 0 : i32
    %dma_start3A_25 = tpu.memref_slice %arg7[%dma_start3A_23, %dma_start3A_24] : memref<80x128xi32, #tpu.memory_space<vmem>> -> memref<1x128xi32, #tpu.memory_space<vmem>>
    %dma_start3A_26 = tpu.memref_squeeze %dma_start3A_25 : memref<1x128xi32, #tpu.memory_space<vmem>> -> memref<128xi32, #tpu.memory_space<vmem>>
    %dma_start3A_27 = arith.constant 0 : i32
    %dma_start3A_28 = arith.constant 0 : i32
    %dma_start3A_29 = tpu.memref_slice %arg2[%dma_start3A_27, %dma_start3A_28] : memref<10000x64xf32, #tpu.memory_space<hbm>> -> memref<10000x64xf32, #tpu.memory_space<hbm>>
    tpu.enqueue_indirect_dma source(%dma_start3A_29 : memref<10000x64xf32, #tpu.memory_space<hbm>>) target(%arg12 : memref<128x64xf32, #tpu.memory_space<vmem>>) offsets(%dma_start3A_26 : memref<128xi32, #tpu.memory_space<vmem>>) semaphore(%arg16 : memref<!tpu.dma_semaphore, #tpu.memory_space<semaphore_mem>>)
    %scan3A = arith.constant 0 : i32
    %scan3A_30 = arith.constant 0 : i32
    %scan3A_31 = arith.constant 19 : i32
    %scan3A_32 = arith.addi %scan3A_30, %scan3A_31 : i32
    %scan3A_33 = arith.constant 1 : i32
    scf.for %scan3A_70 = %scan3A_30 to %scan3A_32 step %scan3A_33  : i32 {
      %mul3A_71 = arith.constant 4 : i32
      %mul3A_72 = arith.muli %scan3A_70, %mul3A_71 : i32
      %add3A_73 = arith.constant 0 : i32
      %add3A_74 = arith.addi %mul3A_72, %add3A_73 : i32
      %dma_wait3A_75 = arith.constant 0 : i32
      %dma_wait3A_76 = tpu.memref_slice %arg7[%add3A_74, %dma_wait3A_75] : memref<80x128xi32, #tpu.memory_space<vmem>> -> memref<1x128xi32, #tpu.memory_space<vmem>>
      %dma_wait3A_77 = tpu.memref_squeeze %dma_wait3A_76 : memref<1x128xi32, #tpu.memory_space<vmem>> -> memref<128xi32, #tpu.memory_space<vmem>>
      %dma_wait3A_78 = arith.constant 0 : i32
      %dma_wait3A_79 = arith.constant 0 : i32
      %dma_wait3A_80 = tpu.memref_slice %arg2[%dma_wait3A_78, %dma_wait3A_79] : memref<10000x64xf32, #tpu.memory_space<hbm>> -> memref<10000x64xf32, #tpu.memory_space<hbm>>
      tpu.wait_indirect_dma semaphore(%arg13 : memref<!tpu.dma_semaphore, #tpu.memory_space<semaphore_mem>>) src(%dma_wait3A_80 : memref<10000x64xf32, #tpu.memory_space<hbm>>) dst(%arg9 : memref<128x64xf32, #tpu.memory_space<vmem>>)
      "tpu.region"() ({
        %run_scoped3A_143 = tpu.sem_alloc : memref<!tpu.dma_semaphore, #tpu.memory_space<semaphore_mem>>
        %dma_start3A_144 = arith.constant 0 : i32
        %dma_start3A_145 = tpu.memref_slice %arg8[%add3A_74, %dma_start3A_144] : memref<80x128xi32, #tpu.memory_space<vmem>> -> memref<1x128xi32, #tpu.memory_space<vmem>>
        %dma_start3A_146 = tpu.memref_squeeze %dma_start3A_145 : memref<1x128xi32, #tpu.memory_space<vmem>> -> memref<128xi32, #tpu.memory_space<vmem>>
        %dma_start3A_147 = arith.constant 0 : i32
        %dma_start3A_148 = arith.constant 0 : i32
        %dma_start3A_149 = tpu.memref_slice %arg17[%dma_start3A_147, %dma_start3A_148] : memref<10240x64xf32, #tpu.memory_space<vmem_shared>> -> memref<10240x64xf32, #tpu.memory_space<vmem_shared>>
        tpu.enqueue_indirect_dma source(%arg9 : memref<128x64xf32, #tpu.memory_space<vmem>>) target(%dma_start3A_149 : memref<10240x64xf32, #tpu.memory_space<vmem_shared>>) offsets(%dma_start3A_146 : memref<128xi32, #tpu.memory_space<vmem>>) semaphore(%run_scoped3A_143 : memref<!tpu.dma_semaphore, #tpu.memory_space<semaphore_mem>>) {add = true}
        %dma_wait3A_150 = arith.constant 0 : i32
        %dma_wait3A_151 = tpu.memref_slice %arg8[%add3A_74, %dma_wait3A_150] : memref<80x128xi32, #tpu.memory_space<vmem>> -> memref<1x128xi32, #tpu.memory_space<vmem>>
        %dma_wait3A_152 = tpu.memref_squeeze %dma_wait3A_151 : memref<1x128xi32, #tpu.memory_space<vmem>> -> memref<128xi32, #tpu.memory_space<vmem>>
        %dma_wait3A_153 = arith.constant 0 : i32
        %dma_wait3A_154 = arith.constant 0 : i32
        %dma_wait3A_155 = tpu.memref_slice %arg17[%dma_wait3A_153, %dma_wait3A_154] : memref<10240x64xf32, #tpu.memory_space<vmem_shared>> -> memref<10240x64xf32, #tpu.memory_space<vmem_shared>>
        tpu.wait_indirect_dma semaphore(%run_scoped3A_143 : memref<!tpu.dma_semaphore, #tpu.memory_space<semaphore_mem>>) src(%arg9 : memref<128x64xf32, #tpu.memory_space<vmem>>) dst(%dma_wait3A_155 : memref<10240x64xf32, #tpu.memory_space<vmem_shared>>)
        tpu.yield
      }) : () -> ()
      %add3A_81 = arith.constant 4 : i32
      %add3A_82 = arith.addi %add3A_74, %add3A_81 : i32
      %dma_start3A_83 = arith.constant 0 : i32
      %dma_start3A_84 = tpu.memref_slice %arg7[%add3A_82, %dma_start3A_83] : memref<80x128xi32, #tpu.memory_space<vmem>> -> memref<1x128xi32, #tpu.memory_space<vmem>>
      %dma_start3A_85 = tpu.memref_squeeze %dma_start3A_84 : memref<1x128xi32, #tpu.memory_space<vmem>> -> memref<128xi32, #tpu.memory_space<vmem>>
      %dma_start3A_86 = arith.constant 0 : i32
      %dma_start3A_87 = arith.constant 0 : i32
      %dma_start3A_88 = tpu.memref_slice %arg2[%dma_start3A_86, %dma_start3A_87] : memref<10000x64xf32, #tpu.memory_space<hbm>> -> memref<10000x64xf32, #tpu.memory_space<hbm>>
      tpu.enqueue_indirect_dma source(%dma_start3A_88 : memref<10000x64xf32, #tpu.memory_space<hbm>>) target(%arg9 : memref<128x64xf32, #tpu.memory_space<vmem>>) offsets(%dma_start3A_85 : memref<128xi32, #tpu.memory_space<vmem>>) semaphore(%arg13 : memref<!tpu.dma_semaphore, #tpu.memory_space<semaphore_mem>>)
      %mul3A_89 = arith.constant 4 : i32
      %mul3A_90 = arith.muli %scan3A_70, %mul3A_89 : i32
      %add3A_91 = arith.constant 1 : i32
      %add3A_92 = arith.addi %mul3A_90, %add3A_91 : i32
      %dma_wait3A_93 = arith.constant 0 : i32
      %dma_wait3A_94 = tpu.memref_slice %arg7[%add3A_92, %dma_wait3A_93] : memref<80x128xi32, #tpu.memory_space<vmem>> -> memref<1x128xi32, #tpu.memory_space<vmem>>
      %dma_wait3A_95 = tpu.memref_squeeze %dma_wait3A_94 : memref<1x128xi32, #tpu.memory_space<vmem>> -> memref<128xi32, #tpu.memory_space<vmem>>
      %dma_wait3A_96 = arith.constant 0 : i32
      %dma_wait3A_97 = arith.constant 0 : i32
      %dma_wait3A_98 = tpu.memref_slice %arg2[%dma_wait3A_96, %dma_wait3A_97] : memref<10000x64xf32, #tpu.memory_space<hbm>> -> memref<10000x64xf32, #tpu.memory_space<hbm>>
      tpu.wait_indirect_dma semaphore(%arg14 : memref<!tpu.dma_semaphore, #tpu.memory_space<semaphore_mem>>) src(%dma_wait3A_98 : memref<10000x64xf32, #tpu.memory_space<hbm>>) dst(%arg10 : memref<128x64xf32, #tpu.memory_space<vmem>>)
      "tpu.region"() ({
        %run_scoped3A_143 = tpu.sem_alloc : memref<!tpu.dma_semaphore, #tpu.memory_space<semaphore_mem>>
        %dma_start3A_144 = arith.constant 0 : i32
        %dma_start3A_145 = tpu.memref_slice %arg8[%add3A_92, %dma_start3A_144] : memref<80x128xi32, #tpu.memory_space<vmem>> -> memref<1x128xi32, #tpu.memory_space<vmem>>
        %dma_start3A_146 = tpu.memref_squeeze %dma_start3A_145 : memref<1x128xi32, #tpu.memory_space<vmem>> -> memref<128xi32, #tpu.memory_space<vmem>>
        %dma_start3A_147 = arith.constant 0 : i32
        %dma_start3A_148 = arith.constant 0 : i32
        %dma_start3A_149 = tpu.memref_slice %arg17[%dma_start3A_147, %dma_start3A_148] : memref<10240x64xf32, #tpu.memory_space<vmem_shared>> -> memref<10240x64xf32, #tpu.memory_space<vmem_shared>>
        tpu.enqueue_indirect_dma source(%arg10 : memref<128x64xf32, #tpu.memory_space<vmem>>) target(%dma_start3A_149 : memref<10240x64xf32, #tpu.memory_space<vmem_shared>>) offsets(%dma_start3A_146 : memref<128xi32, #tpu.memory_space<vmem>>) semaphore(%run_scoped3A_143 : memref<!tpu.dma_semaphore, #tpu.memory_space<semaphore_mem>>) {add = true}
        %dma_wait3A_150 = arith.constant 0 : i32
        %dma_wait3A_151 = tpu.memref_slice %arg8[%add3A_92, %dma_wait3A_150] : memref<80x128xi32, #tpu.memory_space<vmem>> -> memref<1x128xi32, #tpu.memory_space<vmem>>
        %dma_wait3A_152 = tpu.memref_squeeze %dma_wait3A_151 : memref<1x128xi32, #tpu.memory_space<vmem>> -> memref<128xi32, #tpu.memory_space<vmem>>
        %dma_wait3A_153 = arith.constant 0 : i32
        %dma_wait3A_154 = arith.constant 0 : i32
        %dma_wait3A_155 = tpu.memref_slice %arg17[%dma_wait3A_153, %dma_wait3A_154] : memref<10240x64xf32, #tpu.memory_space<vmem_shared>> -> memref<10240x64xf32, #tpu.memory_space<vmem_shared>>
        tpu.wait_indirect_dma semaphore(%run_scoped3A_143 : memref<!tpu.dma_semaphore, #tpu.memory_space<semaphore_mem>>) src(%arg10 : memref<128x64xf32, #tpu.memory_space<vmem>>) dst(%dma_wait3A_155 : memref<10240x64xf32, #tpu.memory_space<vmem_shared>>)
        tpu.yield
      }) : () -> ()
      %add3A_99 = arith.constant 4 : i32
      %add3A_100 = arith.addi %add3A_92, %add3A_99 : i32
      %dma_start3A_101 = arith.constant 0 : i32
      %dma_start3A_102 = tpu.memref_slice %arg7[%add3A_100, %dma_start3A_101] : memref<80x128xi32, #tpu.memory_space<vmem>> -> memref<1x128xi32, #tpu.memory_space<vmem>>
      %dma_start3A_103 = tpu.memref_squeeze %dma_start3A_102 : memref<1x128xi32, #tpu.memory_space<vmem>> -> memref<128xi32, #tpu.memory_space<vmem>>
      %dma_start3A_104 = arith.constant 0 : i32
      %dma_start3A_105 = arith.constant 0 : i32
      %dma_start3A_106 = tpu.memref_slice %arg2[%dma_start3A_104, %dma_start3A_105] : memref<10000x64xf32, #tpu.memory_space<hbm>> -> memref<10000x64xf32, #tpu.memory_space<hbm>>
      tpu.enqueue_indirect_dma source(%dma_start3A_106 : memref<10000x64xf32, #tpu.memory_space<hbm>>) target(%arg10 : memref<128x64xf32, #tpu.memory_space<vmem>>) offsets(%dma_start3A_103 : memref<128xi32, #tpu.memory_space<vmem>>) semaphore(%arg14 : memref<!tpu.dma_semaphore, #tpu.memory_space<semaphore_mem>>)
      %mul3A_107 = arith.constant 4 : i32
      %mul3A_108 = arith.muli %scan3A_70, %mul3A_107 : i32
      %add3A_109 = arith.constant 2 : i32
      %add3A_110 = arith.addi %mul3A_108, %add3A_109 : i32
      %dma_wait3A_111 = arith.constant 0 : i32
      %dma_wait3A_112 = tpu.memref_slice %arg7[%add3A_110, %dma_wait3A_111] : memref<80x128xi32, #tpu.memory_space<vmem>> -> memref<1x128xi32, #tpu.memory_space<vmem>>
      %dma_wait3A_113 = tpu.memref_squeeze %dma_wait3A_112 : memref<1x128xi32, #tpu.memory_space<vmem>> -> memref<128xi32, #tpu.memory_space<vmem>>
      %dma_wait3A_114 = arith.constant 0 : i32
      %dma_wait3A_115 = arith.constant 0 : i32
      %dma_wait3A_116 = tpu.memref_slice %arg2[%dma_wait3A_114, %dma_wait3A_115] : memref<10000x64xf32, #tpu.memory_space<hbm>> -> memref<10000x64xf32, #tpu.memory_space<hbm>>
      tpu.wait_indirect_dma semaphore(%arg15 : memref<!tpu.dma_semaphore, #tpu.memory_space<semaphore_mem>>) src(%dma_wait3A_116 : memref<10000x64xf32, #tpu.memory_space<hbm>>) dst(%arg11 : memref<128x64xf32, #tpu.memory_space<vmem>>)
      "tpu.region"() ({
        %run_scoped3A_143 = tpu.sem_alloc : memref<!tpu.dma_semaphore, #tpu.memory_space<semaphore_mem>>
        %dma_start3A_144 = arith.constant 0 : i32
        %dma_start3A_145 = tpu.memref_slice %arg8[%add3A_110, %dma_start3A_144] : memref<80x128xi32, #tpu.memory_space<vmem>> -> memref<1x128xi32, #tpu.memory_space<vmem>>
        %dma_start3A_146 = tpu.memref_squeeze %dma_start3A_145 : memref<1x128xi32, #tpu.memory_space<vmem>> -> memref<128xi32, #tpu.memory_space<vmem>>
        %dma_start3A_147 = arith.constant 0 : i32
        %dma_start3A_148 = arith.constant 0 : i32
        %dma_start3A_149 = tpu.memref_slice %arg17[%dma_start3A_147, %dma_start3A_148] : memref<10240x64xf32, #tpu.memory_space<vmem_shared>> -> memref<10240x64xf32, #tpu.memory_space<vmem_shared>>
        tpu.enqueue_indirect_dma source(%arg11 : memref<128x64xf32, #tpu.memory_space<vmem>>) target(%dma_start3A_149 : memref<10240x64xf32, #tpu.memory_space<vmem_shared>>) offsets(%dma_start3A_146 : memref<128xi32, #tpu.memory_space<vmem>>) semaphore(%run_scoped3A_143 : memref<!tpu.dma_semaphore, #tpu.memory_space<semaphore_mem>>) {add = true}
        %dma_wait3A_150 = arith.constant 0 : i32
        %dma_wait3A_151 = tpu.memref_slice %arg8[%add3A_110, %dma_wait3A_150] : memref<80x128xi32, #tpu.memory_space<vmem>> -> memref<1x128xi32, #tpu.memory_space<vmem>>
        %dma_wait3A_152 = tpu.memref_squeeze %dma_wait3A_151 : memref<1x128xi32, #tpu.memory_space<vmem>> -> memref<128xi32, #tpu.memory_space<vmem>>
        %dma_wait3A_153 = arith.constant 0 : i32
        %dma_wait3A_154 = arith.constant 0 : i32
        %dma_wait3A_155 = tpu.memref_slice %arg17[%dma_wait3A_153, %dma_wait3A_154] : memref<10240x64xf32, #tpu.memory_space<vmem_shared>> -> memref<10240x64xf32, #tpu.memory_space<vmem_shared>>
        tpu.wait_indirect_dma semaphore(%run_scoped3A_143 : memref<!tpu.dma_semaphore, #tpu.memory_space<semaphore_mem>>) src(%arg11 : memref<128x64xf32, #tpu.memory_space<vmem>>) dst(%dma_wait3A_155 : memref<10240x64xf32, #tpu.memory_space<vmem_shared>>)
        tpu.yield
      }) : () -> ()
      %add3A_117 = arith.constant 4 : i32
      %add3A_118 = arith.addi %add3A_110, %add3A_117 : i32
      %dma_start3A_119 = arith.constant 0 : i32
      %dma_start3A_120 = tpu.memref_slice %arg7[%add3A_118, %dma_start3A_119] : memref<80x128xi32, #tpu.memory_space<vmem>> -> memref<1x128xi32, #tpu.memory_space<vmem>>
      %dma_start3A_121 = tpu.memref_squeeze %dma_start3A_120 : memref<1x128xi32, #tpu.memory_space<vmem>> -> memref<128xi32, #tpu.memory_space<vmem>>
      %dma_start3A_122 = arith.constant 0 : i32
      %dma_start3A_123 = arith.constant 0 : i32
      %dma_start3A_124 = tpu.memref_slice %arg2[%dma_start3A_122, %dma_start3A_123] : memref<10000x64xf32, #tpu.memory_space<hbm>> -> memref<10000x64xf32, #tpu.memory_space<hbm>>
      tpu.enqueue_indirect_dma source(%dma_start3A_124 : memref<10000x64xf32, #tpu.memory_space<hbm>>) target(%arg11 : memref<128x64xf32, #tpu.memory_space<vmem>>) offsets(%dma_start3A_121 : memref<128xi32, #tpu.memory_space<vmem>>) semaphore(%arg15 : memref<!tpu.dma_semaphore, #tpu.memory_space<semaphore_mem>>)
      %mul3A_125 = arith.constant 4 : i32
      %mul3A_126 = arith.muli %scan3A_70, %mul3A_125 : i32
      %add3A_127 = arith.constant 3 : i32
      %add3A_128 = arith.addi %mul3A_126, %add3A_127 : i32
      %dma_wait3A_129 = arith.constant 0 : i32
      %dma_wait3A_130 = tpu.memref_slice %arg7[%add3A_128, %dma_wait3A_129] : memref<80x128xi32, #tpu.memory_space<vmem>> -> memref<1x128xi32, #tpu.memory_space<vmem>>
      %dma_wait3A_131 = tpu.memref_squeeze %dma_wait3A_130 : memref<1x128xi32, #tpu.memory_space<vmem>> -> memref<128xi32, #tpu.memory_space<vmem>>
      %dma_wait3A_132 = arith.constant 0 : i32
      %dma_wait3A_133 = arith.constant 0 : i32
      %dma_wait3A_134 = tpu.memref_slice %arg2[%dma_wait3A_132, %dma_wait3A_133] : memref<10000x64xf32, #tpu.memory_space<hbm>> -> memref<10000x64xf32, #tpu.memory_space<hbm>>
      tpu.wait_indirect_dma semaphore(%arg16 : memref<!tpu.dma_semaphore, #tpu.memory_space<semaphore_mem>>) src(%dma_wait3A_134 : memref<10000x64xf32, #tpu.memory_space<hbm>>) dst(%arg12 : memref<128x64xf32, #tpu.memory_space<vmem>>)
      "tpu.region"() ({
        %run_scoped3A_143 = tpu.sem_alloc : memref<!tpu.dma_semaphore, #tpu.memory_space<semaphore_mem>>
        %dma_start3A_144 = arith.constant 0 : i32
        %dma_start3A_145 = tpu.memref_slice %arg8[%add3A_128, %dma_start3A_144] : memref<80x128xi32, #tpu.memory_space<vmem>> -> memref<1x128xi32, #tpu.memory_space<vmem>>
        %dma_start3A_146 = tpu.memref_squeeze %dma_start3A_145 : memref<1x128xi32, #tpu.memory_space<vmem>> -> memref<128xi32, #tpu.memory_space<vmem>>
        %dma_start3A_147 = arith.constant 0 : i32
        %dma_start3A_148 = arith.constant 0 : i32
        %dma_start3A_149 = tpu.memref_slice %arg17[%dma_start3A_147, %dma_start3A_148] : memref<10240x64xf32, #tpu.memory_space<vmem_shared>> -> memref<10240x64xf32, #tpu.memory_space<vmem_shared>>
        tpu.enqueue_indirect_dma source(%arg12 : memref<128x64xf32, #tpu.memory_space<vmem>>) target(%dma_start3A_149 : memref<10240x64xf32, #tpu.memory_space<vmem_shared>>) offsets(%dma_start3A_146 : memref<128xi32, #tpu.memory_space<vmem>>) semaphore(%run_scoped3A_143 : memref<!tpu.dma_semaphore, #tpu.memory_space<semaphore_mem>>) {add = true}
        %dma_wait3A_150 = arith.constant 0 : i32
        %dma_wait3A_151 = tpu.memref_slice %arg8[%add3A_128, %dma_wait3A_150] : memref<80x128xi32, #tpu.memory_space<vmem>> -> memref<1x128xi32, #tpu.memory_space<vmem>>
        %dma_wait3A_152 = tpu.memref_squeeze %dma_wait3A_151 : memref<1x128xi32, #tpu.memory_space<vmem>> -> memref<128xi32, #tpu.memory_space<vmem>>
        %dma_wait3A_153 = arith.constant 0 : i32
        %dma_wait3A_154 = arith.constant 0 : i32
        %dma_wait3A_155 = tpu.memref_slice %arg17[%dma_wait3A_153, %dma_wait3A_154] : memref<10240x64xf32, #tpu.memory_space<vmem_shared>> -> memref<10240x64xf32, #tpu.memory_space<vmem_shared>>
        tpu.wait_indirect_dma semaphore(%run_scoped3A_143 : memref<!tpu.dma_semaphore, #tpu.memory_space<semaphore_mem>>) src(%arg12 : memref<128x64xf32, #tpu.memory_space<vmem>>) dst(%dma_wait3A_155 : memref<10240x64xf32, #tpu.memory_space<vmem_shared>>)
        tpu.yield
      }) : () -> ()
      %add3A_135 = arith.constant 4 : i32
      %add3A_136 = arith.addi %add3A_128, %add3A_135 : i32
      %dma_start3A_137 = arith.constant 0 : i32
      %dma_start3A_138 = tpu.memref_slice %arg7[%add3A_136, %dma_start3A_137] : memref<80x128xi32, #tpu.memory_space<vmem>> -> memref<1x128xi32, #tpu.memory_space<vmem>>
      %dma_start3A_139 = tpu.memref_squeeze %dma_start3A_138 : memref<1x128xi32, #tpu.memory_space<vmem>> -> memref<128xi32, #tpu.memory_space<vmem>>
      %dma_start3A_140 = arith.constant 0 : i32
      %dma_start3A_141 = arith.constant 0 : i32
      %dma_start3A_142 = tpu.memref_slice %arg2[%dma_start3A_140, %dma_start3A_141] : memref<10000x64xf32, #tpu.memory_space<hbm>> -> memref<10000x64xf32, #tpu.memory_space<hbm>>
      tpu.enqueue_indirect_dma source(%dma_start3A_142 : memref<10000x64xf32, #tpu.memory_space<hbm>>) target(%arg12 : memref<128x64xf32, #tpu.memory_space<vmem>>) offsets(%dma_start3A_139 : memref<128xi32, #tpu.memory_space<vmem>>) semaphore(%arg16 : memref<!tpu.dma_semaphore, #tpu.memory_space<semaphore_mem>>)
    }
    %scan3A_34 = arith.constant 19 : i32
    %dma_wait3A = arith.constant 76 : i32
    %dma_wait3A_35 = arith.constant 0 : i32
    %dma_wait3A_36 = tpu.memref_slice %arg7[%dma_wait3A, %dma_wait3A_35] : memref<80x128xi32, #tpu.memory_space<vmem>> -> memref<1x128xi32, #tpu.memory_space<vmem>>
    %dma_wait3A_37 = tpu.memref_squeeze %dma_wait3A_36 : memref<1x128xi32, #tpu.memory_space<vmem>> -> memref<128xi32, #tpu.memory_space<vmem>>
    %dma_wait3A_38 = arith.constant 0 : i32
    %dma_wait3A_39 = arith.constant 0 : i32
    %dma_wait3A_40 = tpu.memref_slice %arg2[%dma_wait3A_38, %dma_wait3A_39] : memref<10000x64xf32, #tpu.memory_space<hbm>> -> memref<10000x64xf32, #tpu.memory_space<hbm>>
    tpu.wait_indirect_dma semaphore(%arg13 : memref<!tpu.dma_semaphore, #tpu.memory_space<semaphore_mem>>) src(%dma_wait3A_40 : memref<10000x64xf32, #tpu.memory_space<hbm>>) dst(%arg9 : memref<128x64xf32, #tpu.memory_space<vmem>>)
    %run_scoped3A = arith.constant 76 : i32
    "tpu.region"() ({
      %run_scoped3A_70 = tpu.sem_alloc : memref<!tpu.dma_semaphore, #tpu.memory_space<semaphore_mem>>
      %dma_start3A_71 = arith.constant 0 : i32
      %dma_start3A_72 = tpu.memref_slice %arg8[%run_scoped3A, %dma_start3A_71] : memref<80x128xi32, #tpu.memory_space<vmem>> -> memref<1x128xi32, #tpu.memory_space<vmem>>
      %dma_start3A_73 = tpu.memref_squeeze %dma_start3A_72 : memref<1x128xi32, #tpu.memory_space<vmem>> -> memref<128xi32, #tpu.memory_space<vmem>>
      %dma_start3A_74 = arith.constant 0 : i32
      %dma_start3A_75 = arith.constant 0 : i32
      %dma_start3A_76 = tpu.memref_slice %arg17[%dma_start3A_74, %dma_start3A_75] : memref<10240x64xf32, #tpu.memory_space<vmem_shared>> -> memref<10240x64xf32, #tpu.memory_space<vmem_shared>>
      tpu.enqueue_indirect_dma source(%arg9 : memref<128x64xf32, #tpu.memory_space<vmem>>) target(%dma_start3A_76 : memref<10240x64xf32, #tpu.memory_space<vmem_shared>>) offsets(%dma_start3A_73 : memref<128xi32, #tpu.memory_space<vmem>>) semaphore(%run_scoped3A_70 : memref<!tpu.dma_semaphore, #tpu.memory_space<semaphore_mem>>) {add = true}
      %dma_wait3A_77 = arith.constant 0 : i32
      %dma_wait3A_78 = tpu.memref_slice %arg8[%run_scoped3A, %dma_wait3A_77] : memref<80x128xi32, #tpu.memory_space<vmem>> -> memref<1x128xi32, #tpu.memory_space<vmem>>
      %dma_wait3A_79 = tpu.memref_squeeze %dma_wait3A_78 : memref<1x128xi32, #tpu.memory_space<vmem>> -> memref<128xi32, #tpu.memory_space<vmem>>
      %dma_wait3A_80 = arith.constant 0 : i32
      %dma_wait3A_81 = arith.constant 0 : i32
      %dma_wait3A_82 = tpu.memref_slice %arg17[%dma_wait3A_80, %dma_wait3A_81] : memref<10240x64xf32, #tpu.memory_space<vmem_shared>> -> memref<10240x64xf32, #tpu.memory_space<vmem_shared>>
      tpu.wait_indirect_dma semaphore(%run_scoped3A_70 : memref<!tpu.dma_semaphore, #tpu.memory_space<semaphore_mem>>) src(%arg9 : memref<128x64xf32, #tpu.memory_space<vmem>>) dst(%dma_wait3A_82 : memref<10240x64xf32, #tpu.memory_space<vmem_shared>>)
      tpu.yield
    }) : () -> ()
    %dma_wait3A_41 = arith.constant 77 : i32
    %dma_wait3A_42 = arith.constant 0 : i32
    %dma_wait3A_43 = tpu.memref_slice %arg7[%dma_wait3A_41, %dma_wait3A_42] : memref<80x128xi32, #tpu.memory_space<vmem>> -> memref<1x128xi32, #tpu.memory_space<vmem>>
    %dma_wait3A_44 = tpu.memref_squeeze %dma_wait3A_43 : memref<1x128xi32, #tpu.memory_space<vmem>> -> memref<128xi32, #tpu.memory_space<vmem>>
    %dma_wait3A_45 = arith.constant 0 : i32
    %dma_wait3A_46 = arith.constant 0 : i32
    %dma_wait3A_47 = tpu.memref_slice %arg2[%dma_wait3A_45, %dma_wait3A_46] : memref<10000x64xf32, #tpu.memory_space<hbm>> -> memref<10000x64xf32, #tpu.memory_space<hbm>>
    tpu.wait_indirect_dma semaphore(%arg14 : memref<!tpu.dma_semaphore, #tpu.memory_space<semaphore_mem>>) src(%dma_wait3A_47 : memref<10000x64xf32, #tpu.memory_space<hbm>>) dst(%arg10 : memref<128x64xf32, #tpu.memory_space<vmem>>)
    %run_scoped3A_48 = arith.constant 77 : i32
    "tpu.region"() ({
      %run_scoped3A_70 = tpu.sem_alloc : memref<!tpu.dma_semaphore, #tpu.memory_space<semaphore_mem>>
      %dma_start3A_71 = arith.constant 0 : i32
      %dma_start3A_72 = tpu.memref_slice %arg8[%run_scoped3A_48, %dma_start3A_71] : memref<80x128xi32, #tpu.memory_space<vmem>> -> memref<1x128xi32, #tpu.memory_space<vmem>>
      %dma_start3A_73 = tpu.memref_squeeze %dma_start3A_72 : memref<1x128xi32, #tpu.memory_space<vmem>> -> memref<128xi32, #tpu.memory_space<vmem>>
      %dma_start3A_74 = arith.constant 0 : i32
      %dma_start3A_75 = arith.constant 0 : i32
      %dma_start3A_76 = tpu.memref_slice %arg17[%dma_start3A_74, %dma_start3A_75] : memref<10240x64xf32, #tpu.memory_space<vmem_shared>> -> memref<10240x64xf32, #tpu.memory_space<vmem_shared>>
      tpu.enqueue_indirect_dma source(%arg10 : memref<128x64xf32, #tpu.memory_space<vmem>>) target(%dma_start3A_76 : memref<10240x64xf32, #tpu.memory_space<vmem_shared>>) offsets(%dma_start3A_73 : memref<128xi32, #tpu.memory_space<vmem>>) semaphore(%run_scoped3A_70 : memref<!tpu.dma_semaphore, #tpu.memory_space<semaphore_mem>>) {add = true}
      %dma_wait3A_77 = arith.constant 0 : i32
      %dma_wait3A_78 = tpu.memref_slice %arg8[%run_scoped3A_48, %dma_wait3A_77] : memref<80x128xi32, #tpu.memory_space<vmem>> -> memref<1x128xi32, #tpu.memory_space<vmem>>
      %dma_wait3A_79 = tpu.memref_squeeze %dma_wait3A_78 : memref<1x128xi32, #tpu.memory_space<vmem>> -> memref<128xi32, #tpu.memory_space<vmem>>
      %dma_wait3A_80 = arith.constant 0 : i32
      %dma_wait3A_81 = arith.constant 0 : i32
      %dma_wait3A_82 = tpu.memref_slice %arg17[%dma_wait3A_80, %dma_wait3A_81] : memref<10240x64xf32, #tpu.memory_space<vmem_shared>> -> memref<10240x64xf32, #tpu.memory_space<vmem_shared>>
      tpu.wait_indirect_dma semaphore(%run_scoped3A_70 : memref<!tpu.dma_semaphore, #tpu.memory_space<semaphore_mem>>) src(%arg10 : memref<128x64xf32, #tpu.memory_space<vmem>>) dst(%dma_wait3A_82 : memref<10240x64xf32, #tpu.memory_space<vmem_shared>>)
      tpu.yield
    }) : () -> ()
    %dma_wait3A_49 = arith.constant 78 : i32
    %dma_wait3A_50 = arith.constant 0 : i32
    %dma_wait3A_51 = tpu.memref_slice %arg7[%dma_wait3A_49, %dma_wait3A_50] : memref<80x128xi32, #tpu.memory_space<vmem>> -> memref<1x128xi32, #tpu.memory_space<vmem>>
    %dma_wait3A_52 = tpu.memref_squeeze %dma_wait3A_51 : memref<1x128xi32, #tpu.memory_space<vmem>> -> memref<128xi32, #tpu.memory_space<vmem>>
    %dma_wait3A_53 = arith.constant 0 : i32
    %dma_wait3A_54 = arith.constant 0 : i32
    %dma_wait3A_55 = tpu.memref_slice %arg2[%dma_wait3A_53, %dma_wait3A_54] : memref<10000x64xf32, #tpu.memory_space<hbm>> -> memref<10000x64xf32, #tpu.memory_space<hbm>>
    tpu.wait_indirect_dma semaphore(%arg15 : memref<!tpu.dma_semaphore, #tpu.memory_space<semaphore_mem>>) src(%dma_wait3A_55 : memref<10000x64xf32, #tpu.memory_space<hbm>>) dst(%arg11 : memref<128x64xf32, #tpu.memory_space<vmem>>)
    %run_scoped3A_56 = arith.constant 78 : i32
    "tpu.region"() ({
      %run_scoped3A_70 = tpu.sem_alloc : memref<!tpu.dma_semaphore, #tpu.memory_space<semaphore_mem>>
      %dma_start3A_71 = arith.constant 0 : i32
      %dma_start3A_72 = tpu.memref_slice %arg8[%run_scoped3A_56, %dma_start3A_71] : memref<80x128xi32, #tpu.memory_space<vmem>> -> memref<1x128xi32, #tpu.memory_space<vmem>>
      %dma_start3A_73 = tpu.memref_squeeze %dma_start3A_72 : memref<1x128xi32, #tpu.memory_space<vmem>> -> memref<128xi32, #tpu.memory_space<vmem>>
      %dma_start3A_74 = arith.constant 0 : i32
      %dma_start3A_75 = arith.constant 0 : i32
      %dma_start3A_76 = tpu.memref_slice %arg17[%dma_start3A_74, %dma_start3A_75] : memref<10240x64xf32, #tpu.memory_space<vmem_shared>> -> memref<10240x64xf32, #tpu.memory_space<vmem_shared>>
      tpu.enqueue_indirect_dma source(%arg11 : memref<128x64xf32, #tpu.memory_space<vmem>>) target(%dma_start3A_76 : memref<10240x64xf32, #tpu.memory_space<vmem_shared>>) offsets(%dma_start3A_73 : memref<128xi32, #tpu.memory_space<vmem>>) semaphore(%run_scoped3A_70 : memref<!tpu.dma_semaphore, #tpu.memory_space<semaphore_mem>>) {add = true}
      %dma_wait3A_77 = arith.constant 0 : i32
      %dma_wait3A_78 = tpu.memref_slice %arg8[%run_scoped3A_56, %dma_wait3A_77] : memref<80x128xi32, #tpu.memory_space<vmem>> -> memref<1x128xi32, #tpu.memory_space<vmem>>
      %dma_wait3A_79 = tpu.memref_squeeze %dma_wait3A_78 : memref<1x128xi32, #tpu.memory_space<vmem>> -> memref<128xi32, #tpu.memory_space<vmem>>
      %dma_wait3A_80 = arith.constant 0 : i32
      %dma_wait3A_81 = arith.constant 0 : i32
      %dma_wait3A_82 = tpu.memref_slice %arg17[%dma_wait3A_80, %dma_wait3A_81] : memref<10240x64xf32, #tpu.memory_space<vmem_shared>> -> memref<10240x64xf32, #tpu.memory_space<vmem_shared>>
      tpu.wait_indirect_dma semaphore(%run_scoped3A_70 : memref<!tpu.dma_semaphore, #tpu.memory_space<semaphore_mem>>) src(%arg11 : memref<128x64xf32, #tpu.memory_space<vmem>>) dst(%dma_wait3A_82 : memref<10240x64xf32, #tpu.memory_space<vmem_shared>>)
      tpu.yield
    }) : () -> ()
    %dma_wait3A_57 = arith.constant 79 : i32
    %dma_wait3A_58 = arith.constant 0 : i32
    %dma_wait3A_59 = tpu.memref_slice %arg7[%dma_wait3A_57, %dma_wait3A_58] : memref<80x128xi32, #tpu.memory_space<vmem>> -> memref<1x128xi32, #tpu.memory_space<vmem>>
    %dma_wait3A_60 = tpu.memref_squeeze %dma_wait3A_59 : memref<1x128xi32, #tpu.memory_space<vmem>> -> memref<128xi32, #tpu.memory_space<vmem>>
    %dma_wait3A_61 = arith.constant 0 : i32
    %dma_wait3A_62 = arith.constant 0 : i32
    %dma_wait3A_63 = tpu.memref_slice %arg2[%dma_wait3A_61, %dma_wait3A_62] : memref<10000x64xf32, #tpu.memory_space<hbm>> -> memref<10000x64xf32, #tpu.memory_space<hbm>>
    tpu.wait_indirect_dma semaphore(%arg16 : memref<!tpu.dma_semaphore, #tpu.memory_space<semaphore_mem>>) src(%dma_wait3A_63 : memref<10000x64xf32, #tpu.memory_space<hbm>>) dst(%arg12 : memref<128x64xf32, #tpu.memory_space<vmem>>)
    %run_scoped3A_64 = arith.constant 79 : i32
    "tpu.region"() ({
      %run_scoped3A_70 = tpu.sem_alloc : memref<!tpu.dma_semaphore, #tpu.memory_space<semaphore_mem>>
      %dma_start3A_71 = arith.constant 0 : i32
      %dma_start3A_72 = tpu.memref_slice %arg8[%run_scoped3A_64, %dma_start3A_71] : memref<80x128xi32, #tpu.memory_space<vmem>> -> memref<1x128xi32, #tpu.memory_space<vmem>>
      %dma_start3A_73 = tpu.memref_squeeze %dma_start3A_72 : memref<1x128xi32, #tpu.memory_space<vmem>> -> memref<128xi32, #tpu.memory_space<vmem>>
      %dma_start3A_74 = arith.constant 0 : i32
      %dma_start3A_75 = arith.constant 0 : i32
      %dma_start3A_76 = tpu.memref_slice %arg17[%dma_start3A_74, %dma_start3A_75] : memref<10240x64xf32, #tpu.memory_space<vmem_shared>> -> memref<10240x64xf32, #tpu.memory_space<vmem_shared>>
      tpu.enqueue_indirect_dma source(%arg12 : memref<128x64xf32, #tpu.memory_space<vmem>>) target(%dma_start3A_76 : memref<10240x64xf32, #tpu.memory_space<vmem_shared>>) offsets(%dma_start3A_73 : memref<128xi32, #tpu.memory_space<vmem>>) semaphore(%run_scoped3A_70 : memref<!tpu.dma_semaphore, #tpu.memory_space<semaphore_mem>>) {add = true}
      %dma_wait3A_77 = arith.constant 0 : i32
      %dma_wait3A_78 = tpu.memref_slice %arg8[%run_scoped3A_64, %dma_wait3A_77] : memref<80x128xi32, #tpu.memory_space<vmem>> -> memref<1x128xi32, #tpu.memory_space<vmem>>
      %dma_wait3A_79 = tpu.memref_squeeze %dma_wait3A_78 : memref<1x128xi32, #tpu.memory_space<vmem>> -> memref<128xi32, #tpu.memory_space<vmem>>
      %dma_wait3A_80 = arith.constant 0 : i32
      %dma_wait3A_81 = arith.constant 0 : i32
      %dma_wait3A_82 = tpu.memref_slice %arg17[%dma_wait3A_80, %dma_wait3A_81] : memref<10240x64xf32, #tpu.memory_space<vmem_shared>> -> memref<10240x64xf32, #tpu.memory_space<vmem_shared>>
      tpu.wait_indirect_dma semaphore(%run_scoped3A_70 : memref<!tpu.dma_semaphore, #tpu.memory_space<semaphore_mem>>) src(%arg12 : memref<128x64xf32, #tpu.memory_space<vmem>>) dst(%dma_wait3A_82 : memref<10240x64xf32, #tpu.memory_space<vmem_shared>>)
      tpu.yield
    }) : () -> ()
    %barrier3A_65 = arith.constant 0 : index
    tpu.barrier barrier_id(%barrier3A_65)
    %mul3A_66 = arith.constant 640 : i32
    %mul3A_67 = arith.muli %arg1, %mul3A_66 : i32
    %mul3A_68 = arith.constant 640 : i32
    %mul3A_69 = arith.muli %arg1, %mul3A_68 : i32
    "tpu.region"() ({
      %run_scoped3A_70 = tpu.sem_alloc : memref<!tpu.dma_semaphore, #tpu.memory_space<semaphore_mem>>
      %dma_start3A_71 = arith.constant 0 : i32
      %dma_start3A_72 = tpu.memref_slice %arg6[%arg0, %mul3A_69, %dma_start3A_71] : memref<2x10240x64xf32, #tpu.memory_space<hbm>> -> memref<1x640x64xf32, #tpu.memory_space<hbm>>
      %dma_start3A_73 = tpu.memref_squeeze %dma_start3A_72 : memref<1x640x64xf32, #tpu.memory_space<hbm>> -> memref<640x64xf32, #tpu.memory_space<hbm>>
      %dma_start3A_74 = arith.constant 0 : i32
      %dma_start3A_75 = tpu.memref_slice %arg17[%mul3A_67, %dma_start3A_74] : memref<10240x64xf32, #tpu.memory_space<vmem_shared>> -> memref<640x64xf32, #tpu.memory_space<vmem_shared>>
      tpu.enqueue_dma source(%dma_start3A_75 : memref<640x64xf32, #tpu.memory_space<vmem_shared>>) target(%dma_start3A_73 : memref<640x64xf32, #tpu.memory_space<hbm>>) target_semaphore(%run_scoped3A_70 : memref<!tpu.dma_semaphore, #tpu.memory_space<semaphore_mem>>)
      %dma_wait3A_76 = arith.constant 0 : i32
      %dma_wait3A_77 = tpu.memref_slice %arg6[%arg0, %mul3A_69, %dma_wait3A_76] : memref<2x10240x64xf32, #tpu.memory_space<hbm>> -> memref<1x640x64xf32, #tpu.memory_space<hbm>>
      %dma_wait3A_78 = tpu.memref_squeeze %dma_wait3A_77 : memref<1x640x64xf32, #tpu.memory_space<hbm>> -> memref<640x64xf32, #tpu.memory_space<hbm>>
      %dma_wait3A_79 = arith.constant 0 : i32
      %dma_wait3A_80 = tpu.memref_slice %arg17[%mul3A_67, %dma_wait3A_79] : memref<10240x64xf32, #tpu.memory_space<vmem_shared>> -> memref<640x64xf32, #tpu.memory_space<vmem_shared>>
      tpu.wait_dma2 semaphore(%run_scoped3A_70 : memref<!tpu.dma_semaphore, #tpu.memory_space<semaphore_mem>>) src(%dma_wait3A_80 : memref<640x64xf32, #tpu.memory_space<vmem_shared>>) dst(%dma_wait3A_78 : memref<640x64xf32, #tpu.memory_space<hbm>>)
      tpu.yield
    }) : () -> ()
    return
  }
}

#map = affine_map<(d0, d1) -> (0, 0)>
#map1 = affine_map<(d0, d1) -> (0, 0, 0)>
module attributes {stable_mosaic.version = 14 : i64} {
  func.func @k_prop(%arg0: i32, %arg1: i32, %arg2: memref<10000x64xf32, #tpu.memory_space<hbm>>, %arg3: memref<32x80x128xi32, #tpu.memory_space<hbm>>, %arg4: memref<32x80x128xi32, #tpu.memory_space<hbm>>, %arg5: memref<640x64xf32, #tpu.memory_space<hbm>>, %arg6: memref<2x10240x64xf32, #tpu.memory_space<hbm>>, %arg7: memref<80x128xi32, #tpu.memory_space<vmem>>, %arg8: memref<80x128xi32, #tpu.memory_space<vmem>>, %arg9: memref<128x64xf32, #tpu.memory_space<vmem>>, %arg10: memref<128x64xf32, #tpu.memory_space<vmem>>, %arg11: memref<128x64xf32, #tpu.memory_space<vmem>>, %arg12: memref<128x64xf32, #tpu.memory_space<vmem>>, %arg13: memref<!tpu.dma_semaphore, #tpu.memory_space<semaphore_mem>>, %arg14: memref<!tpu.dma_semaphore, #tpu.memory_space<semaphore_mem>>, %arg15: memref<!tpu.dma_semaphore, #tpu.memory_space<semaphore_mem>>, %arg16: memref<!tpu.dma_semaphore, #tpu.memory_space<semaphore_mem>>, %arg17: memref<10240x64xf32, #tpu.memory_space<vmem_shared>>) attributes {dimension_semantics = [#tpu.dimension_semantics<core_parallel>, #tpu.dimension_semantics<subcore_parallel>], iteration_bounds = array<i64: 2, 16>, scalar_prefetch = 0 : i64, scratch_operands = 11 : i64, tpu.core_type = #tpu.core_type<sc_vector_subcore>, window_params = [{transform_indices = #map}, {transform_indices = #map1}, {transform_indices = #map1}, {transform_indices = #map}, {transform_indices = #map1}]} {
    %mul3A = arith.constant 16 : i32
    %mul3A_0 = arith.muli %arg0, %mul3A : i32
    %add3A = arith.addi %mul3A_0, %arg1 : i32
    "tpu.region"() ({
      %run_scoped3A_70 = tpu.sem_alloc : memref<!tpu.dma_semaphore, #tpu.memory_space<semaphore_mem>>
      %dma_start3A_71 = arith.constant 0 : i32
      %dma_start3A_72 = arith.constant 0 : i32
      %dma_start3A_73 = tpu.memref_slice %arg3[%add3A, %dma_start3A_71, %dma_start3A_72] : memref<32x80x128xi32, #tpu.memory_space<hbm>> -> memref<1x80x128xi32, #tpu.memory_space<hbm>>
      %dma_start3A_74 = tpu.memref_squeeze %dma_start3A_73 : memref<1x80x128xi32, #tpu.memory_space<hbm>> -> memref<80x128xi32, #tpu.memory_space<hbm>>
      %dma_start3A_75 = arith.constant 0 : i32
      %dma_start3A_76 = arith.constant 0 : i32
      %dma_start3A_77 = tpu.memref_slice %arg3[%add3A, %dma_start3A_75, %dma_start3A_76] : memref<32x80x128xi32, #tpu.memory_space<hbm>> -> memref<1x80x128xi32, #tpu.memory_space<hbm>>
      %dma_start3A_78 = tpu.memref_squeeze %dma_start3A_77 : memref<1x80x128xi32, #tpu.memory_space<hbm>> -> memref<80x128xi32, #tpu.memory_space<hbm>>
      tpu.enqueue_dma source(%dma_start3A_78 : memref<80x128xi32, #tpu.memory_space<hbm>>) target(%arg7 : memref<80x128xi32, #tpu.memory_space<vmem>>) target_semaphore(%run_scoped3A_70 : memref<!tpu.dma_semaphore, #tpu.memory_space<semaphore_mem>>)
      %dma_wait3A_79 = arith.constant 0 : i32
      %dma_wait3A_80 = arith.constant 0 : i32
      %dma_wait3A_81 = tpu.memref_slice %arg3[%add3A, %dma_wait3A_79, %dma_wait3A_80] : memref<32x80x128xi32, #tpu.memory_space<hbm>> -> memref<1x80x128xi32, #tpu.memory_space<hbm>>
      %dma_wait3A_82 = tpu.memref_squeeze %dma_wait3A_81 : memref<1x80x128xi32, #tpu.memory_space<hbm>> -> memref<80x128xi32, #tpu.memory_space<hbm>>
      %dma_wait3A_83 = arith.constant 0 : i32
      %dma_wait3A_84 = arith.constant 0 : i32
      %dma_wait3A_85 = tpu.memref_slice %arg3[%add3A, %dma_wait3A_83, %dma_wait3A_84] : memref<32x80x128xi32, #tpu.memory_space<hbm>> -> memref<1x80x128xi32, #tpu.memory_space<hbm>>
      %dma_wait3A_86 = tpu.memref_squeeze %dma_wait3A_85 : memref<1x80x128xi32, #tpu.memory_space<hbm>> -> memref<80x128xi32, #tpu.memory_space<hbm>>
      tpu.wait_dma2 semaphore(%run_scoped3A_70 : memref<!tpu.dma_semaphore, #tpu.memory_space<semaphore_mem>>) src(%dma_wait3A_86 : memref<80x128xi32, #tpu.memory_space<hbm>>) dst(%arg7 : memref<80x128xi32, #tpu.memory_space<vmem>>)
      tpu.yield
    }) : () -> ()
    "tpu.region"() ({
      %run_scoped3A_70 = tpu.sem_alloc : memref<!tpu.dma_semaphore, #tpu.memory_space<semaphore_mem>>
      %dma_start3A_71 = arith.constant 0 : i32
      %dma_start3A_72 = arith.constant 0 : i32
      %dma_start3A_73 = tpu.memref_slice %arg4[%add3A, %dma_start3A_71, %dma_start3A_72] : memref<32x80x128xi32, #tpu.memory_space<hbm>> -> memref<1x80x128xi32, #tpu.memory_space<hbm>>
      %dma_start3A_74 = tpu.memref_squeeze %dma_start3A_73 : memref<1x80x128xi32, #tpu.memory_space<hbm>> -> memref<80x128xi32, #tpu.memory_space<hbm>>
      %dma_start3A_75 = arith.constant 0 : i32
      %dma_start3A_76 = arith.constant 0 : i32
      %dma_start3A_77 = tpu.memref_slice %arg4[%add3A, %dma_start3A_75, %dma_start3A_76] : memref<32x80x128xi32, #tpu.memory_space<hbm>> -> memref<1x80x128xi32, #tpu.memory_space<hbm>>
      %dma_start3A_78 = tpu.memref_squeeze %dma_start3A_77 : memref<1x80x128xi32, #tpu.memory_space<hbm>> -> memref<80x128xi32, #tpu.memory_space<hbm>>
      tpu.enqueue_dma source(%dma_start3A_78 : memref<80x128xi32, #tpu.memory_space<hbm>>) target(%arg8 : memref<80x128xi32, #tpu.memory_space<vmem>>) target_semaphore(%run_scoped3A_70 : memref<!tpu.dma_semaphore, #tpu.memory_space<semaphore_mem>>)
      %dma_wait3A_79 = arith.constant 0 : i32
      %dma_wait3A_80 = arith.constant 0 : i32
      %dma_wait3A_81 = tpu.memref_slice %arg4[%add3A, %dma_wait3A_79, %dma_wait3A_80] : memref<32x80x128xi32, #tpu.memory_space<hbm>> -> memref<1x80x128xi32, #tpu.memory_space<hbm>>
      %dma_wait3A_82 = tpu.memref_squeeze %dma_wait3A_81 : memref<1x80x128xi32, #tpu.memory_space<hbm>> -> memref<80x128xi32, #tpu.memory_space<hbm>>
      %dma_wait3A_83 = arith.constant 0 : i32
      %dma_wait3A_84 = arith.constant 0 : i32
      %dma_wait3A_85 = tpu.memref_slice %arg4[%add3A, %dma_wait3A_83, %dma_wait3A_84] : memref<32x80x128xi32, #tpu.memory_space<hbm>> -> memref<1x80x128xi32, #tpu.memory_space<hbm>>
      %dma_wait3A_86 = tpu.memref_squeeze %dma_wait3A_85 : memref<1x80x128xi32, #tpu.memory_space<hbm>> -> memref<80x128xi32, #tpu.memory_space<hbm>>
      tpu.wait_dma2 semaphore(%run_scoped3A_70 : memref<!tpu.dma_semaphore, #tpu.memory_space<semaphore_mem>>) src(%dma_wait3A_86 : memref<80x128xi32, #tpu.memory_space<hbm>>) dst(%arg8 : memref<80x128xi32, #tpu.memory_space<vmem>>)
      tpu.yield
    }) : () -> ()
    %mul3A_1 = arith.constant 640 : i32
    %mul3A_2 = arith.muli %arg1, %mul3A_1 : i32
    "tpu.region"() ({
      %run_scoped3A_70 = tpu.sem_alloc : memref<!tpu.dma_semaphore, #tpu.memory_space<semaphore_mem>>
      %dma_start3A_71 = arith.constant 0 : i32
      %dma_start3A_72 = tpu.memref_slice %arg17[%mul3A_2, %dma_start3A_71] : memref<10240x64xf32, #tpu.memory_space<vmem_shared>> -> memref<640x64xf32, #tpu.memory_space<vmem_shared>>
      tpu.enqueue_dma source(%arg5 : memref<640x64xf32, #tpu.memory_space<hbm>>) target(%dma_start3A_72 : memref<640x64xf32, #tpu.memory_space<vmem_shared>>) target_semaphore(%run_scoped3A_70 : memref<!tpu.dma_semaphore, #tpu.memory_space<semaphore_mem>>)
      %dma_wait3A_73 = arith.constant 0 : i32
      %dma_wait3A_74 = tpu.memref_slice %arg17[%mul3A_2, %dma_wait3A_73] : memref<10240x64xf32, #tpu.memory_space<vmem_shared>> -> memref<640x64xf32, #tpu.memory_space<vmem_shared>>
      tpu.wait_dma2 semaphore(%run_scoped3A_70 : memref<!tpu.dma_semaphore, #tpu.memory_space<semaphore_mem>>) src(%arg5 : memref<640x64xf32, #tpu.memory_space<hbm>>) dst(%dma_wait3A_74 : memref<640x64xf32, #tpu.memory_space<vmem_shared>>)
      tpu.yield
    }) : () -> ()
    %barrier3A = arith.constant 0 : index
    tpu.barrier barrier_id(%barrier3A)
    %dma_start3A = arith.constant 0 : i32
    %dma_start3A_3 = arith.constant 0 : i32
    %dma_start3A_4 = tpu.memref_slice %arg7[%dma_start3A, %dma_start3A_3] : memref<80x128xi32, #tpu.memory_space<vmem>> -> memref<1x128xi32, #tpu.memory_space<vmem>>
    %dma_start3A_5 = tpu.memref_squeeze %dma_start3A_4 : memref<1x128xi32, #tpu.memory_space<vmem>> -> memref<128xi32, #tpu.memory_space<vmem>>
    %dma_start3A_6 = arith.constant 0 : i32
    %dma_start3A_7 = arith.constant 0 : i32
    %dma_start3A_8 = tpu.memref_slice %arg2[%dma_start3A_6, %dma_start3A_7] : memref<10000x64xf32, #tpu.memory_space<hbm>> -> memref<10000x64xf32, #tpu.memory_space<hbm>>
    tpu.enqueue_indirect_dma source(%dma_start3A_8 : memref<10000x64xf32, #tpu.memory_space<hbm>>) target(%arg9 : memref<128x64xf32, #tpu.memory_space<vmem>>) offsets(%dma_start3A_5 : memref<128xi32, #tpu.memory_space<vmem>>) semaphore(%arg13 : memref<!tpu.dma_semaphore, #tpu.memory_space<semaphore_mem>>)
    %dma_start3A_9 = arith.constant 1 : i32
    %dma_start3A_10 = arith.constant 0 : i32
    %dma_start3A_11 = tpu.memref_slice %arg7[%dma_start3A_9, %dma_start3A_10] : memref<80x128xi32, #tpu.memory_space<vmem>> -> memref<1x128xi32, #tpu.memory_space<vmem>>
    %dma_start3A_12 = tpu.memref_squeeze %dma_start3A_11 : memref<1x128xi32, #tpu.memory_space<vmem>> -> memref<128xi32, #tpu.memory_space<vmem>>
    %dma_start3A_13 = arith.constant 0 : i32
    %dma_start3A_14 = arith.constant 0 : i32
    %dma_start3A_15 = tpu.memref_slice %arg2[%dma_start3A_13, %dma_start3A_14] : memref<10000x64xf32, #tpu.memory_space<hbm>> -> memref<10000x64xf32, #tpu.memory_space<hbm>>
    tpu.enqueue_indirect_dma source(%dma_start3A_15 : memref<10000x64xf32, #tpu.memory_space<hbm>>) target(%arg10 : memref<128x64xf32, #tpu.memory_space<vmem>>) offsets(%dma_start3A_12 : memref<128xi32, #tpu.memory_space<vmem>>) semaphore(%arg14 : memref<!tpu.dma_semaphore, #tpu.memory_space<semaphore_mem>>)
    %dma_start3A_16 = arith.constant 2 : i32
    %dma_start3A_17 = arith.constant 0 : i32
    %dma_start3A_18 = tpu.memref_slice %arg7[%dma_start3A_16, %dma_start3A_17] : memref<80x128xi32, #tpu.memory_space<vmem>> -> memref<1x128xi32, #tpu.memory_space<vmem>>
    %dma_start3A_19 = tpu.memref_squeeze %dma_start3A_18 : memref<1x128xi32, #tpu.memory_space<vmem>> -> memref<128xi32, #tpu.memory_space<vmem>>
    %dma_start3A_20 = arith.constant 0 : i32
    %dma_start3A_21 = arith.constant 0 : i32
    %dma_start3A_22 = tpu.memref_slice %arg2[%dma_start3A_20, %dma_start3A_21] : memref<10000x64xf32, #tpu.memory_space<hbm>> -> memref<10000x64xf32, #tpu.memory_space<hbm>>
    tpu.enqueue_indirect_dma source(%dma_start3A_22 : memref<10000x64xf32, #tpu.memory_space<hbm>>) target(%arg11 : memref<128x64xf32, #tpu.memory_space<vmem>>) offsets(%dma_start3A_19 : memref<128xi32, #tpu.memory_space<vmem>>) semaphore(%arg15 : memref<!tpu.dma_semaphore, #tpu.memory_space<semaphore_mem>>)
    %dma_start3A_23 = arith.constant 3 : i32
    %dma_start3A_24 = arith.constant 0 : i32
    %dma_start3A_25 = tpu.memref_slice %arg7[%dma_start3A_23, %dma_start3A_24] : memref<80x128xi32, #tpu.memory_space<vmem>> -> memref<1x128xi32, #tpu.memory_space<vmem>>
    %dma_start3A_26 = tpu.memref_squeeze %dma_start3A_25 : memref<1x128xi32, #tpu.memory_space<vmem>> -> memref<128xi32, #tpu.memory_space<vmem>>
    %dma_start3A_27 = arith.constant 0 : i32
    %dma_start3A_28 = arith.constant 0 : i32
    %dma_start3A_29 = tpu.memref_slice %arg2[%dma_start3A_27, %dma_start3A_28] : memref<10000x64xf32, #tpu.memory_space<hbm>> -> memref<10000x64xf32, #tpu.memory_space<hbm>>
    tpu.enqueue_indirect_dma source(%dma_start3A_29 : memref<10000x64xf32, #tpu.memory_space<hbm>>) target(%arg12 : memref<128x64xf32, #tpu.memory_space<vmem>>) offsets(%dma_start3A_26 : memref<128xi32, #tpu.memory_space<vmem>>) semaphore(%arg16 : memref<!tpu.dma_semaphore, #tpu.memory_space<semaphore_mem>>)
    %scan3A = arith.constant 0 : i32
    %scan3A_30 = arith.constant 0 : i32
    %scan3A_31 = arith.constant 19 : i32
    %scan3A_32 = arith.addi %scan3A_30, %scan3A_31 : i32
    %scan3A_33 = arith.constant 1 : i32
    scf.for %scan3A_70 = %scan3A_30 to %scan3A_32 step %scan3A_33  : i32 {
      %mul3A_71 = arith.constant 4 : i32
      %mul3A_72 = arith.muli %scan3A_70, %mul3A_71 : i32
      %add3A_73 = arith.constant 0 : i32
      %add3A_74 = arith.addi %mul3A_72, %add3A_73 : i32
      %dma_wait3A_75 = arith.constant 0 : i32
      %dma_wait3A_76 = tpu.memref_slice %arg7[%add3A_74, %dma_wait3A_75] : memref<80x128xi32, #tpu.memory_space<vmem>> -> memref<1x128xi32, #tpu.memory_space<vmem>>
      %dma_wait3A_77 = tpu.memref_squeeze %dma_wait3A_76 : memref<1x128xi32, #tpu.memory_space<vmem>> -> memref<128xi32, #tpu.memory_space<vmem>>
      %dma_wait3A_78 = arith.constant 0 : i32
      %dma_wait3A_79 = arith.constant 0 : i32
      %dma_wait3A_80 = tpu.memref_slice %arg2[%dma_wait3A_78, %dma_wait3A_79] : memref<10000x64xf32, #tpu.memory_space<hbm>> -> memref<10000x64xf32, #tpu.memory_space<hbm>>
      tpu.wait_indirect_dma semaphore(%arg13 : memref<!tpu.dma_semaphore, #tpu.memory_space<semaphore_mem>>) src(%dma_wait3A_80 : memref<10000x64xf32, #tpu.memory_space<hbm>>) dst(%arg9 : memref<128x64xf32, #tpu.memory_space<vmem>>)
      "tpu.region"() ({
        %run_scoped3A_143 = tpu.sem_alloc : memref<!tpu.dma_semaphore, #tpu.memory_space<semaphore_mem>>
        %dma_start3A_144 = arith.constant 0 : i32
        %dma_start3A_145 = tpu.memref_slice %arg8[%add3A_74, %dma_start3A_144] : memref<80x128xi32, #tpu.memory_space<vmem>> -> memref<1x128xi32, #tpu.memory_space<vmem>>
        %dma_start3A_146 = tpu.memref_squeeze %dma_start3A_145 : memref<1x128xi32, #tpu.memory_space<vmem>> -> memref<128xi32, #tpu.memory_space<vmem>>
        %dma_start3A_147 = arith.constant 0 : i32
        %dma_start3A_148 = arith.constant 0 : i32
        %dma_start3A_149 = tpu.memref_slice %arg17[%dma_start3A_147, %dma_start3A_148] : memref<10240x64xf32, #tpu.memory_space<vmem_shared>> -> memref<10240x64xf32, #tpu.memory_space<vmem_shared>>
        tpu.enqueue_indirect_dma source(%arg9 : memref<128x64xf32, #tpu.memory_space<vmem>>) target(%dma_start3A_149 : memref<10240x64xf32, #tpu.memory_space<vmem_shared>>) offsets(%dma_start3A_146 : memref<128xi32, #tpu.memory_space<vmem>>) semaphore(%run_scoped3A_143 : memref<!tpu.dma_semaphore, #tpu.memory_space<semaphore_mem>>) {add = true}
        %dma_wait3A_150 = arith.constant 0 : i32
        %dma_wait3A_151 = tpu.memref_slice %arg8[%add3A_74, %dma_wait3A_150] : memref<80x128xi32, #tpu.memory_space<vmem>> -> memref<1x128xi32, #tpu.memory_space<vmem>>
        %dma_wait3A_152 = tpu.memref_squeeze %dma_wait3A_151 : memref<1x128xi32, #tpu.memory_space<vmem>> -> memref<128xi32, #tpu.memory_space<vmem>>
        %dma_wait3A_153 = arith.constant 0 : i32
        %dma_wait3A_154 = arith.constant 0 : i32
        %dma_wait3A_155 = tpu.memref_slice %arg17[%dma_wait3A_153, %dma_wait3A_154] : memref<10240x64xf32, #tpu.memory_space<vmem_shared>> -> memref<10240x64xf32, #tpu.memory_space<vmem_shared>>
        tpu.wait_indirect_dma semaphore(%run_scoped3A_143 : memref<!tpu.dma_semaphore, #tpu.memory_space<semaphore_mem>>) src(%arg9 : memref<128x64xf32, #tpu.memory_space<vmem>>) dst(%dma_wait3A_155 : memref<10240x64xf32, #tpu.memory_space<vmem_shared>>)
        tpu.yield
      }) : () -> ()
      %add3A_81 = arith.constant 4 : i32
      %add3A_82 = arith.addi %add3A_74, %add3A_81 : i32
      %dma_start3A_83 = arith.constant 0 : i32
      %dma_start3A_84 = tpu.memref_slice %arg7[%add3A_82, %dma_start3A_83] : memref<80x128xi32, #tpu.memory_space<vmem>> -> memref<1x128xi32, #tpu.memory_space<vmem>>
      %dma_start3A_85 = tpu.memref_squeeze %dma_start3A_84 : memref<1x128xi32, #tpu.memory_space<vmem>> -> memref<128xi32, #tpu.memory_space<vmem>>
      %dma_start3A_86 = arith.constant 0 : i32
      %dma_start3A_87 = arith.constant 0 : i32
      %dma_start3A_88 = tpu.memref_slice %arg2[%dma_start3A_86, %dma_start3A_87] : memref<10000x64xf32, #tpu.memory_space<hbm>> -> memref<10000x64xf32, #tpu.memory_space<hbm>>
      tpu.enqueue_indirect_dma source(%dma_start3A_88 : memref<10000x64xf32, #tpu.memory_space<hbm>>) target(%arg9 : memref<128x64xf32, #tpu.memory_space<vmem>>) offsets(%dma_start3A_85 : memref<128xi32, #tpu.memory_space<vmem>>) semaphore(%arg13 : memref<!tpu.dma_semaphore, #tpu.memory_space<semaphore_mem>>)
      %mul3A_89 = arith.constant 4 : i32
      %mul3A_90 = arith.muli %scan3A_70, %mul3A_89 : i32
      %add3A_91 = arith.constant 1 : i32
      %add3A_92 = arith.addi %mul3A_90, %add3A_91 : i32
      %dma_wait3A_93 = arith.constant 0 : i32
      %dma_wait3A_94 = tpu.memref_slice %arg7[%add3A_92, %dma_wait3A_93] : memref<80x128xi32, #tpu.memory_space<vmem>> -> memref<1x128xi32, #tpu.memory_space<vmem>>
      %dma_wait3A_95 = tpu.memref_squeeze %dma_wait3A_94 : memref<1x128xi32, #tpu.memory_space<vmem>> -> memref<128xi32, #tpu.memory_space<vmem>>
      %dma_wait3A_96 = arith.constant 0 : i32
      %dma_wait3A_97 = arith.constant 0 : i32
      %dma_wait3A_98 = tpu.memref_slice %arg2[%dma_wait3A_96, %dma_wait3A_97] : memref<10000x64xf32, #tpu.memory_space<hbm>> -> memref<10000x64xf32, #tpu.memory_space<hbm>>
      tpu.wait_indirect_dma semaphore(%arg14 : memref<!tpu.dma_semaphore, #tpu.memory_space<semaphore_mem>>) src(%dma_wait3A_98 : memref<10000x64xf32, #tpu.memory_space<hbm>>) dst(%arg10 : memref<128x64xf32, #tpu.memory_space<vmem>>)
      "tpu.region"() ({
        %run_scoped3A_143 = tpu.sem_alloc : memref<!tpu.dma_semaphore, #tpu.memory_space<semaphore_mem>>
        %dma_start3A_144 = arith.constant 0 : i32
        %dma_start3A_145 = tpu.memref_slice %arg8[%add3A_92, %dma_start3A_144] : memref<80x128xi32, #tpu.memory_space<vmem>> -> memref<1x128xi32, #tpu.memory_space<vmem>>
        %dma_start3A_146 = tpu.memref_squeeze %dma_start3A_145 : memref<1x128xi32, #tpu.memory_space<vmem>> -> memref<128xi32, #tpu.memory_space<vmem>>
        %dma_start3A_147 = arith.constant 0 : i32
        %dma_start3A_148 = arith.constant 0 : i32
        %dma_start3A_149 = tpu.memref_slice %arg17[%dma_start3A_147, %dma_start3A_148] : memref<10240x64xf32, #tpu.memory_space<vmem_shared>> -> memref<10240x64xf32, #tpu.memory_space<vmem_shared>>
        tpu.enqueue_indirect_dma source(%arg10 : memref<128x64xf32, #tpu.memory_space<vmem>>) target(%dma_start3A_149 : memref<10240x64xf32, #tpu.memory_space<vmem_shared>>) offsets(%dma_start3A_146 : memref<128xi32, #tpu.memory_space<vmem>>) semaphore(%run_scoped3A_143 : memref<!tpu.dma_semaphore, #tpu.memory_space<semaphore_mem>>) {add = true}
        %dma_wait3A_150 = arith.constant 0 : i32
        %dma_wait3A_151 = tpu.memref_slice %arg8[%add3A_92, %dma_wait3A_150] : memref<80x128xi32, #tpu.memory_space<vmem>> -> memref<1x128xi32, #tpu.memory_space<vmem>>
        %dma_wait3A_152 = tpu.memref_squeeze %dma_wait3A_151 : memref<1x128xi32, #tpu.memory_space<vmem>> -> memref<128xi32, #tpu.memory_space<vmem>>
        %dma_wait3A_153 = arith.constant 0 : i32
        %dma_wait3A_154 = arith.constant 0 : i32
        %dma_wait3A_155 = tpu.memref_slice %arg17[%dma_wait3A_153, %dma_wait3A_154] : memref<10240x64xf32, #tpu.memory_space<vmem_shared>> -> memref<10240x64xf32, #tpu.memory_space<vmem_shared>>
        tpu.wait_indirect_dma semaphore(%run_scoped3A_143 : memref<!tpu.dma_semaphore, #tpu.memory_space<semaphore_mem>>) src(%arg10 : memref<128x64xf32, #tpu.memory_space<vmem>>) dst(%dma_wait3A_155 : memref<10240x64xf32, #tpu.memory_space<vmem_shared>>)
        tpu.yield
      }) : () -> ()
      %add3A_99 = arith.constant 4 : i32
      %add3A_100 = arith.addi %add3A_92, %add3A_99 : i32
      %dma_start3A_101 = arith.constant 0 : i32
      %dma_start3A_102 = tpu.memref_slice %arg7[%add3A_100, %dma_start3A_101] : memref<80x128xi32, #tpu.memory_space<vmem>> -> memref<1x128xi32, #tpu.memory_space<vmem>>
      %dma_start3A_103 = tpu.memref_squeeze %dma_start3A_102 : memref<1x128xi32, #tpu.memory_space<vmem>> -> memref<128xi32, #tpu.memory_space<vmem>>
      %dma_start3A_104 = arith.constant 0 : i32
      %dma_start3A_105 = arith.constant 0 : i32
      %dma_start3A_106 = tpu.memref_slice %arg2[%dma_start3A_104, %dma_start3A_105] : memref<10000x64xf32, #tpu.memory_space<hbm>> -> memref<10000x64xf32, #tpu.memory_space<hbm>>
      tpu.enqueue_indirect_dma source(%dma_start3A_106 : memref<10000x64xf32, #tpu.memory_space<hbm>>) target(%arg10 : memref<128x64xf32, #tpu.memory_space<vmem>>) offsets(%dma_start3A_103 : memref<128xi32, #tpu.memory_space<vmem>>) semaphore(%arg14 : memref<!tpu.dma_semaphore, #tpu.memory_space<semaphore_mem>>)
      %mul3A_107 = arith.constant 4 : i32
      %mul3A_108 = arith.muli %scan3A_70, %mul3A_107 : i32
      %add3A_109 = arith.constant 2 : i32
      %add3A_110 = arith.addi %mul3A_108, %add3A_109 : i32
      %dma_wait3A_111 = arith.constant 0 : i32
      %dma_wait3A_112 = tpu.memref_slice %arg7[%add3A_110, %dma_wait3A_111] : memref<80x128xi32, #tpu.memory_space<vmem>> -> memref<1x128xi32, #tpu.memory_space<vmem>>
      %dma_wait3A_113 = tpu.memref_squeeze %dma_wait3A_112 : memref<1x128xi32, #tpu.memory_space<vmem>> -> memref<128xi32, #tpu.memory_space<vmem>>
      %dma_wait3A_114 = arith.constant 0 : i32
      %dma_wait3A_115 = arith.constant 0 : i32
      %dma_wait3A_116 = tpu.memref_slice %arg2[%dma_wait3A_114, %dma_wait3A_115] : memref<10000x64xf32, #tpu.memory_space<hbm>> -> memref<10000x64xf32, #tpu.memory_space<hbm>>
      tpu.wait_indirect_dma semaphore(%arg15 : memref<!tpu.dma_semaphore, #tpu.memory_space<semaphore_mem>>) src(%dma_wait3A_116 : memref<10000x64xf32, #tpu.memory_space<hbm>>) dst(%arg11 : memref<128x64xf32, #tpu.memory_space<vmem>>)
      "tpu.region"() ({
        %run_scoped3A_143 = tpu.sem_alloc : memref<!tpu.dma_semaphore, #tpu.memory_space<semaphore_mem>>
        %dma_start3A_144 = arith.constant 0 : i32
        %dma_start3A_145 = tpu.memref_slice %arg8[%add3A_110, %dma_start3A_144] : memref<80x128xi32, #tpu.memory_space<vmem>> -> memref<1x128xi32, #tpu.memory_space<vmem>>
        %dma_start3A_146 = tpu.memref_squeeze %dma_start3A_145 : memref<1x128xi32, #tpu.memory_space<vmem>> -> memref<128xi32, #tpu.memory_space<vmem>>
        %dma_start3A_147 = arith.constant 0 : i32
        %dma_start3A_148 = arith.constant 0 : i32
        %dma_start3A_149 = tpu.memref_slice %arg17[%dma_start3A_147, %dma_start3A_148] : memref<10240x64xf32, #tpu.memory_space<vmem_shared>> -> memref<10240x64xf32, #tpu.memory_space<vmem_shared>>
        tpu.enqueue_indirect_dma source(%arg11 : memref<128x64xf32, #tpu.memory_space<vmem>>) target(%dma_start3A_149 : memref<10240x64xf32, #tpu.memory_space<vmem_shared>>) offsets(%dma_start3A_146 : memref<128xi32, #tpu.memory_space<vmem>>) semaphore(%run_scoped3A_143 : memref<!tpu.dma_semaphore, #tpu.memory_space<semaphore_mem>>) {add = true}
        %dma_wait3A_150 = arith.constant 0 : i32
        %dma_wait3A_151 = tpu.memref_slice %arg8[%add3A_110, %dma_wait3A_150] : memref<80x128xi32, #tpu.memory_space<vmem>> -> memref<1x128xi32, #tpu.memory_space<vmem>>
        %dma_wait3A_152 = tpu.memref_squeeze %dma_wait3A_151 : memref<1x128xi32, #tpu.memory_space<vmem>> -> memref<128xi32, #tpu.memory_space<vmem>>
        %dma_wait3A_153 = arith.constant 0 : i32
        %dma_wait3A_154 = arith.constant 0 : i32
        %dma_wait3A_155 = tpu.memref_slice %arg17[%dma_wait3A_153, %dma_wait3A_154] : memref<10240x64xf32, #tpu.memory_space<vmem_shared>> -> memref<10240x64xf32, #tpu.memory_space<vmem_shared>>
        tpu.wait_indirect_dma semaphore(%run_scoped3A_143 : memref<!tpu.dma_semaphore, #tpu.memory_space<semaphore_mem>>) src(%arg11 : memref<128x64xf32, #tpu.memory_space<vmem>>) dst(%dma_wait3A_155 : memref<10240x64xf32, #tpu.memory_space<vmem_shared>>)
        tpu.yield
      }) : () -> ()
      %add3A_117 = arith.constant 4 : i32
      %add3A_118 = arith.addi %add3A_110, %add3A_117 : i32
      %dma_start3A_119 = arith.constant 0 : i32
      %dma_start3A_120 = tpu.memref_slice %arg7[%add3A_118, %dma_start3A_119] : memref<80x128xi32, #tpu.memory_space<vmem>> -> memref<1x128xi32, #tpu.memory_space<vmem>>
      %dma_start3A_121 = tpu.memref_squeeze %dma_start3A_120 : memref<1x128xi32, #tpu.memory_space<vmem>> -> memref<128xi32, #tpu.memory_space<vmem>>
      %dma_start3A_122 = arith.constant 0 : i32
      %dma_start3A_123 = arith.constant 0 : i32
      %dma_start3A_124 = tpu.memref_slice %arg2[%dma_start3A_122, %dma_start3A_123] : memref<10000x64xf32, #tpu.memory_space<hbm>> -> memref<10000x64xf32, #tpu.memory_space<hbm>>
      tpu.enqueue_indirect_dma source(%dma_start3A_124 : memref<10000x64xf32, #tpu.memory_space<hbm>>) target(%arg11 : memref<128x64xf32, #tpu.memory_space<vmem>>) offsets(%dma_start3A_121 : memref<128xi32, #tpu.memory_space<vmem>>) semaphore(%arg15 : memref<!tpu.dma_semaphore, #tpu.memory_space<semaphore_mem>>)
      %mul3A_125 = arith.constant 4 : i32
      %mul3A_126 = arith.muli %scan3A_70, %mul3A_125 : i32
      %add3A_127 = arith.constant 3 : i32
      %add3A_128 = arith.addi %mul3A_126, %add3A_127 : i32
      %dma_wait3A_129 = arith.constant 0 : i32
      %dma_wait3A_130 = tpu.memref_slice %arg7[%add3A_128, %dma_wait3A_129] : memref<80x128xi32, #tpu.memory_space<vmem>> -> memref<1x128xi32, #tpu.memory_space<vmem>>
      %dma_wait3A_131 = tpu.memref_squeeze %dma_wait3A_130 : memref<1x128xi32, #tpu.memory_space<vmem>> -> memref<128xi32, #tpu.memory_space<vmem>>
      %dma_wait3A_132 = arith.constant 0 : i32
      %dma_wait3A_133 = arith.constant 0 : i32
      %dma_wait3A_134 = tpu.memref_slice %arg2[%dma_wait3A_132, %dma_wait3A_133] : memref<10000x64xf32, #tpu.memory_space<hbm>> -> memref<10000x64xf32, #tpu.memory_space<hbm>>
      tpu.wait_indirect_dma semaphore(%arg16 : memref<!tpu.dma_semaphore, #tpu.memory_space<semaphore_mem>>) src(%dma_wait3A_134 : memref<10000x64xf32, #tpu.memory_space<hbm>>) dst(%arg12 : memref<128x64xf32, #tpu.memory_space<vmem>>)
      "tpu.region"() ({
        %run_scoped3A_143 = tpu.sem_alloc : memref<!tpu.dma_semaphore, #tpu.memory_space<semaphore_mem>>
        %dma_start3A_144 = arith.constant 0 : i32
        %dma_start3A_145 = tpu.memref_slice %arg8[%add3A_128, %dma_start3A_144] : memref<80x128xi32, #tpu.memory_space<vmem>> -> memref<1x128xi32, #tpu.memory_space<vmem>>
        %dma_start3A_146 = tpu.memref_squeeze %dma_start3A_145 : memref<1x128xi32, #tpu.memory_space<vmem>> -> memref<128xi32, #tpu.memory_space<vmem>>
        %dma_start3A_147 = arith.constant 0 : i32
        %dma_start3A_148 = arith.constant 0 : i32
        %dma_start3A_149 = tpu.memref_slice %arg17[%dma_start3A_147, %dma_start3A_148] : memref<10240x64xf32, #tpu.memory_space<vmem_shared>> -> memref<10240x64xf32, #tpu.memory_space<vmem_shared>>
        tpu.enqueue_indirect_dma source(%arg12 : memref<128x64xf32, #tpu.memory_space<vmem>>) target(%dma_start3A_149 : memref<10240x64xf32, #tpu.memory_space<vmem_shared>>) offsets(%dma_start3A_146 : memref<128xi32, #tpu.memory_space<vmem>>) semaphore(%run_scoped3A_143 : memref<!tpu.dma_semaphore, #tpu.memory_space<semaphore_mem>>) {add = true}
        %dma_wait3A_150 = arith.constant 0 : i32
        %dma_wait3A_151 = tpu.memref_slice %arg8[%add3A_128, %dma_wait3A_150] : memref<80x128xi32, #tpu.memory_space<vmem>> -> memref<1x128xi32, #tpu.memory_space<vmem>>
        %dma_wait3A_152 = tpu.memref_squeeze %dma_wait3A_151 : memref<1x128xi32, #tpu.memory_space<vmem>> -> memref<128xi32, #tpu.memory_space<vmem>>
        %dma_wait3A_153 = arith.constant 0 : i32
        %dma_wait3A_154 = arith.constant 0 : i32
        %dma_wait3A_155 = tpu.memref_slice %arg17[%dma_wait3A_153, %dma_wait3A_154] : memref<10240x64xf32, #tpu.memory_space<vmem_shared>> -> memref<10240x64xf32, #tpu.memory_space<vmem_shared>>
        tpu.wait_indirect_dma semaphore(%run_scoped3A_143 : memref<!tpu.dma_semaphore, #tpu.memory_space<semaphore_mem>>) src(%arg12 : memref<128x64xf32, #tpu.memory_space<vmem>>) dst(%dma_wait3A_155 : memref<10240x64xf32, #tpu.memory_space<vmem_shared>>)
        tpu.yield
      }) : () -> ()
      %add3A_135 = arith.constant 4 : i32
      %add3A_136 = arith.addi %add3A_128, %add3A_135 : i32
      %dma_start3A_137 = arith.constant 0 : i32
      %dma_start3A_138 = tpu.memref_slice %arg7[%add3A_136, %dma_start3A_137] : memref<80x128xi32, #tpu.memory_space<vmem>> -> memref<1x128xi32, #tpu.memory_space<vmem>>
      %dma_start3A_139 = tpu.memref_squeeze %dma_start3A_138 : memref<1x128xi32, #tpu.memory_space<vmem>> -> memref<128xi32, #tpu.memory_space<vmem>>
      %dma_start3A_140 = arith.constant 0 : i32
      %dma_start3A_141 = arith.constant 0 : i32
      %dma_start3A_142 = tpu.memref_slice %arg2[%dma_start3A_140, %dma_start3A_141] : memref<10000x64xf32, #tpu.memory_space<hbm>> -> memref<10000x64xf32, #tpu.memory_space<hbm>>
      tpu.enqueue_indirect_dma source(%dma_start3A_142 : memref<10000x64xf32, #tpu.memory_space<hbm>>) target(%arg12 : memref<128x64xf32, #tpu.memory_space<vmem>>) offsets(%dma_start3A_139 : memref<128xi32, #tpu.memory_space<vmem>>) semaphore(%arg16 : memref<!tpu.dma_semaphore, #tpu.memory_space<semaphore_mem>>)
    }
    %scan3A_34 = arith.constant 19 : i32
    %dma_wait3A = arith.constant 76 : i32
    %dma_wait3A_35 = arith.constant 0 : i32
    %dma_wait3A_36 = tpu.memref_slice %arg7[%dma_wait3A, %dma_wait3A_35] : memref<80x128xi32, #tpu.memory_space<vmem>> -> memref<1x128xi32, #tpu.memory_space<vmem>>
    %dma_wait3A_37 = tpu.memref_squeeze %dma_wait3A_36 : memref<1x128xi32, #tpu.memory_space<vmem>> -> memref<128xi32, #tpu.memory_space<vmem>>
    %dma_wait3A_38 = arith.constant 0 : i32
    %dma_wait3A_39 = arith.constant 0 : i32
    %dma_wait3A_40 = tpu.memref_slice %arg2[%dma_wait3A_38, %dma_wait3A_39] : memref<10000x64xf32, #tpu.memory_space<hbm>> -> memref<10000x64xf32, #tpu.memory_space<hbm>>
    tpu.wait_indirect_dma semaphore(%arg13 : memref<!tpu.dma_semaphore, #tpu.memory_space<semaphore_mem>>) src(%dma_wait3A_40 : memref<10000x64xf32, #tpu.memory_space<hbm>>) dst(%arg9 : memref<128x64xf32, #tpu.memory_space<vmem>>)
    %run_scoped3A = arith.constant 76 : i32
    "tpu.region"() ({
      %run_scoped3A_70 = tpu.sem_alloc : memref<!tpu.dma_semaphore, #tpu.memory_space<semaphore_mem>>
      %dma_start3A_71 = arith.constant 0 : i32
      %dma_start3A_72 = tpu.memref_slice %arg8[%run_scoped3A, %dma_start3A_71] : memref<80x128xi32, #tpu.memory_space<vmem>> -> memref<1x128xi32, #tpu.memory_space<vmem>>
      %dma_start3A_73 = tpu.memref_squeeze %dma_start3A_72 : memref<1x128xi32, #tpu.memory_space<vmem>> -> memref<128xi32, #tpu.memory_space<vmem>>
      %dma_start3A_74 = arith.constant 0 : i32
      %dma_start3A_75 = arith.constant 0 : i32
      %dma_start3A_76 = tpu.memref_slice %arg17[%dma_start3A_74, %dma_start3A_75] : memref<10240x64xf32, #tpu.memory_space<vmem_shared>> -> memref<10240x64xf32, #tpu.memory_space<vmem_shared>>
      tpu.enqueue_indirect_dma source(%arg9 : memref<128x64xf32, #tpu.memory_space<vmem>>) target(%dma_start3A_76 : memref<10240x64xf32, #tpu.memory_space<vmem_shared>>) offsets(%dma_start3A_73 : memref<128xi32, #tpu.memory_space<vmem>>) semaphore(%run_scoped3A_70 : memref<!tpu.dma_semaphore, #tpu.memory_space<semaphore_mem>>) {add = true}
      %dma_wait3A_77 = arith.constant 0 : i32
      %dma_wait3A_78 = tpu.memref_slice %arg8[%run_scoped3A, %dma_wait3A_77] : memref<80x128xi32, #tpu.memory_space<vmem>> -> memref<1x128xi32, #tpu.memory_space<vmem>>
      %dma_wait3A_79 = tpu.memref_squeeze %dma_wait3A_78 : memref<1x128xi32, #tpu.memory_space<vmem>> -> memref<128xi32, #tpu.memory_space<vmem>>
      %dma_wait3A_80 = arith.constant 0 : i32
      %dma_wait3A_81 = arith.constant 0 : i32
      %dma_wait3A_82 = tpu.memref_slice %arg17[%dma_wait3A_80, %dma_wait3A_81] : memref<10240x64xf32, #tpu.memory_space<vmem_shared>> -> memref<10240x64xf32, #tpu.memory_space<vmem_shared>>
      tpu.wait_indirect_dma semaphore(%run_scoped3A_70 : memref<!tpu.dma_semaphore, #tpu.memory_space<semaphore_mem>>) src(%arg9 : memref<128x64xf32, #tpu.memory_space<vmem>>) dst(%dma_wait3A_82 : memref<10240x64xf32, #tpu.memory_space<vmem_shared>>)
      tpu.yield
    }) : () -> ()
    %dma_wait3A_41 = arith.constant 77 : i32
    %dma_wait3A_42 = arith.constant 0 : i32
    %dma_wait3A_43 = tpu.memref_slice %arg7[%dma_wait3A_41, %dma_wait3A_42] : memref<80x128xi32, #tpu.memory_space<vmem>> -> memref<1x128xi32, #tpu.memory_space<vmem>>
    %dma_wait3A_44 = tpu.memref_squeeze %dma_wait3A_43 : memref<1x128xi32, #tpu.memory_space<vmem>> -> memref<128xi32, #tpu.memory_space<vmem>>
    %dma_wait3A_45 = arith.constant 0 : i32
    %dma_wait3A_46 = arith.constant 0 : i32
    %dma_wait3A_47 = tpu.memref_slice %arg2[%dma_wait3A_45, %dma_wait3A_46] : memref<10000x64xf32, #tpu.memory_space<hbm>> -> memref<10000x64xf32, #tpu.memory_space<hbm>>
    tpu.wait_indirect_dma semaphore(%arg14 : memref<!tpu.dma_semaphore, #tpu.memory_space<semaphore_mem>>) src(%dma_wait3A_47 : memref<10000x64xf32, #tpu.memory_space<hbm>>) dst(%arg10 : memref<128x64xf32, #tpu.memory_space<vmem>>)
    %run_scoped3A_48 = arith.constant 77 : i32
    "tpu.region"() ({
      %run_scoped3A_70 = tpu.sem_alloc : memref<!tpu.dma_semaphore, #tpu.memory_space<semaphore_mem>>
      %dma_start3A_71 = arith.constant 0 : i32
      %dma_start3A_72 = tpu.memref_slice %arg8[%run_scoped3A_48, %dma_start3A_71] : memref<80x128xi32, #tpu.memory_space<vmem>> -> memref<1x128xi32, #tpu.memory_space<vmem>>
      %dma_start3A_73 = tpu.memref_squeeze %dma_start3A_72 : memref<1x128xi32, #tpu.memory_space<vmem>> -> memref<128xi32, #tpu.memory_space<vmem>>
      %dma_start3A_74 = arith.constant 0 : i32
      %dma_start3A_75 = arith.constant 0 : i32
      %dma_start3A_76 = tpu.memref_slice %arg17[%dma_start3A_74, %dma_start3A_75] : memref<10240x64xf32, #tpu.memory_space<vmem_shared>> -> memref<10240x64xf32, #tpu.memory_space<vmem_shared>>
      tpu.enqueue_indirect_dma source(%arg10 : memref<128x64xf32, #tpu.memory_space<vmem>>) target(%dma_start3A_76 : memref<10240x64xf32, #tpu.memory_space<vmem_shared>>) offsets(%dma_start3A_73 : memref<128xi32, #tpu.memory_space<vmem>>) semaphore(%run_scoped3A_70 : memref<!tpu.dma_semaphore, #tpu.memory_space<semaphore_mem>>) {add = true}
      %dma_wait3A_77 = arith.constant 0 : i32
      %dma_wait3A_78 = tpu.memref_slice %arg8[%run_scoped3A_48, %dma_wait3A_77] : memref<80x128xi32, #tpu.memory_space<vmem>> -> memref<1x128xi32, #tpu.memory_space<vmem>>
      %dma_wait3A_79 = tpu.memref_squeeze %dma_wait3A_78 : memref<1x128xi32, #tpu.memory_space<vmem>> -> memref<128xi32, #tpu.memory_space<vmem>>
      %dma_wait3A_80 = arith.constant 0 : i32
      %dma_wait3A_81 = arith.constant 0 : i32
      %dma_wait3A_82 = tpu.memref_slice %arg17[%dma_wait3A_80, %dma_wait3A_81] : memref<10240x64xf32, #tpu.memory_space<vmem_shared>> -> memref<10240x64xf32, #tpu.memory_space<vmem_shared>>
      tpu.wait_indirect_dma semaphore(%run_scoped3A_70 : memref<!tpu.dma_semaphore, #tpu.memory_space<semaphore_mem>>) src(%arg10 : memref<128x64xf32, #tpu.memory_space<vmem>>) dst(%dma_wait3A_82 : memref<10240x64xf32, #tpu.memory_space<vmem_shared>>)
      tpu.yield
    }) : () -> ()
    %dma_wait3A_49 = arith.constant 78 : i32
    %dma_wait3A_50 = arith.constant 0 : i32
    %dma_wait3A_51 = tpu.memref_slice %arg7[%dma_wait3A_49, %dma_wait3A_50] : memref<80x128xi32, #tpu.memory_space<vmem>> -> memref<1x128xi32, #tpu.memory_space<vmem>>
    %dma_wait3A_52 = tpu.memref_squeeze %dma_wait3A_51 : memref<1x128xi32, #tpu.memory_space<vmem>> -> memref<128xi32, #tpu.memory_space<vmem>>
    %dma_wait3A_53 = arith.constant 0 : i32
    %dma_wait3A_54 = arith.constant 0 : i32
    %dma_wait3A_55 = tpu.memref_slice %arg2[%dma_wait3A_53, %dma_wait3A_54] : memref<10000x64xf32, #tpu.memory_space<hbm>> -> memref<10000x64xf32, #tpu.memory_space<hbm>>
    tpu.wait_indirect_dma semaphore(%arg15 : memref<!tpu.dma_semaphore, #tpu.memory_space<semaphore_mem>>) src(%dma_wait3A_55 : memref<10000x64xf32, #tpu.memory_space<hbm>>) dst(%arg11 : memref<128x64xf32, #tpu.memory_space<vmem>>)
    %run_scoped3A_56 = arith.constant 78 : i32
    "tpu.region"() ({
      %run_scoped3A_70 = tpu.sem_alloc : memref<!tpu.dma_semaphore, #tpu.memory_space<semaphore_mem>>
      %dma_start3A_71 = arith.constant 0 : i32
      %dma_start3A_72 = tpu.memref_slice %arg8[%run_scoped3A_56, %dma_start3A_71] : memref<80x128xi32, #tpu.memory_space<vmem>> -> memref<1x128xi32, #tpu.memory_space<vmem>>
      %dma_start3A_73 = tpu.memref_squeeze %dma_start3A_72 : memref<1x128xi32, #tpu.memory_space<vmem>> -> memref<128xi32, #tpu.memory_space<vmem>>
      %dma_start3A_74 = arith.constant 0 : i32
      %dma_start3A_75 = arith.constant 0 : i32
      %dma_start3A_76 = tpu.memref_slice %arg17[%dma_start3A_74, %dma_start3A_75] : memref<10240x64xf32, #tpu.memory_space<vmem_shared>> -> memref<10240x64xf32, #tpu.memory_space<vmem_shared>>
      tpu.enqueue_indirect_dma source(%arg11 : memref<128x64xf32, #tpu.memory_space<vmem>>) target(%dma_start3A_76 : memref<10240x64xf32, #tpu.memory_space<vmem_shared>>) offsets(%dma_start3A_73 : memref<128xi32, #tpu.memory_space<vmem>>) semaphore(%run_scoped3A_70 : memref<!tpu.dma_semaphore, #tpu.memory_space<semaphore_mem>>) {add = true}
      %dma_wait3A_77 = arith.constant 0 : i32
      %dma_wait3A_78 = tpu.memref_slice %arg8[%run_scoped3A_56, %dma_wait3A_77] : memref<80x128xi32, #tpu.memory_space<vmem>> -> memref<1x128xi32, #tpu.memory_space<vmem>>
      %dma_wait3A_79 = tpu.memref_squeeze %dma_wait3A_78 : memref<1x128xi32, #tpu.memory_space<vmem>> -> memref<128xi32, #tpu.memory_space<vmem>>
      %dma_wait3A_80 = arith.constant 0 : i32
      %dma_wait3A_81 = arith.constant 0 : i32
      %dma_wait3A_82 = tpu.memref_slice %arg17[%dma_wait3A_80, %dma_wait3A_81] : memref<10240x64xf32, #tpu.memory_space<vmem_shared>> -> memref<10240x64xf32, #tpu.memory_space<vmem_shared>>
      tpu.wait_indirect_dma semaphore(%run_scoped3A_70 : memref<!tpu.dma_semaphore, #tpu.memory_space<semaphore_mem>>) src(%arg11 : memref<128x64xf32, #tpu.memory_space<vmem>>) dst(%dma_wait3A_82 : memref<10240x64xf32, #tpu.memory_space<vmem_shared>>)
      tpu.yield
    }) : () -> ()
    %dma_wait3A_57 = arith.constant 79 : i32
    %dma_wait3A_58 = arith.constant 0 : i32
    %dma_wait3A_59 = tpu.memref_slice %arg7[%dma_wait3A_57, %dma_wait3A_58] : memref<80x128xi32, #tpu.memory_space<vmem>> -> memref<1x128xi32, #tpu.memory_space<vmem>>
    %dma_wait3A_60 = tpu.memref_squeeze %dma_wait3A_59 : memref<1x128xi32, #tpu.memory_space<vmem>> -> memref<128xi32, #tpu.memory_space<vmem>>
    %dma_wait3A_61 = arith.constant 0 : i32
    %dma_wait3A_62 = arith.constant 0 : i32
    %dma_wait3A_63 = tpu.memref_slice %arg2[%dma_wait3A_61, %dma_wait3A_62] : memref<10000x64xf32, #tpu.memory_space<hbm>> -> memref<10000x64xf32, #tpu.memory_space<hbm>>
    tpu.wait_indirect_dma semaphore(%arg16 : memref<!tpu.dma_semaphore, #tpu.memory_space<semaphore_mem>>) src(%dma_wait3A_63 : memref<10000x64xf32, #tpu.memory_space<hbm>>) dst(%arg12 : memref<128x64xf32, #tpu.memory_space<vmem>>)
    %run_scoped3A_64 = arith.constant 79 : i32
    "tpu.region"() ({
      %run_scoped3A_70 = tpu.sem_alloc : memref<!tpu.dma_semaphore, #tpu.memory_space<semaphore_mem>>
      %dma_start3A_71 = arith.constant 0 : i32
      %dma_start3A_72 = tpu.memref_slice %arg8[%run_scoped3A_64, %dma_start3A_71] : memref<80x128xi32, #tpu.memory_space<vmem>> -> memref<1x128xi32, #tpu.memory_space<vmem>>
      %dma_start3A_73 = tpu.memref_squeeze %dma_start3A_72 : memref<1x128xi32, #tpu.memory_space<vmem>> -> memref<128xi32, #tpu.memory_space<vmem>>
      %dma_start3A_74 = arith.constant 0 : i32
      %dma_start3A_75 = arith.constant 0 : i32
      %dma_start3A_76 = tpu.memref_slice %arg17[%dma_start3A_74, %dma_start3A_75] : memref<10240x64xf32, #tpu.memory_space<vmem_shared>> -> memref<10240x64xf32, #tpu.memory_space<vmem_shared>>
      tpu.enqueue_indirect_dma source(%arg12 : memref<128x64xf32, #tpu.memory_space<vmem>>) target(%dma_start3A_76 : memref<10240x64xf32, #tpu.memory_space<vmem_shared>>) offsets(%dma_start3A_73 : memref<128xi32, #tpu.memory_space<vmem>>) semaphore(%run_scoped3A_70 : memref<!tpu.dma_semaphore, #tpu.memory_space<semaphore_mem>>) {add = true}
      %dma_wait3A_77 = arith.constant 0 : i32
      %dma_wait3A_78 = tpu.memref_slice %arg8[%run_scoped3A_64, %dma_wait3A_77] : memref<80x128xi32, #tpu.memory_space<vmem>> -> memref<1x128xi32, #tpu.memory_space<vmem>>
      %dma_wait3A_79 = tpu.memref_squeeze %dma_wait3A_78 : memref<1x128xi32, #tpu.memory_space<vmem>> -> memref<128xi32, #tpu.memory_space<vmem>>
      %dma_wait3A_80 = arith.constant 0 : i32
      %dma_wait3A_81 = arith.constant 0 : i32
      %dma_wait3A_82 = tpu.memref_slice %arg17[%dma_wait3A_80, %dma_wait3A_81] : memref<10240x64xf32, #tpu.memory_space<vmem_shared>> -> memref<10240x64xf32, #tpu.memory_space<vmem_shared>>
      tpu.wait_indirect_dma semaphore(%run_scoped3A_70 : memref<!tpu.dma_semaphore, #tpu.memory_space<semaphore_mem>>) src(%arg12 : memref<128x64xf32, #tpu.memory_space<vmem>>) dst(%dma_wait3A_82 : memref<10240x64xf32, #tpu.memory_space<vmem_shared>>)
      tpu.yield
    }) : () -> ()
    %barrier3A_65 = arith.constant 0 : index
    tpu.barrier barrier_id(%barrier3A_65)
    %mul3A_66 = arith.constant 640 : i32
    %mul3A_67 = arith.muli %arg1, %mul3A_66 : i32
    %mul3A_68 = arith.constant 640 : i32
    %mul3A_69 = arith.muli %arg1, %mul3A_68 : i32
    "tpu.region"() ({
      %run_scoped3A_70 = tpu.sem_alloc : memref<!tpu.dma_semaphore, #tpu.memory_space<semaphore_mem>>
      %dma_start3A_71 = arith.constant 0 : i32
      %dma_start3A_72 = tpu.memref_slice %arg6[%arg0, %mul3A_69, %dma_start3A_71] : memref<2x10240x64xf32, #tpu.memory_space<hbm>> -> memref<1x640x64xf32, #tpu.memory_space<hbm>>
      %dma_start3A_73 = tpu.memref_squeeze %dma_start3A_72 : memref<1x640x64xf32, #tpu.memory_space<hbm>> -> memref<640x64xf32, #tpu.memory_space<hbm>>
      %dma_start3A_74 = arith.constant 0 : i32
      %dma_start3A_75 = tpu.memref_slice %arg17[%mul3A_67, %dma_start3A_74] : memref<10240x64xf32, #tpu.memory_space<vmem_shared>> -> memref<640x64xf32, #tpu.memory_space<vmem_shared>>
      tpu.enqueue_dma source(%dma_start3A_75 : memref<640x64xf32, #tpu.memory_space<vmem_shared>>) target(%dma_start3A_73 : memref<640x64xf32, #tpu.memory_space<hbm>>) target_semaphore(%run_scoped3A_70 : memref<!tpu.dma_semaphore, #tpu.memory_space<semaphore_mem>>)
      %dma_wait3A_76 = arith.constant 0 : i32
      %dma_wait3A_77 = tpu.memref_slice %arg6[%arg0, %mul3A_69, %dma_wait3A_76] : memref<2x10240x64xf32, #tpu.memory_space<hbm>> -> memref<1x640x64xf32, #tpu.memory_space<hbm>>
      %dma_wait3A_78 = tpu.memref_squeeze %dma_wait3A_77 : memref<1x640x64xf32, #tpu.memory_space<hbm>> -> memref<640x64xf32, #tpu.memory_space<hbm>>
      %dma_wait3A_79 = arith.constant 0 : i32
      %dma_wait3A_80 = tpu.memref_slice %arg17[%mul3A_67, %dma_wait3A_79] : memref<10240x64xf32, #tpu.memory_space<vmem_shared>> -> memref<640x64xf32, #tpu.memory_space<vmem_shared>>
      tpu.wait_dma2 semaphore(%run_scoped3A_70 : memref<!tpu.dma_semaphore, #tpu.memory_space<semaphore_mem>>) src(%dma_wait3A_80 : memref<640x64xf32, #tpu.memory_space<vmem_shared>>) dst(%dma_wait3A_78 : memref<640x64xf32, #tpu.memory_space<hbm>>)
      tpu.yield
    }) : () -> ()
    return
  }
}

#map = affine_map<(d0, d1) -> (0, 0)>
#map1 = affine_map<(d0, d1) -> (0, 0, 0)>
module attributes {stable_mosaic.version = 14 : i64} {
  func.func @k_prop(%arg0: i32, %arg1: i32, %arg2: memref<10000x8xf32, #tpu.memory_space<hbm>>, %arg3: memref<32x80x128xi32, #tpu.memory_space<hbm>>, %arg4: memref<32x80x128xi32, #tpu.memory_space<hbm>>, %arg5: memref<640x8xf32, #tpu.memory_space<hbm>>, %arg6: memref<2x10240x8xf32, #tpu.memory_space<hbm>>, %arg7: memref<80x128xi32, #tpu.memory_space<vmem>>, %arg8: memref<80x128xi32, #tpu.memory_space<vmem>>, %arg9: memref<128x8xf32, #tpu.memory_space<vmem>>, %arg10: memref<128x8xf32, #tpu.memory_space<vmem>>, %arg11: memref<128x8xf32, #tpu.memory_space<vmem>>, %arg12: memref<128x8xf32, #tpu.memory_space<vmem>>, %arg13: memref<!tpu.dma_semaphore, #tpu.memory_space<semaphore_mem>>, %arg14: memref<!tpu.dma_semaphore, #tpu.memory_space<semaphore_mem>>, %arg15: memref<!tpu.dma_semaphore, #tpu.memory_space<semaphore_mem>>, %arg16: memref<!tpu.dma_semaphore, #tpu.memory_space<semaphore_mem>>, %arg17: memref<10240x8xf32, #tpu.memory_space<vmem_shared>>) attributes {dimension_semantics = [#tpu.dimension_semantics<core_parallel>, #tpu.dimension_semantics<subcore_parallel>], iteration_bounds = array<i64: 2, 16>, scalar_prefetch = 0 : i64, scratch_operands = 11 : i64, tpu.core_type = #tpu.core_type<sc_vector_subcore>, window_params = [{transform_indices = #map}, {transform_indices = #map1}, {transform_indices = #map1}, {transform_indices = #map}, {transform_indices = #map1}]} {
    %mul3A = arith.constant 16 : i32
    %mul3A_0 = arith.muli %arg0, %mul3A : i32
    %add3A = arith.addi %mul3A_0, %arg1 : i32
    "tpu.region"() ({
      %run_scoped3A_70 = tpu.sem_alloc : memref<!tpu.dma_semaphore, #tpu.memory_space<semaphore_mem>>
      %dma_start3A_71 = arith.constant 0 : i32
      %dma_start3A_72 = arith.constant 0 : i32
      %dma_start3A_73 = tpu.memref_slice %arg3[%add3A, %dma_start3A_71, %dma_start3A_72] : memref<32x80x128xi32, #tpu.memory_space<hbm>> -> memref<1x80x128xi32, #tpu.memory_space<hbm>>
      %dma_start3A_74 = tpu.memref_squeeze %dma_start3A_73 : memref<1x80x128xi32, #tpu.memory_space<hbm>> -> memref<80x128xi32, #tpu.memory_space<hbm>>
      %dma_start3A_75 = arith.constant 0 : i32
      %dma_start3A_76 = arith.constant 0 : i32
      %dma_start3A_77 = tpu.memref_slice %arg3[%add3A, %dma_start3A_75, %dma_start3A_76] : memref<32x80x128xi32, #tpu.memory_space<hbm>> -> memref<1x80x128xi32, #tpu.memory_space<hbm>>
      %dma_start3A_78 = tpu.memref_squeeze %dma_start3A_77 : memref<1x80x128xi32, #tpu.memory_space<hbm>> -> memref<80x128xi32, #tpu.memory_space<hbm>>
      tpu.enqueue_dma source(%dma_start3A_78 : memref<80x128xi32, #tpu.memory_space<hbm>>) target(%arg7 : memref<80x128xi32, #tpu.memory_space<vmem>>) target_semaphore(%run_scoped3A_70 : memref<!tpu.dma_semaphore, #tpu.memory_space<semaphore_mem>>)
      %dma_wait3A_79 = arith.constant 0 : i32
      %dma_wait3A_80 = arith.constant 0 : i32
      %dma_wait3A_81 = tpu.memref_slice %arg3[%add3A, %dma_wait3A_79, %dma_wait3A_80] : memref<32x80x128xi32, #tpu.memory_space<hbm>> -> memref<1x80x128xi32, #tpu.memory_space<hbm>>
      %dma_wait3A_82 = tpu.memref_squeeze %dma_wait3A_81 : memref<1x80x128xi32, #tpu.memory_space<hbm>> -> memref<80x128xi32, #tpu.memory_space<hbm>>
      %dma_wait3A_83 = arith.constant 0 : i32
      %dma_wait3A_84 = arith.constant 0 : i32
      %dma_wait3A_85 = tpu.memref_slice %arg3[%add3A, %dma_wait3A_83, %dma_wait3A_84] : memref<32x80x128xi32, #tpu.memory_space<hbm>> -> memref<1x80x128xi32, #tpu.memory_space<hbm>>
      %dma_wait3A_86 = tpu.memref_squeeze %dma_wait3A_85 : memref<1x80x128xi32, #tpu.memory_space<hbm>> -> memref<80x128xi32, #tpu.memory_space<hbm>>
      tpu.wait_dma2 semaphore(%run_scoped3A_70 : memref<!tpu.dma_semaphore, #tpu.memory_space<semaphore_mem>>) src(%dma_wait3A_86 : memref<80x128xi32, #tpu.memory_space<hbm>>) dst(%arg7 : memref<80x128xi32, #tpu.memory_space<vmem>>)
      tpu.yield
    }) : () -> ()
    "tpu.region"() ({
      %run_scoped3A_70 = tpu.sem_alloc : memref<!tpu.dma_semaphore, #tpu.memory_space<semaphore_mem>>
      %dma_start3A_71 = arith.constant 0 : i32
      %dma_start3A_72 = arith.constant 0 : i32
      %dma_start3A_73 = tpu.memref_slice %arg4[%add3A, %dma_start3A_71, %dma_start3A_72] : memref<32x80x128xi32, #tpu.memory_space<hbm>> -> memref<1x80x128xi32, #tpu.memory_space<hbm>>
      %dma_start3A_74 = tpu.memref_squeeze %dma_start3A_73 : memref<1x80x128xi32, #tpu.memory_space<hbm>> -> memref<80x128xi32, #tpu.memory_space<hbm>>
      %dma_start3A_75 = arith.constant 0 : i32
      %dma_start3A_76 = arith.constant 0 : i32
      %dma_start3A_77 = tpu.memref_slice %arg4[%add3A, %dma_start3A_75, %dma_start3A_76] : memref<32x80x128xi32, #tpu.memory_space<hbm>> -> memref<1x80x128xi32, #tpu.memory_space<hbm>>
      %dma_start3A_78 = tpu.memref_squeeze %dma_start3A_77 : memref<1x80x128xi32, #tpu.memory_space<hbm>> -> memref<80x128xi32, #tpu.memory_space<hbm>>
      tpu.enqueue_dma source(%dma_start3A_78 : memref<80x128xi32, #tpu.memory_space<hbm>>) target(%arg8 : memref<80x128xi32, #tpu.memory_space<vmem>>) target_semaphore(%run_scoped3A_70 : memref<!tpu.dma_semaphore, #tpu.memory_space<semaphore_mem>>)
      %dma_wait3A_79 = arith.constant 0 : i32
      %dma_wait3A_80 = arith.constant 0 : i32
      %dma_wait3A_81 = tpu.memref_slice %arg4[%add3A, %dma_wait3A_79, %dma_wait3A_80] : memref<32x80x128xi32, #tpu.memory_space<hbm>> -> memref<1x80x128xi32, #tpu.memory_space<hbm>>
      %dma_wait3A_82 = tpu.memref_squeeze %dma_wait3A_81 : memref<1x80x128xi32, #tpu.memory_space<hbm>> -> memref<80x128xi32, #tpu.memory_space<hbm>>
      %dma_wait3A_83 = arith.constant 0 : i32
      %dma_wait3A_84 = arith.constant 0 : i32
      %dma_wait3A_85 = tpu.memref_slice %arg4[%add3A, %dma_wait3A_83, %dma_wait3A_84] : memref<32x80x128xi32, #tpu.memory_space<hbm>> -> memref<1x80x128xi32, #tpu.memory_space<hbm>>
      %dma_wait3A_86 = tpu.memref_squeeze %dma_wait3A_85 : memref<1x80x128xi32, #tpu.memory_space<hbm>> -> memref<80x128xi32, #tpu.memory_space<hbm>>
      tpu.wait_dma2 semaphore(%run_scoped3A_70 : memref<!tpu.dma_semaphore, #tpu.memory_space<semaphore_mem>>) src(%dma_wait3A_86 : memref<80x128xi32, #tpu.memory_space<hbm>>) dst(%arg8 : memref<80x128xi32, #tpu.memory_space<vmem>>)
      tpu.yield
    }) : () -> ()
    %mul3A_1 = arith.constant 640 : i32
    %mul3A_2 = arith.muli %arg1, %mul3A_1 : i32
    "tpu.region"() ({
      %run_scoped3A_70 = tpu.sem_alloc : memref<!tpu.dma_semaphore, #tpu.memory_space<semaphore_mem>>
      %dma_start3A_71 = arith.constant 0 : i32
      %dma_start3A_72 = tpu.memref_slice %arg17[%mul3A_2, %dma_start3A_71] : memref<10240x8xf32, #tpu.memory_space<vmem_shared>> -> memref<640x8xf32, #tpu.memory_space<vmem_shared>>
      tpu.enqueue_dma source(%arg5 : memref<640x8xf32, #tpu.memory_space<hbm>>) target(%dma_start3A_72 : memref<640x8xf32, #tpu.memory_space<vmem_shared>>) target_semaphore(%run_scoped3A_70 : memref<!tpu.dma_semaphore, #tpu.memory_space<semaphore_mem>>)
      %dma_wait3A_73 = arith.constant 0 : i32
      %dma_wait3A_74 = tpu.memref_slice %arg17[%mul3A_2, %dma_wait3A_73] : memref<10240x8xf32, #tpu.memory_space<vmem_shared>> -> memref<640x8xf32, #tpu.memory_space<vmem_shared>>
      tpu.wait_dma2 semaphore(%run_scoped3A_70 : memref<!tpu.dma_semaphore, #tpu.memory_space<semaphore_mem>>) src(%arg5 : memref<640x8xf32, #tpu.memory_space<hbm>>) dst(%dma_wait3A_74 : memref<640x8xf32, #tpu.memory_space<vmem_shared>>)
      tpu.yield
    }) : () -> ()
    %barrier3A = arith.constant 0 : index
    tpu.barrier barrier_id(%barrier3A)
    %dma_start3A = arith.constant 0 : i32
    %dma_start3A_3 = arith.constant 0 : i32
    %dma_start3A_4 = tpu.memref_slice %arg7[%dma_start3A, %dma_start3A_3] : memref<80x128xi32, #tpu.memory_space<vmem>> -> memref<1x128xi32, #tpu.memory_space<vmem>>
    %dma_start3A_5 = tpu.memref_squeeze %dma_start3A_4 : memref<1x128xi32, #tpu.memory_space<vmem>> -> memref<128xi32, #tpu.memory_space<vmem>>
    %dma_start3A_6 = arith.constant 0 : i32
    %dma_start3A_7 = arith.constant 0 : i32
    %dma_start3A_8 = tpu.memref_slice %arg2[%dma_start3A_6, %dma_start3A_7] : memref<10000x8xf32, #tpu.memory_space<hbm>> -> memref<10000x8xf32, #tpu.memory_space<hbm>>
    tpu.enqueue_indirect_dma source(%dma_start3A_8 : memref<10000x8xf32, #tpu.memory_space<hbm>>) target(%arg9 : memref<128x8xf32, #tpu.memory_space<vmem>>) offsets(%dma_start3A_5 : memref<128xi32, #tpu.memory_space<vmem>>) semaphore(%arg13 : memref<!tpu.dma_semaphore, #tpu.memory_space<semaphore_mem>>)
    %dma_start3A_9 = arith.constant 1 : i32
    %dma_start3A_10 = arith.constant 0 : i32
    %dma_start3A_11 = tpu.memref_slice %arg7[%dma_start3A_9, %dma_start3A_10] : memref<80x128xi32, #tpu.memory_space<vmem>> -> memref<1x128xi32, #tpu.memory_space<vmem>>
    %dma_start3A_12 = tpu.memref_squeeze %dma_start3A_11 : memref<1x128xi32, #tpu.memory_space<vmem>> -> memref<128xi32, #tpu.memory_space<vmem>>
    %dma_start3A_13 = arith.constant 0 : i32
    %dma_start3A_14 = arith.constant 0 : i32
    %dma_start3A_15 = tpu.memref_slice %arg2[%dma_start3A_13, %dma_start3A_14] : memref<10000x8xf32, #tpu.memory_space<hbm>> -> memref<10000x8xf32, #tpu.memory_space<hbm>>
    tpu.enqueue_indirect_dma source(%dma_start3A_15 : memref<10000x8xf32, #tpu.memory_space<hbm>>) target(%arg10 : memref<128x8xf32, #tpu.memory_space<vmem>>) offsets(%dma_start3A_12 : memref<128xi32, #tpu.memory_space<vmem>>) semaphore(%arg14 : memref<!tpu.dma_semaphore, #tpu.memory_space<semaphore_mem>>)
    %dma_start3A_16 = arith.constant 2 : i32
    %dma_start3A_17 = arith.constant 0 : i32
    %dma_start3A_18 = tpu.memref_slice %arg7[%dma_start3A_16, %dma_start3A_17] : memref<80x128xi32, #tpu.memory_space<vmem>> -> memref<1x128xi32, #tpu.memory_space<vmem>>
    %dma_start3A_19 = tpu.memref_squeeze %dma_start3A_18 : memref<1x128xi32, #tpu.memory_space<vmem>> -> memref<128xi32, #tpu.memory_space<vmem>>
    %dma_start3A_20 = arith.constant 0 : i32
    %dma_start3A_21 = arith.constant 0 : i32
    %dma_start3A_22 = tpu.memref_slice %arg2[%dma_start3A_20, %dma_start3A_21] : memref<10000x8xf32, #tpu.memory_space<hbm>> -> memref<10000x8xf32, #tpu.memory_space<hbm>>
    tpu.enqueue_indirect_dma source(%dma_start3A_22 : memref<10000x8xf32, #tpu.memory_space<hbm>>) target(%arg11 : memref<128x8xf32, #tpu.memory_space<vmem>>) offsets(%dma_start3A_19 : memref<128xi32, #tpu.memory_space<vmem>>) semaphore(%arg15 : memref<!tpu.dma_semaphore, #tpu.memory_space<semaphore_mem>>)
    %dma_start3A_23 = arith.constant 3 : i32
    %dma_start3A_24 = arith.constant 0 : i32
    %dma_start3A_25 = tpu.memref_slice %arg7[%dma_start3A_23, %dma_start3A_24] : memref<80x128xi32, #tpu.memory_space<vmem>> -> memref<1x128xi32, #tpu.memory_space<vmem>>
    %dma_start3A_26 = tpu.memref_squeeze %dma_start3A_25 : memref<1x128xi32, #tpu.memory_space<vmem>> -> memref<128xi32, #tpu.memory_space<vmem>>
    %dma_start3A_27 = arith.constant 0 : i32
    %dma_start3A_28 = arith.constant 0 : i32
    %dma_start3A_29 = tpu.memref_slice %arg2[%dma_start3A_27, %dma_start3A_28] : memref<10000x8xf32, #tpu.memory_space<hbm>> -> memref<10000x8xf32, #tpu.memory_space<hbm>>
    tpu.enqueue_indirect_dma source(%dma_start3A_29 : memref<10000x8xf32, #tpu.memory_space<hbm>>) target(%arg12 : memref<128x8xf32, #tpu.memory_space<vmem>>) offsets(%dma_start3A_26 : memref<128xi32, #tpu.memory_space<vmem>>) semaphore(%arg16 : memref<!tpu.dma_semaphore, #tpu.memory_space<semaphore_mem>>)
    %scan3A = arith.constant 0 : i32
    %scan3A_30 = arith.constant 0 : i32
    %scan3A_31 = arith.constant 19 : i32
    %scan3A_32 = arith.addi %scan3A_30, %scan3A_31 : i32
    %scan3A_33 = arith.constant 1 : i32
    scf.for %scan3A_70 = %scan3A_30 to %scan3A_32 step %scan3A_33  : i32 {
      %mul3A_71 = arith.constant 4 : i32
      %mul3A_72 = arith.muli %scan3A_70, %mul3A_71 : i32
      %add3A_73 = arith.constant 0 : i32
      %add3A_74 = arith.addi %mul3A_72, %add3A_73 : i32
      %dma_wait3A_75 = arith.constant 0 : i32
      %dma_wait3A_76 = tpu.memref_slice %arg7[%add3A_74, %dma_wait3A_75] : memref<80x128xi32, #tpu.memory_space<vmem>> -> memref<1x128xi32, #tpu.memory_space<vmem>>
      %dma_wait3A_77 = tpu.memref_squeeze %dma_wait3A_76 : memref<1x128xi32, #tpu.memory_space<vmem>> -> memref<128xi32, #tpu.memory_space<vmem>>
      %dma_wait3A_78 = arith.constant 0 : i32
      %dma_wait3A_79 = arith.constant 0 : i32
      %dma_wait3A_80 = tpu.memref_slice %arg2[%dma_wait3A_78, %dma_wait3A_79] : memref<10000x8xf32, #tpu.memory_space<hbm>> -> memref<10000x8xf32, #tpu.memory_space<hbm>>
      tpu.wait_indirect_dma semaphore(%arg13 : memref<!tpu.dma_semaphore, #tpu.memory_space<semaphore_mem>>) src(%dma_wait3A_80 : memref<10000x8xf32, #tpu.memory_space<hbm>>) dst(%arg9 : memref<128x8xf32, #tpu.memory_space<vmem>>)
      "tpu.region"() ({
        %run_scoped3A_143 = tpu.sem_alloc : memref<!tpu.dma_semaphore, #tpu.memory_space<semaphore_mem>>
        %dma_start3A_144 = arith.constant 0 : i32
        %dma_start3A_145 = tpu.memref_slice %arg8[%add3A_74, %dma_start3A_144] : memref<80x128xi32, #tpu.memory_space<vmem>> -> memref<1x128xi32, #tpu.memory_space<vmem>>
        %dma_start3A_146 = tpu.memref_squeeze %dma_start3A_145 : memref<1x128xi32, #tpu.memory_space<vmem>> -> memref<128xi32, #tpu.memory_space<vmem>>
        %dma_start3A_147 = arith.constant 0 : i32
        %dma_start3A_148 = arith.constant 0 : i32
        %dma_start3A_149 = tpu.memref_slice %arg17[%dma_start3A_147, %dma_start3A_148] : memref<10240x8xf32, #tpu.memory_space<vmem_shared>> -> memref<10240x8xf32, #tpu.memory_space<vmem_shared>>
        tpu.enqueue_indirect_dma source(%arg9 : memref<128x8xf32, #tpu.memory_space<vmem>>) target(%dma_start3A_149 : memref<10240x8xf32, #tpu.memory_space<vmem_shared>>) offsets(%dma_start3A_146 : memref<128xi32, #tpu.memory_space<vmem>>) semaphore(%run_scoped3A_143 : memref<!tpu.dma_semaphore, #tpu.memory_space<semaphore_mem>>) {add = true}
        %dma_wait3A_150 = arith.constant 0 : i32
        %dma_wait3A_151 = tpu.memref_slice %arg8[%add3A_74, %dma_wait3A_150] : memref<80x128xi32, #tpu.memory_space<vmem>> -> memref<1x128xi32, #tpu.memory_space<vmem>>
        %dma_wait3A_152 = tpu.memref_squeeze %dma_wait3A_151 : memref<1x128xi32, #tpu.memory_space<vmem>> -> memref<128xi32, #tpu.memory_space<vmem>>
        %dma_wait3A_153 = arith.constant 0 : i32
        %dma_wait3A_154 = arith.constant 0 : i32
        %dma_wait3A_155 = tpu.memref_slice %arg17[%dma_wait3A_153, %dma_wait3A_154] : memref<10240x8xf32, #tpu.memory_space<vmem_shared>> -> memref<10240x8xf32, #tpu.memory_space<vmem_shared>>
        tpu.wait_indirect_dma semaphore(%run_scoped3A_143 : memref<!tpu.dma_semaphore, #tpu.memory_space<semaphore_mem>>) src(%arg9 : memref<128x8xf32, #tpu.memory_space<vmem>>) dst(%dma_wait3A_155 : memref<10240x8xf32, #tpu.memory_space<vmem_shared>>)
        tpu.yield
      }) : () -> ()
      %add3A_81 = arith.constant 4 : i32
      %add3A_82 = arith.addi %add3A_74, %add3A_81 : i32
      %dma_start3A_83 = arith.constant 0 : i32
      %dma_start3A_84 = tpu.memref_slice %arg7[%add3A_82, %dma_start3A_83] : memref<80x128xi32, #tpu.memory_space<vmem>> -> memref<1x128xi32, #tpu.memory_space<vmem>>
      %dma_start3A_85 = tpu.memref_squeeze %dma_start3A_84 : memref<1x128xi32, #tpu.memory_space<vmem>> -> memref<128xi32, #tpu.memory_space<vmem>>
      %dma_start3A_86 = arith.constant 0 : i32
      %dma_start3A_87 = arith.constant 0 : i32
      %dma_start3A_88 = tpu.memref_slice %arg2[%dma_start3A_86, %dma_start3A_87] : memref<10000x8xf32, #tpu.memory_space<hbm>> -> memref<10000x8xf32, #tpu.memory_space<hbm>>
      tpu.enqueue_indirect_dma source(%dma_start3A_88 : memref<10000x8xf32, #tpu.memory_space<hbm>>) target(%arg9 : memref<128x8xf32, #tpu.memory_space<vmem>>) offsets(%dma_start3A_85 : memref<128xi32, #tpu.memory_space<vmem>>) semaphore(%arg13 : memref<!tpu.dma_semaphore, #tpu.memory_space<semaphore_mem>>)
      %mul3A_89 = arith.constant 4 : i32
      %mul3A_90 = arith.muli %scan3A_70, %mul3A_89 : i32
      %add3A_91 = arith.constant 1 : i32
      %add3A_92 = arith.addi %mul3A_90, %add3A_91 : i32
      %dma_wait3A_93 = arith.constant 0 : i32
      %dma_wait3A_94 = tpu.memref_slice %arg7[%add3A_92, %dma_wait3A_93] : memref<80x128xi32, #tpu.memory_space<vmem>> -> memref<1x128xi32, #tpu.memory_space<vmem>>
      %dma_wait3A_95 = tpu.memref_squeeze %dma_wait3A_94 : memref<1x128xi32, #tpu.memory_space<vmem>> -> memref<128xi32, #tpu.memory_space<vmem>>
      %dma_wait3A_96 = arith.constant 0 : i32
      %dma_wait3A_97 = arith.constant 0 : i32
      %dma_wait3A_98 = tpu.memref_slice %arg2[%dma_wait3A_96, %dma_wait3A_97] : memref<10000x8xf32, #tpu.memory_space<hbm>> -> memref<10000x8xf32, #tpu.memory_space<hbm>>
      tpu.wait_indirect_dma semaphore(%arg14 : memref<!tpu.dma_semaphore, #tpu.memory_space<semaphore_mem>>) src(%dma_wait3A_98 : memref<10000x8xf32, #tpu.memory_space<hbm>>) dst(%arg10 : memref<128x8xf32, #tpu.memory_space<vmem>>)
      "tpu.region"() ({
        %run_scoped3A_143 = tpu.sem_alloc : memref<!tpu.dma_semaphore, #tpu.memory_space<semaphore_mem>>
        %dma_start3A_144 = arith.constant 0 : i32
        %dma_start3A_145 = tpu.memref_slice %arg8[%add3A_92, %dma_start3A_144] : memref<80x128xi32, #tpu.memory_space<vmem>> -> memref<1x128xi32, #tpu.memory_space<vmem>>
        %dma_start3A_146 = tpu.memref_squeeze %dma_start3A_145 : memref<1x128xi32, #tpu.memory_space<vmem>> -> memref<128xi32, #tpu.memory_space<vmem>>
        %dma_start3A_147 = arith.constant 0 : i32
        %dma_start3A_148 = arith.constant 0 : i32
        %dma_start3A_149 = tpu.memref_slice %arg17[%dma_start3A_147, %dma_start3A_148] : memref<10240x8xf32, #tpu.memory_space<vmem_shared>> -> memref<10240x8xf32, #tpu.memory_space<vmem_shared>>
        tpu.enqueue_indirect_dma source(%arg10 : memref<128x8xf32, #tpu.memory_space<vmem>>) target(%dma_start3A_149 : memref<10240x8xf32, #tpu.memory_space<vmem_shared>>) offsets(%dma_start3A_146 : memref<128xi32, #tpu.memory_space<vmem>>) semaphore(%run_scoped3A_143 : memref<!tpu.dma_semaphore, #tpu.memory_space<semaphore_mem>>) {add = true}
        %dma_wait3A_150 = arith.constant 0 : i32
        %dma_wait3A_151 = tpu.memref_slice %arg8[%add3A_92, %dma_wait3A_150] : memref<80x128xi32, #tpu.memory_space<vmem>> -> memref<1x128xi32, #tpu.memory_space<vmem>>
        %dma_wait3A_152 = tpu.memref_squeeze %dma_wait3A_151 : memref<1x128xi32, #tpu.memory_space<vmem>> -> memref<128xi32, #tpu.memory_space<vmem>>
        %dma_wait3A_153 = arith.constant 0 : i32
        %dma_wait3A_154 = arith.constant 0 : i32
        %dma_wait3A_155 = tpu.memref_slice %arg17[%dma_wait3A_153, %dma_wait3A_154] : memref<10240x8xf32, #tpu.memory_space<vmem_shared>> -> memref<10240x8xf32, #tpu.memory_space<vmem_shared>>
        tpu.wait_indirect_dma semaphore(%run_scoped3A_143 : memref<!tpu.dma_semaphore, #tpu.memory_space<semaphore_mem>>) src(%arg10 : memref<128x8xf32, #tpu.memory_space<vmem>>) dst(%dma_wait3A_155 : memref<10240x8xf32, #tpu.memory_space<vmem_shared>>)
        tpu.yield
      }) : () -> ()
      %add3A_99 = arith.constant 4 : i32
      %add3A_100 = arith.addi %add3A_92, %add3A_99 : i32
      %dma_start3A_101 = arith.constant 0 : i32
      %dma_start3A_102 = tpu.memref_slice %arg7[%add3A_100, %dma_start3A_101] : memref<80x128xi32, #tpu.memory_space<vmem>> -> memref<1x128xi32, #tpu.memory_space<vmem>>
      %dma_start3A_103 = tpu.memref_squeeze %dma_start3A_102 : memref<1x128xi32, #tpu.memory_space<vmem>> -> memref<128xi32, #tpu.memory_space<vmem>>
      %dma_start3A_104 = arith.constant 0 : i32
      %dma_start3A_105 = arith.constant 0 : i32
      %dma_start3A_106 = tpu.memref_slice %arg2[%dma_start3A_104, %dma_start3A_105] : memref<10000x8xf32, #tpu.memory_space<hbm>> -> memref<10000x8xf32, #tpu.memory_space<hbm>>
      tpu.enqueue_indirect_dma source(%dma_start3A_106 : memref<10000x8xf32, #tpu.memory_space<hbm>>) target(%arg10 : memref<128x8xf32, #tpu.memory_space<vmem>>) offsets(%dma_start3A_103 : memref<128xi32, #tpu.memory_space<vmem>>) semaphore(%arg14 : memref<!tpu.dma_semaphore, #tpu.memory_space<semaphore_mem>>)
      %mul3A_107 = arith.constant 4 : i32
      %mul3A_108 = arith.muli %scan3A_70, %mul3A_107 : i32
      %add3A_109 = arith.constant 2 : i32
      %add3A_110 = arith.addi %mul3A_108, %add3A_109 : i32
      %dma_wait3A_111 = arith.constant 0 : i32
      %dma_wait3A_112 = tpu.memref_slice %arg7[%add3A_110, %dma_wait3A_111] : memref<80x128xi32, #tpu.memory_space<vmem>> -> memref<1x128xi32, #tpu.memory_space<vmem>>
      %dma_wait3A_113 = tpu.memref_squeeze %dma_wait3A_112 : memref<1x128xi32, #tpu.memory_space<vmem>> -> memref<128xi32, #tpu.memory_space<vmem>>
      %dma_wait3A_114 = arith.constant 0 : i32
      %dma_wait3A_115 = arith.constant 0 : i32
      %dma_wait3A_116 = tpu.memref_slice %arg2[%dma_wait3A_114, %dma_wait3A_115] : memref<10000x8xf32, #tpu.memory_space<hbm>> -> memref<10000x8xf32, #tpu.memory_space<hbm>>
      tpu.wait_indirect_dma semaphore(%arg15 : memref<!tpu.dma_semaphore, #tpu.memory_space<semaphore_mem>>) src(%dma_wait3A_116 : memref<10000x8xf32, #tpu.memory_space<hbm>>) dst(%arg11 : memref<128x8xf32, #tpu.memory_space<vmem>>)
      "tpu.region"() ({
        %run_scoped3A_143 = tpu.sem_alloc : memref<!tpu.dma_semaphore, #tpu.memory_space<semaphore_mem>>
        %dma_start3A_144 = arith.constant 0 : i32
        %dma_start3A_145 = tpu.memref_slice %arg8[%add3A_110, %dma_start3A_144] : memref<80x128xi32, #tpu.memory_space<vmem>> -> memref<1x128xi32, #tpu.memory_space<vmem>>
        %dma_start3A_146 = tpu.memref_squeeze %dma_start3A_145 : memref<1x128xi32, #tpu.memory_space<vmem>> -> memref<128xi32, #tpu.memory_space<vmem>>
        %dma_start3A_147 = arith.constant 0 : i32
        %dma_start3A_148 = arith.constant 0 : i32
        %dma_start3A_149 = tpu.memref_slice %arg17[%dma_start3A_147, %dma_start3A_148] : memref<10240x8xf32, #tpu.memory_space<vmem_shared>> -> memref<10240x8xf32, #tpu.memory_space<vmem_shared>>
        tpu.enqueue_indirect_dma source(%arg11 : memref<128x8xf32, #tpu.memory_space<vmem>>) target(%dma_start3A_149 : memref<10240x8xf32, #tpu.memory_space<vmem_shared>>) offsets(%dma_start3A_146 : memref<128xi32, #tpu.memory_space<vmem>>) semaphore(%run_scoped3A_143 : memref<!tpu.dma_semaphore, #tpu.memory_space<semaphore_mem>>) {add = true}
        %dma_wait3A_150 = arith.constant 0 : i32
        %dma_wait3A_151 = tpu.memref_slice %arg8[%add3A_110, %dma_wait3A_150] : memref<80x128xi32, #tpu.memory_space<vmem>> -> memref<1x128xi32, #tpu.memory_space<vmem>>
        %dma_wait3A_152 = tpu.memref_squeeze %dma_wait3A_151 : memref<1x128xi32, #tpu.memory_space<vmem>> -> memref<128xi32, #tpu.memory_space<vmem>>
        %dma_wait3A_153 = arith.constant 0 : i32
        %dma_wait3A_154 = arith.constant 0 : i32
        %dma_wait3A_155 = tpu.memref_slice %arg17[%dma_wait3A_153, %dma_wait3A_154] : memref<10240x8xf32, #tpu.memory_space<vmem_shared>> -> memref<10240x8xf32, #tpu.memory_space<vmem_shared>>
        tpu.wait_indirect_dma semaphore(%run_scoped3A_143 : memref<!tpu.dma_semaphore, #tpu.memory_space<semaphore_mem>>) src(%arg11 : memref<128x8xf32, #tpu.memory_space<vmem>>) dst(%dma_wait3A_155 : memref<10240x8xf32, #tpu.memory_space<vmem_shared>>)
        tpu.yield
      }) : () -> ()
      %add3A_117 = arith.constant 4 : i32
      %add3A_118 = arith.addi %add3A_110, %add3A_117 : i32
      %dma_start3A_119 = arith.constant 0 : i32
      %dma_start3A_120 = tpu.memref_slice %arg7[%add3A_118, %dma_start3A_119] : memref<80x128xi32, #tpu.memory_space<vmem>> -> memref<1x128xi32, #tpu.memory_space<vmem>>
      %dma_start3A_121 = tpu.memref_squeeze %dma_start3A_120 : memref<1x128xi32, #tpu.memory_space<vmem>> -> memref<128xi32, #tpu.memory_space<vmem>>
      %dma_start3A_122 = arith.constant 0 : i32
      %dma_start3A_123 = arith.constant 0 : i32
      %dma_start3A_124 = tpu.memref_slice %arg2[%dma_start3A_122, %dma_start3A_123] : memref<10000x8xf32, #tpu.memory_space<hbm>> -> memref<10000x8xf32, #tpu.memory_space<hbm>>
      tpu.enqueue_indirect_dma source(%dma_start3A_124 : memref<10000x8xf32, #tpu.memory_space<hbm>>) target(%arg11 : memref<128x8xf32, #tpu.memory_space<vmem>>) offsets(%dma_start3A_121 : memref<128xi32, #tpu.memory_space<vmem>>) semaphore(%arg15 : memref<!tpu.dma_semaphore, #tpu.memory_space<semaphore_mem>>)
      %mul3A_125 = arith.constant 4 : i32
      %mul3A_126 = arith.muli %scan3A_70, %mul3A_125 : i32
      %add3A_127 = arith.constant 3 : i32
      %add3A_128 = arith.addi %mul3A_126, %add3A_127 : i32
      %dma_wait3A_129 = arith.constant 0 : i32
      %dma_wait3A_130 = tpu.memref_slice %arg7[%add3A_128, %dma_wait3A_129] : memref<80x128xi32, #tpu.memory_space<vmem>> -> memref<1x128xi32, #tpu.memory_space<vmem>>
      %dma_wait3A_131 = tpu.memref_squeeze %dma_wait3A_130 : memref<1x128xi32, #tpu.memory_space<vmem>> -> memref<128xi32, #tpu.memory_space<vmem>>
      %dma_wait3A_132 = arith.constant 0 : i32
      %dma_wait3A_133 = arith.constant 0 : i32
      %dma_wait3A_134 = tpu.memref_slice %arg2[%dma_wait3A_132, %dma_wait3A_133] : memref<10000x8xf32, #tpu.memory_space<hbm>> -> memref<10000x8xf32, #tpu.memory_space<hbm>>
      tpu.wait_indirect_dma semaphore(%arg16 : memref<!tpu.dma_semaphore, #tpu.memory_space<semaphore_mem>>) src(%dma_wait3A_134 : memref<10000x8xf32, #tpu.memory_space<hbm>>) dst(%arg12 : memref<128x8xf32, #tpu.memory_space<vmem>>)
      "tpu.region"() ({
        %run_scoped3A_143 = tpu.sem_alloc : memref<!tpu.dma_semaphore, #tpu.memory_space<semaphore_mem>>
        %dma_start3A_144 = arith.constant 0 : i32
        %dma_start3A_145 = tpu.memref_slice %arg8[%add3A_128, %dma_start3A_144] : memref<80x128xi32, #tpu.memory_space<vmem>> -> memref<1x128xi32, #tpu.memory_space<vmem>>
        %dma_start3A_146 = tpu.memref_squeeze %dma_start3A_145 : memref<1x128xi32, #tpu.memory_space<vmem>> -> memref<128xi32, #tpu.memory_space<vmem>>
        %dma_start3A_147 = arith.constant 0 : i32
        %dma_start3A_148 = arith.constant 0 : i32
        %dma_start3A_149 = tpu.memref_slice %arg17[%dma_start3A_147, %dma_start3A_148] : memref<10240x8xf32, #tpu.memory_space<vmem_shared>> -> memref<10240x8xf32, #tpu.memory_space<vmem_shared>>
        tpu.enqueue_indirect_dma source(%arg12 : memref<128x8xf32, #tpu.memory_space<vmem>>) target(%dma_start3A_149 : memref<10240x8xf32, #tpu.memory_space<vmem_shared>>) offsets(%dma_start3A_146 : memref<128xi32, #tpu.memory_space<vmem>>) semaphore(%run_scoped3A_143 : memref<!tpu.dma_semaphore, #tpu.memory_space<semaphore_mem>>) {add = true}
        %dma_wait3A_150 = arith.constant 0 : i32
        %dma_wait3A_151 = tpu.memref_slice %arg8[%add3A_128, %dma_wait3A_150] : memref<80x128xi32, #tpu.memory_space<vmem>> -> memref<1x128xi32, #tpu.memory_space<vmem>>
        %dma_wait3A_152 = tpu.memref_squeeze %dma_wait3A_151 : memref<1x128xi32, #tpu.memory_space<vmem>> -> memref<128xi32, #tpu.memory_space<vmem>>
        %dma_wait3A_153 = arith.constant 0 : i32
        %dma_wait3A_154 = arith.constant 0 : i32
        %dma_wait3A_155 = tpu.memref_slice %arg17[%dma_wait3A_153, %dma_wait3A_154] : memref<10240x8xf32, #tpu.memory_space<vmem_shared>> -> memref<10240x8xf32, #tpu.memory_space<vmem_shared>>
        tpu.wait_indirect_dma semaphore(%run_scoped3A_143 : memref<!tpu.dma_semaphore, #tpu.memory_space<semaphore_mem>>) src(%arg12 : memref<128x8xf32, #tpu.memory_space<vmem>>) dst(%dma_wait3A_155 : memref<10240x8xf32, #tpu.memory_space<vmem_shared>>)
        tpu.yield
      }) : () -> ()
      %add3A_135 = arith.constant 4 : i32
      %add3A_136 = arith.addi %add3A_128, %add3A_135 : i32
      %dma_start3A_137 = arith.constant 0 : i32
      %dma_start3A_138 = tpu.memref_slice %arg7[%add3A_136, %dma_start3A_137] : memref<80x128xi32, #tpu.memory_space<vmem>> -> memref<1x128xi32, #tpu.memory_space<vmem>>
      %dma_start3A_139 = tpu.memref_squeeze %dma_start3A_138 : memref<1x128xi32, #tpu.memory_space<vmem>> -> memref<128xi32, #tpu.memory_space<vmem>>
      %dma_start3A_140 = arith.constant 0 : i32
      %dma_start3A_141 = arith.constant 0 : i32
      %dma_start3A_142 = tpu.memref_slice %arg2[%dma_start3A_140, %dma_start3A_141] : memref<10000x8xf32, #tpu.memory_space<hbm>> -> memref<10000x8xf32, #tpu.memory_space<hbm>>
      tpu.enqueue_indirect_dma source(%dma_start3A_142 : memref<10000x8xf32, #tpu.memory_space<hbm>>) target(%arg12 : memref<128x8xf32, #tpu.memory_space<vmem>>) offsets(%dma_start3A_139 : memref<128xi32, #tpu.memory_space<vmem>>) semaphore(%arg16 : memref<!tpu.dma_semaphore, #tpu.memory_space<semaphore_mem>>)
    }
    %scan3A_34 = arith.constant 19 : i32
    %dma_wait3A = arith.constant 76 : i32
    %dma_wait3A_35 = arith.constant 0 : i32
    %dma_wait3A_36 = tpu.memref_slice %arg7[%dma_wait3A, %dma_wait3A_35] : memref<80x128xi32, #tpu.memory_space<vmem>> -> memref<1x128xi32, #tpu.memory_space<vmem>>
    %dma_wait3A_37 = tpu.memref_squeeze %dma_wait3A_36 : memref<1x128xi32, #tpu.memory_space<vmem>> -> memref<128xi32, #tpu.memory_space<vmem>>
    %dma_wait3A_38 = arith.constant 0 : i32
    %dma_wait3A_39 = arith.constant 0 : i32
    %dma_wait3A_40 = tpu.memref_slice %arg2[%dma_wait3A_38, %dma_wait3A_39] : memref<10000x8xf32, #tpu.memory_space<hbm>> -> memref<10000x8xf32, #tpu.memory_space<hbm>>
    tpu.wait_indirect_dma semaphore(%arg13 : memref<!tpu.dma_semaphore, #tpu.memory_space<semaphore_mem>>) src(%dma_wait3A_40 : memref<10000x8xf32, #tpu.memory_space<hbm>>) dst(%arg9 : memref<128x8xf32, #tpu.memory_space<vmem>>)
    %run_scoped3A = arith.constant 76 : i32
    "tpu.region"() ({
      %run_scoped3A_70 = tpu.sem_alloc : memref<!tpu.dma_semaphore, #tpu.memory_space<semaphore_mem>>
      %dma_start3A_71 = arith.constant 0 : i32
      %dma_start3A_72 = tpu.memref_slice %arg8[%run_scoped3A, %dma_start3A_71] : memref<80x128xi32, #tpu.memory_space<vmem>> -> memref<1x128xi32, #tpu.memory_space<vmem>>
      %dma_start3A_73 = tpu.memref_squeeze %dma_start3A_72 : memref<1x128xi32, #tpu.memory_space<vmem>> -> memref<128xi32, #tpu.memory_space<vmem>>
      %dma_start3A_74 = arith.constant 0 : i32
      %dma_start3A_75 = arith.constant 0 : i32
      %dma_start3A_76 = tpu.memref_slice %arg17[%dma_start3A_74, %dma_start3A_75] : memref<10240x8xf32, #tpu.memory_space<vmem_shared>> -> memref<10240x8xf32, #tpu.memory_space<vmem_shared>>
      tpu.enqueue_indirect_dma source(%arg9 : memref<128x8xf32, #tpu.memory_space<vmem>>) target(%dma_start3A_76 : memref<10240x8xf32, #tpu.memory_space<vmem_shared>>) offsets(%dma_start3A_73 : memref<128xi32, #tpu.memory_space<vmem>>) semaphore(%run_scoped3A_70 : memref<!tpu.dma_semaphore, #tpu.memory_space<semaphore_mem>>) {add = true}
      %dma_wait3A_77 = arith.constant 0 : i32
      %dma_wait3A_78 = tpu.memref_slice %arg8[%run_scoped3A, %dma_wait3A_77] : memref<80x128xi32, #tpu.memory_space<vmem>> -> memref<1x128xi32, #tpu.memory_space<vmem>>
      %dma_wait3A_79 = tpu.memref_squeeze %dma_wait3A_78 : memref<1x128xi32, #tpu.memory_space<vmem>> -> memref<128xi32, #tpu.memory_space<vmem>>
      %dma_wait3A_80 = arith.constant 0 : i32
      %dma_wait3A_81 = arith.constant 0 : i32
      %dma_wait3A_82 = tpu.memref_slice %arg17[%dma_wait3A_80, %dma_wait3A_81] : memref<10240x8xf32, #tpu.memory_space<vmem_shared>> -> memref<10240x8xf32, #tpu.memory_space<vmem_shared>>
      tpu.wait_indirect_dma semaphore(%run_scoped3A_70 : memref<!tpu.dma_semaphore, #tpu.memory_space<semaphore_mem>>) src(%arg9 : memref<128x8xf32, #tpu.memory_space<vmem>>) dst(%dma_wait3A_82 : memref<10240x8xf32, #tpu.memory_space<vmem_shared>>)
      tpu.yield
    }) : () -> ()
    %dma_wait3A_41 = arith.constant 77 : i32
    %dma_wait3A_42 = arith.constant 0 : i32
    %dma_wait3A_43 = tpu.memref_slice %arg7[%dma_wait3A_41, %dma_wait3A_42] : memref<80x128xi32, #tpu.memory_space<vmem>> -> memref<1x128xi32, #tpu.memory_space<vmem>>
    %dma_wait3A_44 = tpu.memref_squeeze %dma_wait3A_43 : memref<1x128xi32, #tpu.memory_space<vmem>> -> memref<128xi32, #tpu.memory_space<vmem>>
    %dma_wait3A_45 = arith.constant 0 : i32
    %dma_wait3A_46 = arith.constant 0 : i32
    %dma_wait3A_47 = tpu.memref_slice %arg2[%dma_wait3A_45, %dma_wait3A_46] : memref<10000x8xf32, #tpu.memory_space<hbm>> -> memref<10000x8xf32, #tpu.memory_space<hbm>>
    tpu.wait_indirect_dma semaphore(%arg14 : memref<!tpu.dma_semaphore, #tpu.memory_space<semaphore_mem>>) src(%dma_wait3A_47 : memref<10000x8xf32, #tpu.memory_space<hbm>>) dst(%arg10 : memref<128x8xf32, #tpu.memory_space<vmem>>)
    %run_scoped3A_48 = arith.constant 77 : i32
    "tpu.region"() ({
      %run_scoped3A_70 = tpu.sem_alloc : memref<!tpu.dma_semaphore, #tpu.memory_space<semaphore_mem>>
      %dma_start3A_71 = arith.constant 0 : i32
      %dma_start3A_72 = tpu.memref_slice %arg8[%run_scoped3A_48, %dma_start3A_71] : memref<80x128xi32, #tpu.memory_space<vmem>> -> memref<1x128xi32, #tpu.memory_space<vmem>>
      %dma_start3A_73 = tpu.memref_squeeze %dma_start3A_72 : memref<1x128xi32, #tpu.memory_space<vmem>> -> memref<128xi32, #tpu.memory_space<vmem>>
      %dma_start3A_74 = arith.constant 0 : i32
      %dma_start3A_75 = arith.constant 0 : i32
      %dma_start3A_76 = tpu.memref_slice %arg17[%dma_start3A_74, %dma_start3A_75] : memref<10240x8xf32, #tpu.memory_space<vmem_shared>> -> memref<10240x8xf32, #tpu.memory_space<vmem_shared>>
      tpu.enqueue_indirect_dma source(%arg10 : memref<128x8xf32, #tpu.memory_space<vmem>>) target(%dma_start3A_76 : memref<10240x8xf32, #tpu.memory_space<vmem_shared>>) offsets(%dma_start3A_73 : memref<128xi32, #tpu.memory_space<vmem>>) semaphore(%run_scoped3A_70 : memref<!tpu.dma_semaphore, #tpu.memory_space<semaphore_mem>>) {add = true}
      %dma_wait3A_77 = arith.constant 0 : i32
      %dma_wait3A_78 = tpu.memref_slice %arg8[%run_scoped3A_48, %dma_wait3A_77] : memref<80x128xi32, #tpu.memory_space<vmem>> -> memref<1x128xi32, #tpu.memory_space<vmem>>
      %dma_wait3A_79 = tpu.memref_squeeze %dma_wait3A_78 : memref<1x128xi32, #tpu.memory_space<vmem>> -> memref<128xi32, #tpu.memory_space<vmem>>
      %dma_wait3A_80 = arith.constant 0 : i32
      %dma_wait3A_81 = arith.constant 0 : i32
      %dma_wait3A_82 = tpu.memref_slice %arg17[%dma_wait3A_80, %dma_wait3A_81] : memref<10240x8xf32, #tpu.memory_space<vmem_shared>> -> memref<10240x8xf32, #tpu.memory_space<vmem_shared>>
      tpu.wait_indirect_dma semaphore(%run_scoped3A_70 : memref<!tpu.dma_semaphore, #tpu.memory_space<semaphore_mem>>) src(%arg10 : memref<128x8xf32, #tpu.memory_space<vmem>>) dst(%dma_wait3A_82 : memref<10240x8xf32, #tpu.memory_space<vmem_shared>>)
      tpu.yield
    }) : () -> ()
    %dma_wait3A_49 = arith.constant 78 : i32
    %dma_wait3A_50 = arith.constant 0 : i32
    %dma_wait3A_51 = tpu.memref_slice %arg7[%dma_wait3A_49, %dma_wait3A_50] : memref<80x128xi32, #tpu.memory_space<vmem>> -> memref<1x128xi32, #tpu.memory_space<vmem>>
    %dma_wait3A_52 = tpu.memref_squeeze %dma_wait3A_51 : memref<1x128xi32, #tpu.memory_space<vmem>> -> memref<128xi32, #tpu.memory_space<vmem>>
    %dma_wait3A_53 = arith.constant 0 : i32
    %dma_wait3A_54 = arith.constant 0 : i32
    %dma_wait3A_55 = tpu.memref_slice %arg2[%dma_wait3A_53, %dma_wait3A_54] : memref<10000x8xf32, #tpu.memory_space<hbm>> -> memref<10000x8xf32, #tpu.memory_space<hbm>>
    tpu.wait_indirect_dma semaphore(%arg15 : memref<!tpu.dma_semaphore, #tpu.memory_space<semaphore_mem>>) src(%dma_wait3A_55 : memref<10000x8xf32, #tpu.memory_space<hbm>>) dst(%arg11 : memref<128x8xf32, #tpu.memory_space<vmem>>)
    %run_scoped3A_56 = arith.constant 78 : i32
    "tpu.region"() ({
      %run_scoped3A_70 = tpu.sem_alloc : memref<!tpu.dma_semaphore, #tpu.memory_space<semaphore_mem>>
      %dma_start3A_71 = arith.constant 0 : i32
      %dma_start3A_72 = tpu.memref_slice %arg8[%run_scoped3A_56, %dma_start3A_71] : memref<80x128xi32, #tpu.memory_space<vmem>> -> memref<1x128xi32, #tpu.memory_space<vmem>>
      %dma_start3A_73 = tpu.memref_squeeze %dma_start3A_72 : memref<1x128xi32, #tpu.memory_space<vmem>> -> memref<128xi32, #tpu.memory_space<vmem>>
      %dma_start3A_74 = arith.constant 0 : i32
      %dma_start3A_75 = arith.constant 0 : i32
      %dma_start3A_76 = tpu.memref_slice %arg17[%dma_start3A_74, %dma_start3A_75] : memref<10240x8xf32, #tpu.memory_space<vmem_shared>> -> memref<10240x8xf32, #tpu.memory_space<vmem_shared>>
      tpu.enqueue_indirect_dma source(%arg11 : memref<128x8xf32, #tpu.memory_space<vmem>>) target(%dma_start3A_76 : memref<10240x8xf32, #tpu.memory_space<vmem_shared>>) offsets(%dma_start3A_73 : memref<128xi32, #tpu.memory_space<vmem>>) semaphore(%run_scoped3A_70 : memref<!tpu.dma_semaphore, #tpu.memory_space<semaphore_mem>>) {add = true}
      %dma_wait3A_77 = arith.constant 0 : i32
      %dma_wait3A_78 = tpu.memref_slice %arg8[%run_scoped3A_56, %dma_wait3A_77] : memref<80x128xi32, #tpu.memory_space<vmem>> -> memref<1x128xi32, #tpu.memory_space<vmem>>
      %dma_wait3A_79 = tpu.memref_squeeze %dma_wait3A_78 : memref<1x128xi32, #tpu.memory_space<vmem>> -> memref<128xi32, #tpu.memory_space<vmem>>
      %dma_wait3A_80 = arith.constant 0 : i32
      %dma_wait3A_81 = arith.constant 0 : i32
      %dma_wait3A_82 = tpu.memref_slice %arg17[%dma_wait3A_80, %dma_wait3A_81] : memref<10240x8xf32, #tpu.memory_space<vmem_shared>> -> memref<10240x8xf32, #tpu.memory_space<vmem_shared>>
      tpu.wait_indirect_dma semaphore(%run_scoped3A_70 : memref<!tpu.dma_semaphore, #tpu.memory_space<semaphore_mem>>) src(%arg11 : memref<128x8xf32, #tpu.memory_space<vmem>>) dst(%dma_wait3A_82 : memref<10240x8xf32, #tpu.memory_space<vmem_shared>>)
      tpu.yield
    }) : () -> ()
    %dma_wait3A_57 = arith.constant 79 : i32
    %dma_wait3A_58 = arith.constant 0 : i32
    %dma_wait3A_59 = tpu.memref_slice %arg7[%dma_wait3A_57, %dma_wait3A_58] : memref<80x128xi32, #tpu.memory_space<vmem>> -> memref<1x128xi32, #tpu.memory_space<vmem>>
    %dma_wait3A_60 = tpu.memref_squeeze %dma_wait3A_59 : memref<1x128xi32, #tpu.memory_space<vmem>> -> memref<128xi32, #tpu.memory_space<vmem>>
    %dma_wait3A_61 = arith.constant 0 : i32
    %dma_wait3A_62 = arith.constant 0 : i32
    %dma_wait3A_63 = tpu.memref_slice %arg2[%dma_wait3A_61, %dma_wait3A_62] : memref<10000x8xf32, #tpu.memory_space<hbm>> -> memref<10000x8xf32, #tpu.memory_space<hbm>>
    tpu.wait_indirect_dma semaphore(%arg16 : memref<!tpu.dma_semaphore, #tpu.memory_space<semaphore_mem>>) src(%dma_wait3A_63 : memref<10000x8xf32, #tpu.memory_space<hbm>>) dst(%arg12 : memref<128x8xf32, #tpu.memory_space<vmem>>)
    %run_scoped3A_64 = arith.constant 79 : i32
    "tpu.region"() ({
      %run_scoped3A_70 = tpu.sem_alloc : memref<!tpu.dma_semaphore, #tpu.memory_space<semaphore_mem>>
      %dma_start3A_71 = arith.constant 0 : i32
      %dma_start3A_72 = tpu.memref_slice %arg8[%run_scoped3A_64, %dma_start3A_71] : memref<80x128xi32, #tpu.memory_space<vmem>> -> memref<1x128xi32, #tpu.memory_space<vmem>>
      %dma_start3A_73 = tpu.memref_squeeze %dma_start3A_72 : memref<1x128xi32, #tpu.memory_space<vmem>> -> memref<128xi32, #tpu.memory_space<vmem>>
      %dma_start3A_74 = arith.constant 0 : i32
      %dma_start3A_75 = arith.constant 0 : i32
      %dma_start3A_76 = tpu.memref_slice %arg17[%dma_start3A_74, %dma_start3A_75] : memref<10240x8xf32, #tpu.memory_space<vmem_shared>> -> memref<10240x8xf32, #tpu.memory_space<vmem_shared>>
      tpu.enqueue_indirect_dma source(%arg12 : memref<128x8xf32, #tpu.memory_space<vmem>>) target(%dma_start3A_76 : memref<10240x8xf32, #tpu.memory_space<vmem_shared>>) offsets(%dma_start3A_73 : memref<128xi32, #tpu.memory_space<vmem>>) semaphore(%run_scoped3A_70 : memref<!tpu.dma_semaphore, #tpu.memory_space<semaphore_mem>>) {add = true}
      %dma_wait3A_77 = arith.constant 0 : i32
      %dma_wait3A_78 = tpu.memref_slice %arg8[%run_scoped3A_64, %dma_wait3A_77] : memref<80x128xi32, #tpu.memory_space<vmem>> -> memref<1x128xi32, #tpu.memory_space<vmem>>
      %dma_wait3A_79 = tpu.memref_squeeze %dma_wait3A_78 : memref<1x128xi32, #tpu.memory_space<vmem>> -> memref<128xi32, #tpu.memory_space<vmem>>
      %dma_wait3A_80 = arith.constant 0 : i32
      %dma_wait3A_81 = arith.constant 0 : i32
      %dma_wait3A_82 = tpu.memref_slice %arg17[%dma_wait3A_80, %dma_wait3A_81] : memref<10240x8xf32, #tpu.memory_space<vmem_shared>> -> memref<10240x8xf32, #tpu.memory_space<vmem_shared>>
      tpu.wait_indirect_dma semaphore(%run_scoped3A_70 : memref<!tpu.dma_semaphore, #tpu.memory_space<semaphore_mem>>) src(%arg12 : memref<128x8xf32, #tpu.memory_space<vmem>>) dst(%dma_wait3A_82 : memref<10240x8xf32, #tpu.memory_space<vmem_shared>>)
      tpu.yield
    }) : () -> ()
    %barrier3A_65 = arith.constant 0 : index
    tpu.barrier barrier_id(%barrier3A_65)
    %mul3A_66 = arith.constant 640 : i32
    %mul3A_67 = arith.muli %arg1, %mul3A_66 : i32
    %mul3A_68 = arith.constant 640 : i32
    %mul3A_69 = arith.muli %arg1, %mul3A_68 : i32
    "tpu.region"() ({
      %run_scoped3A_70 = tpu.sem_alloc : memref<!tpu.dma_semaphore, #tpu.memory_space<semaphore_mem>>
      %dma_start3A_71 = arith.constant 0 : i32
      %dma_start3A_72 = tpu.memref_slice %arg6[%arg0, %mul3A_69, %dma_start3A_71] : memref<2x10240x8xf32, #tpu.memory_space<hbm>> -> memref<1x640x8xf32, #tpu.memory_space<hbm>>
      %dma_start3A_73 = tpu.memref_squeeze %dma_start3A_72 : memref<1x640x8xf32, #tpu.memory_space<hbm>> -> memref<640x8xf32, #tpu.memory_space<hbm>>
      %dma_start3A_74 = arith.constant 0 : i32
      %dma_start3A_75 = tpu.memref_slice %arg17[%mul3A_67, %dma_start3A_74] : memref<10240x8xf32, #tpu.memory_space<vmem_shared>> -> memref<640x8xf32, #tpu.memory_space<vmem_shared>>
      tpu.enqueue_dma source(%dma_start3A_75 : memref<640x8xf32, #tpu.memory_space<vmem_shared>>) target(%dma_start3A_73 : memref<640x8xf32, #tpu.memory_space<hbm>>) target_semaphore(%run_scoped3A_70 : memref<!tpu.dma_semaphore, #tpu.memory_space<semaphore_mem>>)
      %dma_wait3A_76 = arith.constant 0 : i32
      %dma_wait3A_77 = tpu.memref_slice %arg6[%arg0, %mul3A_69, %dma_wait3A_76] : memref<2x10240x8xf32, #tpu.memory_space<hbm>> -> memref<1x640x8xf32, #tpu.memory_space<hbm>>
      %dma_wait3A_78 = tpu.memref_squeeze %dma_wait3A_77 : memref<1x640x8xf32, #tpu.memory_space<hbm>> -> memref<640x8xf32, #tpu.memory_space<hbm>>
      %dma_wait3A_79 = arith.constant 0 : i32
      %dma_wait3A_80 = tpu.memref_slice %arg17[%mul3A_67, %dma_wait3A_79] : memref<10240x8xf32, #tpu.memory_space<vmem_shared>> -> memref<640x8xf32, #tpu.memory_space<vmem_shared>>
      tpu.wait_dma2 semaphore(%run_scoped3A_70 : memref<!tpu.dma_semaphore, #tpu.memory_space<semaphore_mem>>) src(%dma_wait3A_80 : memref<640x8xf32, #tpu.memory_space<vmem_shared>>) dst(%dma_wait3A_78 : memref<640x8xf32, #tpu.memory_space<hbm>>)
      tpu.yield
    }) : () -> ()
    return
  }
}

module attributes {stable_mosaic.version = 14 : i64} {
  func.func @tc1_body(%arg0: i32, %arg1: memref<2x2000x8xf32, #tpu.memory_space<vmem>>, %arg2: memref<2000x128xf32, #tpu.memory_space<vmem>>, %arg3: memref<128x64xf32, #tpu.memory_space<vmem>>, %arg4: memref<2000x64xf32, #tpu.memory_space<vmem>>, %arg5: memref<2000x1xf32, #tpu.memory_space<vmem>>) attributes {dimension_semantics = [#tpu.dimension_semantics<arbitrary>], iteration_bounds = array<i64: 5>, scalar_prefetch = 0 : i64, scratch_operands = 0 : i64, tpu.core_type = #tpu.core_type<tc>, window_params = [{transform_indices = @transform_0, window_bounds = array<i64: 2, 2000, 8>}, {transform_indices = @transform_1, window_bounds = array<i64: 2000, 128>}, {pipeline_mode = #tpu.pipeline_mode<synchronous>, transform_indices = @transform_2, window_bounds = array<i64: 128, 64>}, {transform_indices = @transform_3, window_bounds = array<i64: 2000, 64>}, {transform_indices = @transform_4, window_bounds = array<i64: 2000, 1>}]} {
    %get3A = arith.constant 0 : index
    %get3A_0 = arith.constant 0 : index
    %get3A_1 = arith.constant 0 : index
    %get3A_2 = vector.load %arg1[%get3A, %get3A_0, %get3A_1] : memref<2x2000x8xf32, #tpu.memory_space<vmem>>, vector<1x2000x8xf32>
    %get3A_3 = vector.shape_cast %get3A_2 : vector<1x2000x8xf32> to vector<2000x8xf32>
    %slice3A = vector.extract_strided_slice %get3A_3 {offsets = [0, 0], sizes = [2000, 1], strides = [1, 1]} : vector<2000x8xf32> to vector<2000x1xf32>
    %get3A_4 = arith.constant 1 : index
    %get3A_5 = arith.constant 0 : index
    %get3A_6 = arith.constant 0 : index
    %get3A_7 = vector.load %arg1[%get3A_4, %get3A_5, %get3A_6] : memref<2x2000x8xf32, #tpu.memory_space<vmem>>, vector<1x2000x8xf32>
    %get3A_8 = vector.shape_cast %get3A_7 : vector<1x2000x8xf32> to vector<2000x8xf32>
    %slice3A_9 = vector.extract_strided_slice %get3A_8 {offsets = [0, 0], sizes = [2000, 1], strides = [1, 1]} : vector<2000x8xf32> to vector<2000x1xf32>
    %add3A = arith.addf %slice3A, %slice3A_9 : vector<2000x1xf32>
    %add3A_10 = arith.constant 1.000000e+00 : f32
    %add3A_11 = vector.broadcast %add3A_10 : f32 to vector<2000x1xf32>
    %add3A_12 = arith.addf %add3A, %add3A_11 : vector<2000x1xf32>
    %rsqrt3A = math.rsqrt %add3A_12 : vector<2000x1xf32>
    %get3A_13 = arith.constant 0 : index
    %get3A_14 = arith.constant 0 : index
    %get3A_15 = vector.load %arg2[%get3A_13, %get3A_14] : memref<2000x128xf32, #tpu.memory_space<vmem>>, vector<2000x128xf32>
    %get3A_16 = arith.constant 0 : index
    %get3A_17 = arith.constant 0 : index
    %get3A_18 = vector.load %arg3[%get3A_16, %get3A_17] : memref<128x64xf32, #tpu.memory_space<vmem>>, vector<128x64xf32>
    %dot_general3A = arith.constant dense<0.000000e+00> : vector<2000x64xf32>
    %dot_general3A_19 = tpu.matmul %get3A_15, %get3A_18, %dot_general3A {dimension_numbers = #tpu.dot_dimension_numbers<[1], [0], [0], [1], [0, 0, 1, 1], [], []>, transpose_lhs_hint = false} : vector<2000x128xf32>, vector<128x64xf32>, vector<2000x64xf32> -> vector<2000x64xf32>
    %mul3A = vector.broadcast %rsqrt3A : vector<2000x1xf32> to vector<2000x64xf32>
    %mul3A_20 = arith.mulf %dot_general3A_19, %mul3A : vector<2000x64xf32>
    %swap3A = arith.constant 0 : index
    %swap3A_21 = arith.constant 0 : index
    %swap3A_22 = vector.load %arg4[%swap3A, %swap3A_21] : memref<2000x64xf32, #tpu.memory_space<vmem>>, vector<2000x64xf32>
    tpu.vector_store %arg4[%swap3A, %swap3A_21], %mul3A_20 {strides = array<i32>} : memref<2000x64xf32, #tpu.memory_space<vmem>>, vector<2000x64xf32>,
    %swap3A_23 = arith.constant 0 : index
    %swap3A_24 = arith.constant 0 : index
    %swap3A_25 = vector.load %arg5[%swap3A_23, %swap3A_24] : memref<2000x1xf32, #tpu.memory_space<vmem>>, vector<2000x1xf32>
    tpu.vector_store %arg5[%swap3A_23, %swap3A_24], %rsqrt3A {strides = array<i32>} : memref<2000x1xf32, #tpu.memory_space<vmem>>, vector<2000x1xf32>,
    return
  }
  func.func @transform_0(%arg0: i32) -> (i32, i32, i32) {
    %c0_i32 = arith.constant 0 : i32
    %c0_i32_0 = arith.constant 0 : i32
    %c0_i32_1 = arith.constant 0 : i32
    return %c0_i32, %arg0, %c0_i32_0 : i32, i32, i32
  }
  func.func @transform_1(%arg0: i32) -> (i32, i32) {
    %c0_i32 = arith.constant 0 : i32
    %c0_i32_0 = arith.constant 0 : i32
    return %arg0, %c0_i32 : i32, i32
  }
  func.func @transform_2(%arg0: i32) -> (i32, i32) {
    %c0_i32 = arith.constant 0 : i32
    %c0_i32_0 = arith.constant 0 : i32
    %c0_i32_1 = arith.constant 0 : i32
    return %c0_i32, %c0_i32_0 : i32, i32
  }
  func.func @transform_3(%arg0: i32) -> (i32, i32) {
    %c0_i32 = arith.constant 0 : i32
    %c0_i32_0 = arith.constant 0 : i32
    return %arg0, %c0_i32 : i32, i32
  }
  func.func @transform_4(%arg0: i32) -> (i32, i32) {
    %c0_i32 = arith.constant 0 : i32
    %c0_i32_0 = arith.constant 0 : i32
    return %arg0, %c0_i32 : i32, i32
  }
}

module attributes {stable_mosaic.version = 14 : i64} {
  func.func @tc2_body(%arg0: i32, %arg1: memref<2x2000x64xf32, #tpu.memory_space<vmem>>, %arg2: memref<2000x64xf32, #tpu.memory_space<vmem>>, %arg3: memref<2000x1xf32, #tpu.memory_space<vmem>>, %arg4: memref<64x64xf32, #tpu.memory_space<vmem>>, %arg5: memref<1x64xf32, #tpu.memory_space<vmem>>, %arg6: memref<2000x64xf32, #tpu.memory_space<vmem>>, %arg7: memref<2000x64xf32, #tpu.memory_space<vmem>>) attributes {dimension_semantics = [#tpu.dimension_semantics<arbitrary>], iteration_bounds = array<i64: 5>, scalar_prefetch = 0 : i64, scratch_operands = 0 : i64, tpu.core_type = #tpu.core_type<tc>, window_params = [{transform_indices = @transform_0, window_bounds = array<i64: 2, 2000, 64>}, {transform_indices = @transform_1, window_bounds = array<i64: 2000, 64>}, {transform_indices = @transform_2, window_bounds = array<i64: 2000, 1>}, {pipeline_mode = #tpu.pipeline_mode<synchronous>, transform_indices = @transform_3, window_bounds = array<i64: 64, 64>}, {pipeline_mode = #tpu.pipeline_mode<synchronous>, transform_indices = @transform_4, window_bounds = array<i64: 1, 64>}, {transform_indices = @transform_5, window_bounds = array<i64: 2000, 64>}, {transform_indices = @transform_6, window_bounds = array<i64: 2000, 64>}]} {
    %get3A = arith.constant 0 : index
    %get3A_0 = arith.constant 0 : index
    %get3A_1 = vector.load %arg3[%get3A, %get3A_0] : memref<2000x1xf32, #tpu.memory_space<vmem>>, vector<2000x1xf32>
    %get3A_2 = arith.constant 0 : index
    %get3A_3 = arith.constant 0 : index
    %get3A_4 = arith.constant 0 : index
    %get3A_5 = vector.load %arg1[%get3A_2, %get3A_3, %get3A_4] : memref<2x2000x64xf32, #tpu.memory_space<vmem>>, vector<1x2000x64xf32>
    %get3A_6 = vector.shape_cast %get3A_5 : vector<1x2000x64xf32> to vector<2000x64xf32>
    %get3A_7 = arith.constant 1 : index
    %get3A_8 = arith.constant 0 : index
    %get3A_9 = arith.constant 0 : index
    %get3A_10 = vector.load %arg1[%get3A_7, %get3A_8, %get3A_9] : memref<2x2000x64xf32, #tpu.memory_space<vmem>>, vector<1x2000x64xf32>
    %get3A_11 = vector.shape_cast %get3A_10 : vector<1x2000x64xf32> to vector<2000x64xf32>
    %add3A = arith.addf %get3A_6, %get3A_11 : vector<2000x64xf32>
    %get3A_12 = arith.constant 0 : index
    %get3A_13 = arith.constant 0 : index
    %get3A_14 = vector.load %arg2[%get3A_12, %get3A_13] : memref<2000x64xf32, #tpu.memory_space<vmem>>, vector<2000x64xf32>
    %add3A_15 = arith.addf %add3A, %get3A_14 : vector<2000x64xf32>
    %mul3A = vector.broadcast %get3A_1 : vector<2000x1xf32> to vector<2000x64xf32>
    %mul3A_16 = arith.mulf %add3A_15, %mul3A : vector<2000x64xf32>
    %get3A_17 = arith.constant 0 : index
    %get3A_18 = arith.constant 0 : index
    %get3A_19 = vector.load %arg5[%get3A_17, %get3A_18] : memref<1x64xf32, #tpu.memory_space<vmem>>, vector<1x64xf32>
    %add3A_20 = vector.broadcast %get3A_19 : vector<1x64xf32> to vector<2000x64xf32>
    %add3A_21 = arith.addf %mul3A_16, %add3A_20 : vector<2000x64xf32>
    %swap3A = arith.constant 0 : index
    %swap3A_22 = arith.constant 0 : index
    %swap3A_23 = vector.load %arg6[%swap3A, %swap3A_22] : memref<2000x64xf32, #tpu.memory_space<vmem>>, vector<2000x64xf32>
    tpu.vector_store %arg6[%swap3A, %swap3A_22], %add3A_21 {strides = array<i32>} : memref<2000x64xf32, #tpu.memory_space<vmem>>, vector<2000x64xf32>,
    %get3A_24 = arith.constant 0 : index
    %get3A_25 = arith.constant 0 : index
    %get3A_26 = vector.load %arg4[%get3A_24, %get3A_25] : memref<64x64xf32, #tpu.memory_space<vmem>>, vector<64x64xf32>
    %dot_general3A = arith.constant dense<0.000000e+00> : vector<2000x64xf32>
    %dot_general3A_27 = tpu.matmul %add3A_21, %get3A_26, %dot_general3A {dimension_numbers = #tpu.dot_dimension_numbers<[1], [0], [0], [1], [0, 0, 1, 1], [], []>, transpose_lhs_hint = false} : vector<2000x64xf32>, vector<64x64xf32>, vector<2000x64xf32> -> vector<2000x64xf32>
    %mul3A_28 = vector.broadcast %get3A_1 : vector<2000x1xf32> to vector<2000x64xf32>
    %mul3A_29 = arith.mulf %dot_general3A_27, %mul3A_28 : vector<2000x64xf32>
    %swap3A_30 = arith.constant 0 : index
    %swap3A_31 = arith.constant 0 : index
    %swap3A_32 = vector.load %arg7[%swap3A_30, %swap3A_31] : memref<2000x64xf32, #tpu.memory_space<vmem>>, vector<2000x64xf32>
    tpu.vector_store %arg7[%swap3A_30, %swap3A_31], %mul3A_29 {strides = array<i32>} : memref<2000x64xf32, #tpu.memory_space<vmem>>, vector<2000x64xf32>,
    return
  }
  func.func @transform_0(%arg0: i32) -> (i32, i32, i32) {
    %c0_i32 = arith.constant 0 : i32
    %c0_i32_0 = arith.constant 0 : i32
    %c0_i32_1 = arith.constant 0 : i32
    return %c0_i32, %arg0, %c0_i32_0 : i32, i32, i32
  }
  func.func @transform_1(%arg0: i32) -> (i32, i32) {
    %c0_i32 = arith.constant 0 : i32
    %c0_i32_0 = arith.constant 0 : i32
    return %arg0, %c0_i32 : i32, i32
  }
  func.func @transform_2(%arg0: i32) -> (i32, i32) {
    %c0_i32 = arith.constant 0 : i32
    %c0_i32_0 = arith.constant 0 : i32
    return %arg0, %c0_i32 : i32, i32
  }
  func.func @transform_3(%arg0: i32) -> (i32, i32) {
    %c0_i32 = arith.constant 0 : i32
    %c0_i32_0 = arith.constant 0 : i32
    %c0_i32_1 = arith.constant 0 : i32
    return %c0_i32, %c0_i32_0 : i32, i32
  }
  func.func @transform_4(%arg0: i32) -> (i32, i32) {
    %c0_i32 = arith.constant 0 : i32
    %c0_i32_0 = arith.constant 0 : i32
    %c0_i32_1 = arith.constant 0 : i32
    return %c0_i32, %c0_i32_0 : i32, i32
  }
  func.func @transform_5(%arg0: i32) -> (i32, i32) {
    %c0_i32 = arith.constant 0 : i32
    %c0_i32_0 = arith.constant 0 : i32
    return %arg0, %c0_i32 : i32, i32
  }
  func.func @transform_6(%arg0: i32) -> (i32, i32) {
    %c0_i32 = arith.constant 0 : i32
    %c0_i32_0 = arith.constant 0 : i32
    return %arg0, %c0_i32 : i32, i32
  }
}

module attributes {stable_mosaic.version = 14 : i64} {
  func.func @tc3_body(%arg0: i32, %arg1: memref<2x2000x64xf32, #tpu.memory_space<vmem>>, %arg2: memref<2000x64xf32, #tpu.memory_space<vmem>>, %arg3: memref<2000x1xf32, #tpu.memory_space<vmem>>, %arg4: memref<64x1xf32, #tpu.memory_space<vmem>>, %arg5: memref<1x64xf32, #tpu.memory_space<vmem>>, %arg6: memref<2000x8xf32, #tpu.memory_space<vmem>>, %arg7: memref<2000x1xf32, #tpu.memory_space<vmem>>) attributes {dimension_semantics = [#tpu.dimension_semantics<arbitrary>], iteration_bounds = array<i64: 5>, scalar_prefetch = 0 : i64, scratch_operands = 0 : i64, tpu.core_type = #tpu.core_type<tc>, window_params = [{transform_indices = @transform_0, window_bounds = array<i64: 2, 2000, 64>}, {transform_indices = @transform_1, window_bounds = array<i64: 2000, 64>}, {transform_indices = @transform_2, window_bounds = array<i64: 2000, 1>}, {pipeline_mode = #tpu.pipeline_mode<synchronous>, transform_indices = @transform_3, window_bounds = array<i64: 64, 1>}, {pipeline_mode = #tpu.pipeline_mode<synchronous>, transform_indices = @transform_4, window_bounds = array<i64: 1, 64>}, {transform_indices = @transform_5, window_bounds = array<i64: 2000, 8>}, {transform_indices = @transform_6, window_bounds = array<i64: 2000, 1>}]} {
    %get3A = arith.constant 0 : index
    %get3A_0 = arith.constant 0 : index
    %get3A_1 = vector.load %arg3[%get3A, %get3A_0] : memref<2000x1xf32, #tpu.memory_space<vmem>>, vector<2000x1xf32>
    %get3A_2 = arith.constant 0 : index
    %get3A_3 = arith.constant 0 : index
    %get3A_4 = arith.constant 0 : index
    %get3A_5 = vector.load %arg1[%get3A_2, %get3A_3, %get3A_4] : memref<2x2000x64xf32, #tpu.memory_space<vmem>>, vector<1x2000x64xf32>
    %get3A_6 = vector.shape_cast %get3A_5 : vector<1x2000x64xf32> to vector<2000x64xf32>
    %get3A_7 = arith.constant 1 : index
    %get3A_8 = arith.constant 0 : index
    %get3A_9 = arith.constant 0 : index
    %get3A_10 = vector.load %arg1[%get3A_7, %get3A_8, %get3A_9] : memref<2x2000x64xf32, #tpu.memory_space<vmem>>, vector<1x2000x64xf32>
    %get3A_11 = vector.shape_cast %get3A_10 : vector<1x2000x64xf32> to vector<2000x64xf32>
    %add3A = arith.addf %get3A_6, %get3A_11 : vector<2000x64xf32>
    %get3A_12 = arith.constant 0 : index
    %get3A_13 = arith.constant 0 : index
    %get3A_14 = vector.load %arg2[%get3A_12, %get3A_13] : memref<2000x64xf32, #tpu.memory_space<vmem>>, vector<2000x64xf32>
    %add3A_15 = arith.addf %add3A, %get3A_14 : vector<2000x64xf32>
    %mul3A = vector.broadcast %get3A_1 : vector<2000x1xf32> to vector<2000x64xf32>
    %mul3A_16 = arith.mulf %add3A_15, %mul3A : vector<2000x64xf32>
    %get3A_17 = arith.constant 0 : index
    %get3A_18 = arith.constant 0 : index
    %get3A_19 = vector.load %arg5[%get3A_17, %get3A_18] : memref<1x64xf32, #tpu.memory_space<vmem>>, vector<1x64xf32>
    %add3A_20 = vector.broadcast %get3A_19 : vector<1x64xf32> to vector<2000x64xf32>
    %add3A_21 = arith.addf %mul3A_16, %add3A_20 : vector<2000x64xf32>
    %max3A = arith.constant 0.000000e+00 : f32
    %max3A_22 = vector.broadcast %max3A : f32 to vector<2000x64xf32>
    %max3A_23 = arith.maximumf %add3A_21, %max3A_22 : vector<2000x64xf32>
    %get3A_24 = arith.constant 0 : index
    %get3A_25 = arith.constant 0 : index
    %get3A_26 = vector.load %arg4[%get3A_24, %get3A_25] : memref<64x1xf32, #tpu.memory_space<vmem>>, vector<64x1xf32>
    %dot_general3A = arith.constant dense<0.000000e+00> : vector<2000x1xf32>
    %dot_general3A_27 = tpu.matmul %max3A_23, %get3A_26, %dot_general3A {dimension_numbers = #tpu.dot_dimension_numbers<[1], [0], [0], [1], [0, 0, 1, 1], [], []>, transpose_lhs_hint = false} : vector<2000x64xf32>, vector<64x1xf32>, vector<2000x1xf32> -> vector<2000x1xf32>
    %mul3A_28 = arith.mulf %dot_general3A_27, %get3A_1 : vector<2000x1xf32>
    %swap3A = arith.constant 0 : index
    %swap3A_29 = arith.constant 0 : index
    %swap3A_30 = vector.load %arg7[%swap3A, %swap3A_29] : memref<2000x1xf32, #tpu.memory_space<vmem>>, vector<2000x1xf32>
    tpu.vector_store %arg7[%swap3A, %swap3A_29], %mul3A_28 {strides = array<i32>} : memref<2000x1xf32, #tpu.memory_space<vmem>>, vector<2000x1xf32>,
    %broadcast_in_dim3A = arith.constant 0.000000e+00 : f32
    %broadcast_in_dim3A_31 = vector.broadcast %broadcast_in_dim3A : f32 to vector<2000x7xf32>
    %concatenate3A = tpu.concatenate %mul3A_28, %broadcast_in_dim3A_31 in 1 : vector<2000x1xf32>, vector<2000x7xf32> -> vector<2000x8xf32>
    %swap3A_32 = arith.constant 0 : index
    %swap3A_33 = arith.constant 0 : index
    %swap3A_34 = vector.load %arg6[%swap3A_32, %swap3A_33] : memref<2000x8xf32, #tpu.memory_space<vmem>>, vector<2000x8xf32>
    tpu.vector_store %arg6[%swap3A_32, %swap3A_33], %concatenate3A {strides = array<i32>} : memref<2000x8xf32, #tpu.memory_space<vmem>>, vector<2000x8xf32>,
    return
  }
  func.func @transform_0(%arg0: i32) -> (i32, i32, i32) {
    %c0_i32 = arith.constant 0 : i32
    %c0_i32_0 = arith.constant 0 : i32
    %c0_i32_1 = arith.constant 0 : i32
    return %c0_i32, %arg0, %c0_i32_0 : i32, i32, i32
  }
  func.func @transform_1(%arg0: i32) -> (i32, i32) {
    %c0_i32 = arith.constant 0 : i32
    %c0_i32_0 = arith.constant 0 : i32
    return %arg0, %c0_i32 : i32, i32
  }
  func.func @transform_2(%arg0: i32) -> (i32, i32) {
    %c0_i32 = arith.constant 0 : i32
    %c0_i32_0 = arith.constant 0 : i32
    return %arg0, %c0_i32 : i32, i32
  }
  func.func @transform_3(%arg0: i32) -> (i32, i32) {
    %c0_i32 = arith.constant 0 : i32
    %c0_i32_0 = arith.constant 0 : i32
    %c0_i32_1 = arith.constant 0 : i32
    return %c0_i32, %c0_i32_0 : i32, i32
  }
  func.func @transform_4(%arg0: i32) -> (i32, i32) {
    %c0_i32 = arith.constant 0 : i32
    %c0_i32_0 = arith.constant 0 : i32
    %c0_i32_1 = arith.constant 0 : i32
    return %c0_i32, %c0_i32_0 : i32, i32
  }
  func.func @transform_5(%arg0: i32) -> (i32, i32) {
    %c0_i32 = arith.constant 0 : i32
    %c0_i32_0 = arith.constant 0 : i32
    return %arg0, %c0_i32 : i32, i32
  }
  func.func @transform_6(%arg0: i32) -> (i32, i32) {
    %c0_i32 = arith.constant 0 : i32
    %c0_i32_0 = arith.constant 0 : i32
    return %arg0, %c0_i32 : i32, i32
  }
}

module attributes {stable_mosaic.version = 14 : i64} {
  func.func @tc4_body(%arg0: i32, %arg1: memref<2x2000x8xf32, #tpu.memory_space<vmem>>, %arg2: memref<2000x1xf32, #tpu.memory_space<vmem>>, %arg3: memref<2000x1xf32, #tpu.memory_space<vmem>>, %arg4: memref<1x1xf32, #tpu.memory_space<vmem>>, %arg5: memref<2000x64xf32, #tpu.memory_space<vmem>>, %arg6: memref<2000x64xf32, #tpu.memory_space<vmem>>) attributes {dimension_semantics = [#tpu.dimension_semantics<arbitrary>], iteration_bounds = array<i64: 5>, scalar_prefetch = 0 : i64, scratch_operands = 0 : i64, tpu.core_type = #tpu.core_type<tc>, window_params = [{transform_indices = @transform_0, window_bounds = array<i64: 2, 2000, 8>}, {transform_indices = @transform_1, window_bounds = array<i64: 2000, 1>}, {transform_indices = @transform_2, window_bounds = array<i64: 2000, 1>}, {pipeline_mode = #tpu.pipeline_mode<synchronous>, transform_indices = @transform_3, window_bounds = array<i64: 1, 1>}, {transform_indices = @transform_4, window_bounds = array<i64: 2000, 64>}, {transform_indices = @transform_5, window_bounds = array<i64: 2000, 64>}]} {
    %get3A = arith.constant 0 : index
    %get3A_0 = arith.constant 0 : index
    %get3A_1 = arith.constant 0 : index
    %get3A_2 = vector.load %arg1[%get3A, %get3A_0, %get3A_1] : memref<2x2000x8xf32, #tpu.memory_space<vmem>>, vector<1x2000x8xf32>
    %get3A_3 = vector.shape_cast %get3A_2 : vector<1x2000x8xf32> to vector<2000x8xf32>
    %slice3A = vector.extract_strided_slice %get3A_3 {offsets = [0, 0], sizes = [2000, 1], strides = [1, 1]} : vector<2000x8xf32> to vector<2000x1xf32>
    %get3A_4 = arith.constant 1 : index
    %get3A_5 = arith.constant 0 : index
    %get3A_6 = arith.constant 0 : index
    %get3A_7 = vector.load %arg1[%get3A_4, %get3A_5, %get3A_6] : memref<2x2000x8xf32, #tpu.memory_space<vmem>>, vector<1x2000x8xf32>
    %get3A_8 = vector.shape_cast %get3A_7 : vector<1x2000x8xf32> to vector<2000x8xf32>
    %slice3A_9 = vector.extract_strided_slice %get3A_8 {offsets = [0, 0], sizes = [2000, 1], strides = [1, 1]} : vector<2000x8xf32> to vector<2000x1xf32>
    %add3A = arith.addf %slice3A, %slice3A_9 : vector<2000x1xf32>
    %get3A_10 = arith.constant 0 : index
    %get3A_11 = arith.constant 0 : index
    %get3A_12 = vector.load %arg2[%get3A_10, %get3A_11] : memref<2000x1xf32, #tpu.memory_space<vmem>>, vector<2000x1xf32>
    %add3A_13 = arith.addf %add3A, %get3A_12 : vector<2000x1xf32>
    %get3A_14 = arith.constant 0 : index
    %get3A_15 = arith.constant 0 : index
    %get3A_16 = vector.load %arg3[%get3A_14, %get3A_15] : memref<2000x1xf32, #tpu.memory_space<vmem>>, vector<2000x1xf32>
    %mul3A = arith.mulf %add3A_13, %get3A_16 : vector<2000x1xf32>
    %get3A_17 = arith.constant 0 : index
    %get3A_18 = arith.constant 0 : index
    %get3A_19 = vector.load %arg4[%get3A_17, %get3A_18] : memref<1x1xf32, #tpu.memory_space<vmem>>, vector<1x1xf32>
    %get3A_20 = vector.extract %get3A_19[0, 0] : f32 from vector<1x1xf32>
    %add3A_21 = vector.broadcast %get3A_20 : f32 to vector<2000x1xf32>
    %add3A_22 = arith.addf %mul3A, %add3A_21 : vector<2000x1xf32>
    %exp3A = math.exp %add3A_22 : vector<2000x1xf32>
    %add3A_23 = arith.constant 1.100000e+00 : f32
    %add3A_24 = vector.broadcast %add3A_23 : f32 to vector<2000x1xf32>
    %add3A_25 = arith.addf %exp3A, %add3A_24 : vector<2000x1xf32>
    %log3A = math.log %add3A_25 : vector<2000x1xf32>
    %get3A_26 = arith.constant 0 : index
    %get3A_27 = arith.constant 0 : index
    %get3A_28 = vector.load %arg5[%get3A_26, %get3A_27] : memref<2000x64xf32, #tpu.memory_space<vmem>>, vector<2000x64xf32>
    %mul3A_29 = vector.broadcast %log3A : vector<2000x1xf32> to vector<2000x64xf32>
    %mul3A_30 = arith.mulf %get3A_28, %mul3A_29 : vector<2000x64xf32>
    %swap3A = arith.constant 0 : index
    %swap3A_31 = arith.constant 0 : index
    %swap3A_32 = vector.load %arg6[%swap3A, %swap3A_31] : memref<2000x64xf32, #tpu.memory_space<vmem>>, vector<2000x64xf32>
    tpu.vector_store %arg6[%swap3A, %swap3A_31], %mul3A_30 {strides = array<i32>} : memref<2000x64xf32, #tpu.memory_space<vmem>>, vector<2000x64xf32>,
    return
  }
  func.func @transform_0(%arg0: i32) -> (i32, i32, i32) {
    %c0_i32 = arith.constant 0 : i32
    %c0_i32_0 = arith.constant 0 : i32
    %c0_i32_1 = arith.constant 0 : i32
    return %c0_i32, %arg0, %c0_i32_0 : i32, i32, i32
  }
  func.func @transform_1(%arg0: i32) -> (i32, i32) {
    %c0_i32 = arith.constant 0 : i32
    %c0_i32_0 = arith.constant 0 : i32
    return %arg0, %c0_i32 : i32, i32
  }
  func.func @transform_2(%arg0: i32) -> (i32, i32) {
    %c0_i32 = arith.constant 0 : i32
    %c0_i32_0 = arith.constant 0 : i32
    return %arg0, %c0_i32 : i32, i32
  }
  func.func @transform_3(%arg0: i32) -> (i32, i32) {
    %c0_i32 = arith.constant 0 : i32
    %c0_i32_0 = arith.constant 0 : i32
    %c0_i32_1 = arith.constant 0 : i32
    return %c0_i32, %c0_i32_0 : i32, i32
  }
  func.func @transform_4(%arg0: i32) -> (i32, i32) {
    %c0_i32 = arith.constant 0 : i32
    %c0_i32_0 = arith.constant 0 : i32
    return %arg0, %c0_i32 : i32, i32
  }
  func.func @transform_5(%arg0: i32) -> (i32, i32) {
    %c0_i32 = arith.constant 0 : i32
    %c0_i32_0 = arith.constant 0 : i32
    return %arg0, %c0_i32 : i32, i32
  }
}

</mosaic_0001>

<sc_bundles>
// kernel: kernel.10.cloned.1.call-start
scs
__scs_entry_jumppad:
0x0: {  	(pc) =	sbr.rel $0x88, $3  }
0x1: {  	(tag) =	ssettag $0x0;
	lr =	simm.s32 $0x1  }
0x2: {  	[smem:$0x3F99] =	sst lr;
	_ =	strace $0xD0000000  }
0x3: {  	_ = 	snop  }
0x4: {  	_ = 	snop  }
0x5: {  	_ = 	snop  }
0x6: {  	_ = 	snop  }
0x7: {  	_ = 	snop  }
__scs_overlays_trampoline_lowered:
0x8: {  	[smem:$0x3FA8] =	sst s0  }
0x9: {  	[smem:$0x3FA9] =	sst s1  }
0xa: {  	[smem:$0x3FAA] =	sst s2  }
0xb: {  	[smem:$0x3FAB] =	sst s3  }
0xc: {  	[smem:$0x3FAC] =	sst s4  }
0xd: {  	[smem:$0x3FAD] =	sst s5  }
0xe: {  	[smem:$0x3FAE] =	sst s6  }
0xf: {  	[smem:$0x3FAF] =	sst s7  }
0x10: {  	[smem:$0x3FB0] =	sst s8  }
0x11: {  	[smem:$0x3FB1] =	sst s9;
	s0 =	simm.s32 @!p0 $0x0  }
0x12: {  	s1 =	sld [smem:$0x3F97];
	s0 =	simm.s32 @p0 $0x1  }
0x13: {  	[smem:$0x3FB2] =	sst s0;
	s0 =	simm.s32 @!p1 $0x0  }
0x14: {  	s2 =	sld [smem:$0x3F96];
	s0 =	simm.s32 @p1 $0x1  }
0x15: {  	[smem:$0x3FB3] =	sst s0;
	s0 =	simm.s32 @!p2 $0x0  }
0x16: {  	s3 =	sld [smem:$0x3FDB];
	s0 =	simm.s32 @p2 $0x1  }
0x17: {  	s4 =	simm.s32 $0x1BF5;
	[smem:$0x3FB5] =	sst s0  }
0x18: {  	s0 =	sld [smem:$0x3F98];
	_ =	swait.ge [sflag:s4], $0x0  }
0x19: {  	s7 =	sld [smem:$0x3F99]  }
0x1a: {  	s8 =	sadd.s32 $0xFFFFE003, lr  }
0x1b: {  	s9 =	sadd.s32 $0xFFFFFEF7, lr;
	s5 =	simm.s32 $0xFFFFFFFF;
	p2 =	slt.u32 s8, $0xFFFFF086  }
0x1c: {  	p1 =	slt.u32 s9, $0xF7A;
	s5 =	simm.s32 @!p2 $0x0  }
0x1d: {  	s5 =	simm.s32 @p1 $0x1;
	p0 =	seq.s32 s7, s2  }
0x1e: {  	s7 =	smul.u32 @!p0 $0xF7A, s2;
	p2 =	seq.s32 @!p0 s5, $0x0  }
0x1f: {  	s9 =	smul.u32 $0xF7A, s1;
	s8 =	simm.s32 @!p0 $0x1BF5;
	p2 =	por !p2, p0  }
0x20: {  	[sflag:s8] =	ssyncset.s32 @!p0 $0xFFFFF086;
	s6 =	sadd.s32 @!p0 s3, s7;
	s7 =	simm.s32 @!p0 $0x108  }
0x21: {  	s3 =	sadd.s32 s3, s9;
	s6 =	sadd.s32 @!p0 $0x88, s6;
	s7 =	simm.s32 @p2 $0x1082  }
0x22: {  	[simem:s7], [sflag:s8] =	dma.local @!p0 [hbm:s6], $0xF7A  }
0x23: {  	s9 =	sor.u32 $0xD0000000, s2;
	s6 =	simm.s32 $0x108;
	_ =	swait.ge @!p0 [sflag:s8], $0x0  }
0x24: {  	s3 =	sadd.s32 $0x88, s3;
	s6 =	simm.s32 @!p1 $0x1082;
	[sflag:s4] =	ssyncset.s32 $0xFFFFF086  }
0x25: {  	[simem:s6], [sflag:s4] =	dma.local [hbm:s3], $0xF7A  }
0x26: {  	[smem:$0x3F99] =	sst s1;
	(tag) =	ssettag s2;
	_ =	strace s9  }
0x27: {  	s1 =	sld [smem:$0x3FA9]  }
0x28: {  	s2 =	sld [smem:$0x3FAA]  }
0x29: {  	s4 =	sld [smem:$0x3FAC]  }
0x2a: {  	p0 =	seq.s32 s5, $0x0;
	s5 =	sld [smem:$0x3FAD]  }
0x2b: {  	s6 =	sld [smem:$0x3FAE]  }
0x2c: {  	s7 =	sld [smem:$0x3FAF]  }
0x2d: {  	s3 =	simm.s32 $0x108;
	s8 =	sld [smem:$0x3FB0]  }
0x2e: {  	s3 =	simm.s32 @!p0 $0x1082;
	s9 =	sld [smem:$0x3FB1]  }
0x2f: {  	lr =	sadd.s32 s0, s3;
	s0 =	sld [smem:$0x3FA8]  }
0x30: {  	s3 =	sld [smem:$0x3FAB]  }
0x31: {  	[smem:$0x3FB4] =	sst s10  }
0x32: {  	s10 =	sld [smem:$0x3FB2];
	_ =	sdelay $0x3  }
0x33: {  	p0 =	seq.s32 s10, $0x1;
	s10 =	sld [smem:$0x3FB4];
	_ =	sdelay $0x3  }
0x34: {  	[smem:$0x3FB4] =	sst s10  }
0x35: {  	s10 =	sld [smem:$0x3FB3];
	_ =	sdelay $0x3  }
0x36: {  	p1 =	seq.s32 s10, $0x1;
	s10 =	sld [smem:$0x3FB4];
	_ =	sdelay $0x3  }
0x37: {  	[smem:$0x3FB4] =	sst s10  }
0x38: {  	s10 =	sld [smem:$0x3FB5]  }
0x39: {  	_ = 	snop;
	(pc) =	sbr.ind lr, $3  }
0x3a: {  	_ = 	snop  }
0x3b: {  	_ = 	snop  }
0x3c: {  	p2 =	seq.s32 s10, $0x1;
	s10 =	sld [smem:$0x3FB4]  }
0x3d: {  	_ =	shalt  }
0x3e: {  	_ =	shalt  }
0x3f: {  	_ =	shalt  }
0x40: {  	_ =	shalt  }
0x41: {  	_ =	shalt  }
0x42: {  	_ =	shalt  }
0x43: {  	_ =	shalt  }
0x44: {  	_ =	shalt  }
0x45: {  	_ =	shalt  }
0x46: {  	_ =	shalt  }
0x47: {  	_ =	shalt  }
0x48: {  	_ =	shalt  }
0x49: {  	_ =	shalt  }
0x4a: {  	_ =	shalt  }
0x4b: {  	_ =	shalt  }
0x4c: {  	_ =	shalt  }
0x4d: {  	_ =	shalt  }
0x4e: {  	_ =	shalt  }
0x4f: {  	_ =	shalt  }
0x50: {  	_ =	shalt  }
0x51: {  	_ =	shalt  }
0x52: {  	_ =	shalt  }
0x53: {  	_ =	shalt  }
0x54: {  	_ =	shalt  }
0x55: {  	_ =	shalt  }
0x56: {  	_ =	shalt  }
0x57: {  	_ =	shalt  }
0x58: {  	_ =	shalt  }
0x59: {  	_ =	shalt  }
0x5a: {  	_ =	shalt  }
0x5b: {  	_ =	shalt  }
0x5c: {  	_ =	shalt  }
0x5d: {  	_ =	shalt  }
0x5e: {  	_ =	shalt  }
0x5f: {  	_ =	shalt  }
0x60: {  	_ =	shalt  }
0x61: {  	_ =	shalt  }
0x62: {  	_ =	shalt  }
0x63: {  	_ =	shalt  }
0x64: {  	_ =	shalt  }
0x65: {  	_ =	shalt  }
0x66: {  	_ =	shalt  }
0x67: {  	_ =	shalt  }
0x68: {  	_ =	shalt  }
0x69: {  	_ =	shalt  }
0x6a: {  	_ =	shalt  }
0x6b: {  	_ =	shalt  }
0x6c: {  	_ =	shalt  }
0x6d: {  	_ =	shalt  }
0x6e: {  	_ =	shalt  }
0x6f: {  	_ =	shalt  }
0x70: {  	_ =	shalt  }
0x71: {  	_ =	shalt  }
0x72: {  	_ =	shalt  }
0x73: {  	_ =	shalt  }
0x74: {  	_ =	shalt  }
0x75: {  	_ =	shalt  }
0x76: {  	_ =	shalt  }
0x77: {  	_ =	shalt  }
0x78: {  	_ =	shalt  }
0x79: {  	_ =	shalt  }
0x7a: {  	_ =	shalt  }
0x7b: {  	_ =	shalt  }
0x7c: {  	_ =	shalt  }
0x7d: {  	_ =	shalt  }
0x7e: {  	_ =	shalt  }
0x7f: {  	_ =	shalt  }
0x80: {  	_ =	shalt  }
0x81: {  	_ =	shalt  }
0x82: {  	_ =	shalt  }
0x83: {  	_ =	shalt  }
0x84: {  	_ =	shalt  }
0x85: {  	_ =	shalt  }
0x86: {  	_ =	shalt  }
0x87: {  	_ =	shalt  }
.Lfunc_end0:
.L_simem_size_0:
called_computation_lowered:
.L_overlay_start_0:
0x88: {  	s2 =	sld [smem:$0x3FD9]  }
0x89: {  	s3 =	sld [smem:$0x3FFE];
	_ =	sdelay $0x1  }
0x8a: {  	s1 =	srdreg.scid  }
0x8b: {  	s0 =	sand.u32 $0x1, s1  }
0x8c: {  	s17 =	sshll.u32 s0, $0xA;
	s2 =	sadd.s32 s3, s2  }
0x8d: {  	s2 =	sadd.s32 s2, s17  }
0x8e: {  	[smem:$0x3FC0] =	sst s2  }
0x8f: {  	_ = 	snop  }
0x90: {  	s2 =	sld [smem:$0x3FD0];
	(tm) =	ssettm $0x1  }
0x91: {  	s18 =	sld [smem:$0x3FFB];
	_ =	sdelay $0x3  }
0x92: {  	_ =	strace s18  }
0x93: {  	s3 =	sld [smem:$0x3FFC];
	_ =	sdelay $0x3  }
0x94: {  	_ =	strace s3  }
0x95: {  	s3 =	sld [smem:$0x3FFD];
	_ =	sdelay $0x3  }
0x96: {  	_ =	strace s3  }
0x97: {  	_ =	strace $0x8FFFFFFF  }
0x98: {  	s19 =	sld [smem:$0x3FDB];
	_ =	sdelay $0x1  }
0x99: {  	s4 =	simm.s32 $_scs_section_size  }
0x9a: {  	s5 =	simm.s32 $_size__tile_overlayer_lowered;
	s6 =	simm.s32 $_tile_overlayer_lowered  }
0x9b: {  	s22 =	simm.s32 $0x1BFF;
	s21 =	sshll.u32 s6, $0x1;
	s3 =	sadd.s32 s4, s19  }
0x9c: {  	s7 =	simm.s32 $0x0;
	s20 =	sshll.u32 s5, $0x1;
	s5 =	sadd.s32 s21, s3  }
0x9d: {  	[timem:s7], [sflag:s22] =	dma.local [hbm:s5], s20  }
0x9e: {  	_ =	swait.ge [sflag:s22], s20  }
0x9f: {  	s4 =	ssub.s32 $0x0, s20;
	[sflag:s22] =	ssyncset.done $0x0  }
0xa0: {  	[sflag:s22] =	ssyncadd.s32 s4;
	_ =	sdelay $0x1  }
0xa1: {  	s23 =	simm.s32 $0x1B8B  }
0xa2: {  	_ =	swait.ge [sflag:s23], $0x1  }
0xa3: {  	[sflag:s23] =	ssyncset.done $0x0  }
0xa4: {  	s25 =	simm.s32 $0x1B8E;
	s24 =	sld [smem:$0x3FFE];
	[sflag:s23] =	ssyncadd.s32 $0xFFFFFFFF  }
0xa5: {  	s26 =	simm.s32 $execute0_lowered;
	[smem:$0x3FD2] =	sst s25  }
0xa6: {  	s5 =	sshll.u32 s26, $0x1;
	_ =	strace $0x80000046;
	[dreg:$0x1] =	wrdreg $0xFFFFFFFF  }
0xa7: {  	s28 =	simm.s32 $_size_execute0_lowered;
	s3 =	sadd.s32 s3, s5;
	[dreg:$0x0] =	wrdreg $0x0  }
0xa8: {  	s5 =	sshll.u32 s28, $0x1;
	[dreg:$0x2] =	wrdreg s3  }
0xa9: {  	[dreg:$0x3] =	wrdreg s5  }
0xaa: {  	[dreg:$0x4] =	wrdreg $0xC0  }
0xab: {  	_ =	task [dreg:s7], $0x5FFFF  }
0xac: {  	[dreg:$0x1] =	wrdreg $0xFFFFFFFF  }
0xad: {  	[dreg:$0x0] =	wrdreg $0x60  }
0xae: {  	[dreg:$0x2] =	wrdreg s24  }
0xaf: {  	[dreg:$0x3] =	wrdreg s2  }
0xb0: {  	[dreg:$0x4] =	wrdreg $0x2C000  }
0xb1: {  	[dreg:$0x5] =	wrdreg $0x9  }
0xb2: {  	_ =	task.clear_ibuf [dreg:s7], $0x6FFFF;
	_ =	strace $0x90000046  }
0xb3: {  	s29 =	simm.s32 $0x9;
	_ =	strace $0x80000048  }
0xb4: {  	_ =	swait.ge [sflag:s29], $0x1  }
0xb5: {  	[sflag:s29] =	ssyncadd.s32 $0xFFFFFFFF  }
0xb6: {  	_ =	strace $0x90000048  }
0xb7: {  	_ =	sfence  }
0xb8: {  	s30 =	sld [smem:$0x0];
	_ =	sdelay $0x2  }
0xb9: {  	s31 =	sshll.u32 s1, $0xD;
	s1 =	sshrl.u32 s1, $0x2  }
0xba: {  	s3 =	sand.u32 $0x4000, s31;
	s1 =	sadd.s32 s1, s30  }
0xbb: {  	s0 =	sor.u32 s3, s0;
	s1 =	sshll.u32 s1, $0x11  }
0xbc: {  	s0 =	sor.u32 s1, s0  }
0xbd: {  	s0 =	sadd.s32 $0x8F2B, s0  }
0xbe: {  	[sflag:s0] =	ssyncadd.remote.s32 $0x1  }
0xbf: {  	_ =	sfence.sel $0xFFFF  }
0xc0: {  	[dreg:$0x0] =	wrdreg $0xFFFFFFFF;
	(pc) =	sbr.abs _section_cstart, $3  }
0xc1: {  	[dreg:$0x1] =	wrdreg $0xFFFFFFFF  }
0xc2: {  	_ =	task.clear_ibuf [dreg:s7], $0x2FFFF;
	_ =	strace $0x9FFFFFFF  }
0xc3: {  	(tm) =	ssettm $0x7FFFFFFF  }
tec
execute0_lowered:
.L_overlay_start_1:
0x0: {  	(tag) =	ssettag $0x1  }
0x1: {  	s5 =	rddreg [dreg:$0x0]  }
0x2: {  	s7 =	rddreg [dreg:$0x1]  }
0x3: {  	s0 =	srdreg.scid;
	s2 =	rddreg [dreg:$0x2]  }
0x4: {  	s3 =	simm.s32 $0x0;
	s13 =	simm.s32 $0x80;
	s14 =	simm.s32 $0x100  }
0x5: {  	s15 =	simm.s32 $0x180;
	s16 =	simm.s32 $0x1;
	s17 =	simm.s32 $0x2  }
0x6: {  	s18 =	simm.s32 $0x3;
	s19 =	simm.s32 $0x4;
	s20 =	simm.s32 $0x0  }
0x7: {  	s4 =	sand.u32 $0x1, s0;
	s0 =	stileid.u32;
	[smem:$0x7FF] =	sst s3  }
0x8: {  	s1 =	sshll.u32 s4, $0x4;
	s8 =	smul.u32 $0x1400, s0;
	s9 =	ssub.s32 $0x2, s4  }
0x9: {  	s10 =	smul.u32 $0x14000, s4;
	s4 =	sadd.s32 $0xC400, s5;
	s31 =	sshll.u32 s0, $0x6  }
0xa: {  	s6 =	sor.u32 s0, s1;
	s1 =	rddreg [dreg:$0x3];
	s11 =	sshrl.u32 s9, $0x1  }
0xb: {  	_ =	strace $0x80000047;
	s6 =	smul.u32 $0x500, s6;
	s9 =	ssub.s32 s9, s11  }
0xc: {  	s10 =	sadd.s32 s8, s10;
	s12 =	sadd.s32 s8, s2;
	s11 =	sor.u32 $0x1C05, s31  }
0xd: {  	s30 =	sshrl.u32 s10, $0x3;
	s8 =	smax.u32 s9, $0x1;
	s9 =	simm.s32 $0x5  }
0xe: {  	s10 =	simm.s32 $0x2800;
	s12 =	sshrl.u32 s12, $0x3;
	s6 =	sadd.s32 s6, s5  }
0xf: {  	s5 =	sadd.s32 $0xC000, s5;
	s7 =	sadd.s32 s7, s30;
	s6 =	sadd.s32 $0x2000, s6  }
.LBB2_1:
0x10: {  	[tilespmem:s3], [sflag:$0x5] =	stream.linear.gather [hbm4b:s6+s3], $0x2800, $0x38;
	[tilespmem:$0x4000] =	vst v63  }
0x11: {  	_ =	swait.ge [sflag:s9], $0x2800  }
0x12: {  	[sflag:s9] =	ssyncset.done $0x0  }
0x13: {  	[sflag:s9] =	ssyncadd.s32 $0xFFFFD800  }
0x14: {  	[tilespmem:s10], [sflag:$0x5] =	stream.linear.gather [hbm4b:s4+s3], $0x400, $0x38;
	[tilespmem:$0x4000] =	vst v63  }
0x15: {  	_ =	swait.ge [sflag:s9], $0x400  }
0x16: {  	[sflag:s9] =	ssyncset.done $0x0  }
0x17: {  	[sflag:s9] =	ssyncadd.s32 $0xFFFFFC00  }
0x18: {  	[spmem:s12], [sflag:s11] =	dma.local [hbm:s5], $0x280  }
0x19: {  	_ =	swait.ge [sflag:s9], $0x280  }
0x1a: {  	[sflag:s9] =	ssyncset.done $0x0  }
0x1b: {  	[sflag:s9] =	ssyncadd.s32 $0xFFFFFD80  }
0x1c: {  	[bflag:$0x0] =	sbarrier.arrive $0xFFFF  }
0x1d: {  	[spmem:s2] =	stream.indirect.scatter.add.f32 [tilespmem:s10], [sflag:$0x1], $0x8, s3, s13, $0xb8;
	[tilespmem:$0x4000] =	vst v63  }
0x1e: {  	_ = 	snop  }
0x1f: {  	[spmem:s2] =	stream.indirect.scatter.add.f32 [tilespmem:s10], [sflag:$0x2], $0x8, s13, s13, $0xb8;
	[tilespmem:$0x4000] =	vst v63  }
0x20: {  	_ = 	snop  }
0x21: {  	[spmem:s2] =	stream.indirect.scatter.add.f32 [tilespmem:s10], [sflag:$0x3], $0x8, s14, s13, $0xb8;
	[tilespmem:$0x4000] =	vst v63  }
0x22: {  	_ = 	snop  }
0x23: {  	[spmem:s2] =	stream.indirect.scatter.add.f32 [tilespmem:s10], [sflag:$0x4], $0x8, s15, s13, $0xb8;
	[tilespmem:$0x4000] =	vst v63  }
0x24: {  	_ =	swait.ge [sflag:s16], $0x400  }
0x25: {  	[sflag:s16] =	ssyncset.done $0x0  }
0x26: {  	s21 =	simm.s32 $0x200;
	[sflag:s16] =	ssyncadd.s32 $0xFFFFFC00  }
0x27: {  	[spmem:s2] =	stream.indirect.scatter.add.f32 [tilespmem:s10], [sflag:$0x1], $0x8, s21, s13, $0xb8;
	[tilespmem:$0x4000] =	vst v63  }
0x28: {  	_ =	swait.ge [sflag:s17], $0x400  }
0x29: {  	[sflag:s17] =	ssyncset.done $0x0  }
0x2a: {  	s30 =	simm.s32 $0x280;
	[sflag:s17] =	ssyncadd.s32 $0xFFFFFC00  }
0x2b: {  	[spmem:s2] =	stream.indirect.scatter.add.f32 [tilespmem:s10], [sflag:$0x2], $0x8, s30, s13, $0xb8;
	[tilespmem:$0x4000] =	vst v63  }
0x2c: {  	_ =	swait.ge [sflag:s18], $0x400  }
0x2d: {  	[sflag:s18] =	ssyncset.done $0x0  }
0x2e: {  	s31 =	simm.s32 $0x300;
	[sflag:s18] =	ssyncadd.s32 $0xFFFFFC00  }
0x2f: {  	[spmem:s2] =	stream.indirect.scatter.add.f32 [tilespmem:s10], [sflag:$0x3], $0x8, s31, s13, $0xb8;
	[tilespmem:$0x4000] =	vst v63  }
0x30: {  	_ =	swait.ge [sflag:s19], $0x400  }
0x31: {  	[sflag:s19] =	ssyncset.done $0x0  }
0x32: {  	s22 =	simm.s32 $0x380;
	s21 =	simm.s32 $0xFFFF7000;
	[sflag:s19] =	ssyncadd.s32 $0xFFFFFC00  }
.LBB2_2:
0x33: {  	[spmem:s2] =	stream.indirect.scatter.add.f32 [tilespmem:s10], [sflag:$0x4], $0x8, s22, s13, $0xb8;
	[tilespmem:$0x4000] =	vst v63  }
0x34: {  	s22 =	smov.u32 s21  }
0x35: {  	p0 =	sne.s32 s21, $0xFFFFF800;
	s21 =	sadd.s32 $0x800, s21;
	_ =	swait.ge [sflag:s16], $0x400  }
0x36: {  	s22 =	sshra.s32 s22, $0x2;
	[sflag:s16] =	ssyncset.done $0x0  }
0x37: {  	s23 =	sadd.s32 $0x2800, s22;
	[sflag:s16] =	ssyncadd.s32 $0xFFFFFC00  }
0x38: {  	[spmem:s2] =	stream.indirect.scatter.add.f32 [tilespmem:s10], [sflag:$0x1], $0x8, s23, s13, $0xb8;
	[tilespmem:$0x4000] =	vst v63  }
0x39: {  	_ =	swait.ge [sflag:s17], $0x400  }
0x3a: {  	[sflag:s17] =	ssyncset.done $0x0  }
0x3b: {  	s23 =	sadd.s32 $0x2880, s22;
	[sflag:s17] =	ssyncadd.s32 $0xFFFFFC00  }
0x3c: {  	[spmem:s2] =	stream.indirect.scatter.add.f32 [tilespmem:s10], [sflag:$0x2], $0x8, s23, s13, $0xb8;
	[tilespmem:$0x4000] =	vst v63  }
0x3d: {  	_ =	swait.ge [sflag:s18], $0x400  }
0x3e: {  	[sflag:s18] =	ssyncset.done $0x0  }
.Ltmp0:
0x3f: {  	s23 =	sadd.s32 $0x2900, s22;
	[sflag:s18] =	ssyncadd.s32 $0xFFFFFC00;
	(pc) =	sbr.rel @p0 .LBB2_2-.Ltmp0, $4  }
0x40: {  	[spmem:s2] =	stream.indirect.scatter.add.f32 [tilespmem:s10], [sflag:$0x3], $0x8, s23, s13, $0xb8;
	[tilespmem:$0x4000] =	vst v63  }
0x41: {  	_ =	swait.ge [sflag:s19], $0x400  }
0x42: {  	[sflag:s19] =	ssyncset.done $0x0  }
0x43: {  	s22 =	sadd.s32 $0x2980, s22;
	[sflag:s19] =	ssyncadd.s32 $0xFFFFFC00  }
0x44: {  	[spmem:s2] =	stream.indirect.scatter.add.f32 [tilespmem:s10], [sflag:$0x4], $0x8, s22, s13, $0xb8;
	[tilespmem:$0x4000] =	vst v63  }
0x45: {  	_ =	swait.ge [sflag:s16], $0x400  }
0x46: {  	[sflag:s16] =	ssyncset.done $0x0  }
0x47: {  	[sflag:s16] =	ssyncadd.s32 $0xFFFFFC00  }
0x48: {  	_ =	swait.ge [sflag:s17], $0x400  }
0x49: {  	[sflag:s17] =	ssyncset.done $0x0  }
0x4a: {  	[sflag:s17] =	ssyncadd.s32 $0xFFFFFC00  }
0x4b: {  	_ =	swait.ge [sflag:s18], $0x400  }
0x4c: {  	[sflag:s18] =	ssyncset.done $0x0  }
0x4d: {  	[sflag:s18] =	ssyncadd.s32 $0xFFFFFC00  }
0x4e: {  	_ =	swait.ge [sflag:s19], $0x400  }
0x4f: {  	s20 =	sadd.s32 $0x1, s20;
	[sflag:s19] =	ssyncset.done $0x0  }
0x50: {  	p0 =	sne.s32 s20, s8;
	[sflag:s19] =	ssyncadd.s32 $0xFFFFFC00  }
.Ltmp1:
0x51: {  	[bflag:$0x0] =	sbarrier.arrive $0xFFFF;
	(pc) =	sbr.rel @p0 .LBB2_1-.Ltmp1, $4  }
0x52: {  	[hbm:s7], [sflag:s11] =	dma.local [spmem:s12], $0x280  }
0x53: {  	_ =	swait.ge [sflag:s9], $0x280  }
0x54: {  	[sflag:s9] =	ssyncset.done $0x0  }
0x55: {  	[sflag:s9] =	ssyncadd.s32 $0xFFFFFD80  }
0x56: {  	_ =	sfence.sel $0x180000  }
0x57: {  	[bflag:$0x0] =	sbarrier.arrive $0xFFFF  }
0x58: {  	p0 =	sne.s32 s0, $0x0;
	_ =	strace $0x90000047  }
0x59: {  	s0 =	sadd.s32 @!p0 $0x100000, s1;
	[bflag:$0x2] =	sbarrier.arrive $0xFFFF  }
0x5a: {  	[sflag:s0] =	ssyncadd.tile.s32 @!p0 $0x1;
	_ =	shalt  }
.Lfunc_end2:
_tile_overlayer_lowered:
.L_overlay_start_2:
0x5b: {  	(tag) =	ssettag $0x2  }
0x5c: {  	s0 =	rddreg [dreg:$0x0];
	s2 =	stileid.u32  }
0x5d: {  	s1 =	rddreg [dreg:$0x1];
	p0 =	sne.s32 s2, $0x0  }
0x5e: {  	s3 =	rddreg [dreg:$0x2];
	[bflag:$0x3] =	sbarrier.arrive $0xFFFF;
	s2 =	simm.s32 @!p0 $0x1C05  }
0x5f: {  	[timem:s3], [sflag:s2] =	dma.local @!p0 [hbm:s0], s1  }
0x60: {  	s0 =	simm.s32 @!p0 $0x5  }
0x61: {  	_ =	swait.ge @!p0 [sflag:s0], s1  }
0x62: {  	s1 =	ssub.s32 @!p0 $0x0, s1;
	[sflag:s0] =	ssyncset.done @!p0 $0x0  }
0x63: {  	[sflag:s0] =	ssyncadd.s32 @!p0 s1  }
0x64: {  	[bflag:$0x3] =	sbarrier.arrive $0xFFFF  }
0x65: {  	_ =	shalt  }

// kernel: kernel.13.cloned.1.call-start
scs
__scs_entry_jumppad:
0x0: {  	(pc) =	sbr.rel $0x88, $3  }
0x1: {  	(tag) =	ssettag $0x0;
	lr =	simm.s32 $0x1  }
0x2: {  	[smem:$0x3F99] =	sst lr;
	_ =	strace $0xD0000000  }
0x3: {  	_ = 	snop  }
0x4: {  	_ = 	snop  }
0x5: {  	_ = 	snop  }
0x6: {  	_ = 	snop  }
0x7: {  	_ = 	snop  }
__scs_overlays_trampoline_lowered:
0x8: {  	[smem:$0x3FA8] =	sst s0  }
0x9: {  	[smem:$0x3FA9] =	sst s1  }
0xa: {  	[smem:$0x3FAA] =	sst s2  }
0xb: {  	[smem:$0x3FAB] =	sst s3  }
0xc: {  	[smem:$0x3FAC] =	sst s4  }
0xd: {  	[smem:$0x3FAD] =	sst s5  }
0xe: {  	[smem:$0x3FAE] =	sst s6  }
0xf: {  	[smem:$0x3FAF] =	sst s7  }
0x10: {  	[smem:$0x3FB0] =	sst s8  }
0x11: {  	[smem:$0x3FB1] =	sst s9;
	s0 =	simm.s32 @!p0 $0x0  }
0x12: {  	s1 =	sld [smem:$0x3F97];
	s0 =	simm.s32 @p0 $0x1  }
0x13: {  	[smem:$0x3FB2] =	sst s0;
	s0 =	simm.s32 @!p1 $0x0  }
0x14: {  	s2 =	sld [smem:$0x3F96];
	s0 =	simm.s32 @p1 $0x1  }
0x15: {  	[smem:$0x3FB3] =	sst s0;
	s0 =	simm.s32 @!p2 $0x0  }
0x16: {  	s3 =	sld [smem:$0x3FDB];
	s0 =	simm.s32 @p2 $0x1  }
0x17: {  	s4 =	simm.s32 $0x1BF5;
	[smem:$0x3FB5] =	sst s0  }
0x18: {  	s0 =	sld [smem:$0x3F98];
	_ =	swait.ge [sflag:s4], $0x0  }
0x19: {  	s7 =	sld [smem:$0x3F99]  }
0x1a: {  	s8 =	sadd.s32 $0xFFFFE003, lr  }
0x1b: {  	s9 =	sadd.s32 $0xFFFFFEF7, lr;
	s5 =	simm.s32 $0xFFFFFFFF;
	p2 =	slt.u32 s8, $0xFFFFF086  }
0x1c: {  	p1 =	slt.u32 s9, $0xF7A;
	s5 =	simm.s32 @!p2 $0x0  }
0x1d: {  	s5 =	simm.s32 @p1 $0x1;
	p0 =	seq.s32 s7, s2  }
0x1e: {  	s7 =	smul.u32 @!p0 $0xF7A, s2;
	p2 =	seq.s32 @!p0 s5, $0x0  }
0x1f: {  	s9 =	smul.u32 $0xF7A, s1;
	s8 =	simm.s32 @!p0 $0x1BF5;
	p2 =	por !p2, p0  }
0x20: {  	[sflag:s8] =	ssyncset.s32 @!p0 $0xFFFFF086;
	s6 =	sadd.s32 @!p0 s3, s7;
	s7 =	simm.s32 @!p0 $0x108  }
0x21: {  	s3 =	sadd.s32 s3, s9;
	s6 =	sadd.s32 @!p0 $0x88, s6;
	s7 =	simm.s32 @p2 $0x1082  }
0x22: {  	[simem:s7], [sflag:s8] =	dma.local @!p0 [hbm:s6], $0xF7A  }
0x23: {  	s9 =	sor.u32 $0xD0000000, s2;
	s6 =	simm.s32 $0x108;
	_ =	swait.ge @!p0 [sflag:s8], $0x0  }
0x24: {  	s3 =	sadd.s32 $0x88, s3;
	s6 =	simm.s32 @!p1 $0x1082;
	[sflag:s4] =	ssyncset.s32 $0xFFFFF086  }
0x25: {  	[simem:s6], [sflag:s4] =	dma.local [hbm:s3], $0xF7A  }
0x26: {  	[smem:$0x3F99] =	sst s1;
	(tag) =	ssettag s2;
	_ =	strace s9  }
0x27: {  	s1 =	sld [smem:$0x3FA9]  }
0x28: {  	s2 =	sld [smem:$0x3FAA]  }
0x29: {  	s4 =	sld [smem:$0x3FAC]  }
0x2a: {  	p0 =	seq.s32 s5, $0x0;
	s5 =	sld [smem:$0x3FAD]  }
0x2b: {  	s6 =	sld [smem:$0x3FAE]  }
0x2c: {  	s7 =	sld [smem:$0x3FAF]  }
0x2d: {  	s3 =	simm.s32 $0x108;
	s8 =	sld [smem:$0x3FB0]  }
0x2e: {  	s3 =	simm.s32 @!p0 $0x1082;
	s9 =	sld [smem:$0x3FB1]  }
0x2f: {  	lr =	sadd.s32 s0, s3;
	s0 =	sld [smem:$0x3FA8]  }
0x30: {  	s3 =	sld [smem:$0x3FAB]  }
0x31: {  	[smem:$0x3FB4] =	sst s10  }
0x32: {  	s10 =	sld [smem:$0x3FB2];
	_ =	sdelay $0x3  }
0x33: {  	p0 =	seq.s32 s10, $0x1;
	s10 =	sld [smem:$0x3FB4];
	_ =	sdelay $0x3  }
0x34: {  	[smem:$0x3FB4] =	sst s10  }
0x35: {  	s10 =	sld [smem:$0x3FB3];
	_ =	sdelay $0x3  }
0x36: {  	p1 =	seq.s32 s10, $0x1;
	s10 =	sld [smem:$0x3FB4];
	_ =	sdelay $0x3  }
0x37: {  	[smem:$0x3FB4] =	sst s10  }
0x38: {  	s10 =	sld [smem:$0x3FB5]  }
0x39: {  	_ = 	snop;
	(pc) =	sbr.ind lr, $3  }
0x3a: {  	_ = 	snop  }
0x3b: {  	_ = 	snop  }
0x3c: {  	p2 =	seq.s32 s10, $0x1;
	s10 =	sld [smem:$0x3FB4]  }
0x3d: {  	_ =	shalt  }
0x3e: {  	_ =	shalt  }
0x3f: {  	_ =	shalt  }
0x40: {  	_ =	shalt  }
0x41: {  	_ =	shalt  }
0x42: {  	_ =	shalt  }
0x43: {  	_ =	shalt  }
0x44: {  	_ =	shalt  }
0x45: {  	_ =	shalt  }
0x46: {  	_ =	shalt  }
0x47: {  	_ =	shalt  }
0x48: {  	_ =	shalt  }
0x49: {  	_ =	shalt  }
0x4a: {  	_ =	shalt  }
0x4b: {  	_ =	shalt  }
0x4c: {  	_ =	shalt  }
0x4d: {  	_ =	shalt  }
0x4e: {  	_ =	shalt  }
0x4f: {  	_ =	shalt  }
0x50: {  	_ =	shalt  }
0x51: {  	_ =	shalt  }
0x52: {  	_ =	shalt  }
0x53: {  	_ =	shalt  }
0x54: {  	_ =	shalt  }
0x55: {  	_ =	shalt  }
0x56: {  	_ =	shalt  }
0x57: {  	_ =	shalt  }
0x58: {  	_ =	shalt  }
0x59: {  	_ =	shalt  }
0x5a: {  	_ =	shalt  }
0x5b: {  	_ =	shalt  }
0x5c: {  	_ =	shalt  }
0x5d: {  	_ =	shalt  }
0x5e: {  	_ =	shalt  }
0x5f: {  	_ =	shalt  }
0x60: {  	_ =	shalt  }
0x61: {  	_ =	shalt  }
0x62: {  	_ =	shalt  }
0x63: {  	_ =	shalt  }
0x64: {  	_ =	shalt  }
0x65: {  	_ =	shalt  }
0x66: {  	_ =	shalt  }
0x67: {  	_ =	shalt  }
0x68: {  	_ =	shalt  }
0x69: {  	_ =	shalt  }
0x6a: {  	_ =	shalt  }
0x6b: {  	_ =	shalt  }
0x6c: {  	_ =	shalt  }
0x6d: {  	_ =	shalt  }
0x6e: {  	_ =	shalt  }
0x6f: {  	_ =	shalt  }
0x70: {  	_ =	shalt  }
0x71: {  	_ =	shalt  }
0x72: {  	_ =	shalt  }
0x73: {  	_ =	shalt  }
0x74: {  	_ =	shalt  }
0x75: {  	_ =	shalt  }
0x76: {  	_ =	shalt  }
0x77: {  	_ =	shalt  }
0x78: {  	_ =	shalt  }
0x79: {  	_ =	shalt  }
0x7a: {  	_ =	shalt  }
0x7b: {  	_ =	shalt  }
0x7c: {  	_ =	shalt  }
0x7d: {  	_ =	shalt  }
0x7e: {  	_ =	shalt  }
0x7f: {  	_ =	shalt  }
0x80: {  	_ =	shalt  }
0x81: {  	_ =	shalt  }
0x82: {  	_ =	shalt  }
0x83: {  	_ =	shalt  }
0x84: {  	_ =	shalt  }
0x85: {  	_ =	shalt  }
0x86: {  	_ =	shalt  }
0x87: {  	_ =	shalt  }
.Lfunc_end0:
.L_simem_size_0:
called_computation.1_lowered:
.L_overlay_start_0:
0x88: {  	s2 =	sld [smem:$0x3FD9]  }
0x89: {  	s3 =	sld [smem:$0x3FFE];
	_ =	sdelay $0x1  }
0x8a: {  	s1 =	srdreg.scid  }
0x8b: {  	s0 =	sand.u32 $0x1, s1  }
0x8c: {  	s17 =	sshll.u32 s0, $0xA;
	s2 =	sadd.s32 s3, s2  }
0x8d: {  	s2 =	sadd.s32 s2, s17  }
0x8e: {  	[smem:$0x3FC0] =	sst s2  }
0x8f: {  	_ = 	snop  }
0x90: {  	s2 =	sld [smem:$0x3FD0];
	(tm) =	ssettm $0x1  }
0x91: {  	s18 =	sld [smem:$0x3FFB];
	_ =	sdelay $0x3  }
0x92: {  	_ =	strace s18  }
0x93: {  	s3 =	sld [smem:$0x3FFC];
	_ =	sdelay $0x3  }
0x94: {  	_ =	strace s3  }
0x95: {  	s3 =	sld [smem:$0x3FFD];
	_ =	sdelay $0x3  }
0x96: {  	_ =	strace s3  }
0x97: {  	_ =	strace $0x8FFFFFFF  }
0x98: {  	s19 =	sld [smem:$0x3FDB];
	_ =	sdelay $0x1  }
0x99: {  	s4 =	simm.s32 $_scs_section_size  }
0x9a: {  	s5 =	simm.s32 $_size__tile_overlayer_lowered;
	s6 =	simm.s32 $_tile_overlayer_lowered  }
0x9b: {  	s22 =	simm.s32 $0x1BFF;
	s21 =	sshll.u32 s6, $0x1;
	s3 =	sadd.s32 s4, s19  }
0x9c: {  	s7 =	simm.s32 $0x0;
	s20 =	sshll.u32 s5, $0x1;
	s5 =	sadd.s32 s21, s3  }
0x9d: {  	[timem:s7], [sflag:s22] =	dma.local [hbm:s5], s20  }
0x9e: {  	_ =	swait.ge [sflag:s22], s20  }
0x9f: {  	s4 =	ssub.s32 $0x0, s20;
	[sflag:s22] =	ssyncset.done $0x0  }
0xa0: {  	[sflag:s22] =	ssyncadd.s32 s4;
	_ =	sdelay $0x1  }
0xa1: {  	s23 =	simm.s32 $0x1B8B  }
0xa2: {  	_ =	swait.ge [sflag:s23], $0x1  }
0xa3: {  	[sflag:s23] =	ssyncset.done $0x0  }
0xa4: {  	s25 =	simm.s32 $0x1B8E;
	s24 =	sld [smem:$0x3FFE];
	[sflag:s23] =	ssyncadd.s32 $0xFFFFFFFF  }
0xa5: {  	s26 =	simm.s32 $execute0_lowered;
	[smem:$0x3FD2] =	sst s25  }
0xa6: {  	s5 =	sshll.u32 s26, $0x1;
	_ =	strace $0x80000049;
	[dreg:$0x1] =	wrdreg $0xFFFFFFFF  }
0xa7: {  	s28 =	simm.s32 $_size_execute0_lowered;
	s3 =	sadd.s32 s3, s5;
	[dreg:$0x0] =	wrdreg $0x0  }
0xa8: {  	s5 =	sshll.u32 s28, $0x1;
	[dreg:$0x2] =	wrdreg s3  }
0xa9: {  	[dreg:$0x3] =	wrdreg s5  }
0xaa: {  	[dreg:$0x4] =	wrdreg $0xC0  }
0xab: {  	_ =	task [dreg:s7], $0x5FFFF  }
0xac: {  	[dreg:$0x1] =	wrdreg $0xFFFFFFFF  }
0xad: {  	[dreg:$0x0] =	wrdreg $0x60  }
0xae: {  	[dreg:$0x2] =	wrdreg s2  }
0xaf: {  	[dreg:$0x3] =	wrdreg s24  }
0xb0: {  	[dreg:$0x4] =	wrdreg $0xD0000  }
0xb1: {  	[dreg:$0x5] =	wrdreg $0x9  }
0xb2: {  	_ =	task.clear_ibuf [dreg:s7], $0x6FFFF;
	_ =	strace $0x90000049  }
0xb3: {  	s29 =	simm.s32 $0x9;
	_ =	strace $0x8000004B  }
0xb4: {  	_ =	swait.ge [sflag:s29], $0x1  }
0xb5: {  	[sflag:s29] =	ssyncadd.s32 $0xFFFFFFFF  }
0xb6: {  	_ =	strace $0x9000004B  }
0xb7: {  	_ =	sfence  }
0xb8: {  	s30 =	sld [smem:$0x0];
	_ =	sdelay $0x2  }
0xb9: {  	s31 =	sshll.u32 s1, $0xD;
	s1 =	sshrl.u32 s1, $0x2  }
0xba: {  	s3 =	sand.u32 $0x4000, s31;
	s1 =	sadd.s32 s1, s30  }
0xbb: {  	s0 =	sor.u32 s3, s0;
	s1 =	sshll.u32 s1, $0x11  }
0xbc: {  	s0 =	sor.u32 s1, s0  }
0xbd: {  	s0 =	sadd.s32 $0x8F2B, s0  }
0xbe: {  	[sflag:s0] =	ssyncadd.remote.s32 $0x1  }
0xbf: {  	_ =	sfence.sel $0xFFFF  }
0xc0: {  	[dreg:$0x0] =	wrdreg $0xFFFFFFFF;
	(pc) =	sbr.abs _section_cstart, $3  }
0xc1: {  	[dreg:$0x1] =	wrdreg $0xFFFFFFFF  }
0xc2: {  	_ =	task.clear_ibuf [dreg:s7], $0x2FFFF;
	_ =	strace $0x9FFFFFFF  }
0xc3: {  	(tm) =	ssettm $0x7FFFFFFF  }
tec
execute0_lowered:
.L_overlay_start_1:
0x0: {  	(tag) =	ssettag $0x1  }
0x1: {  	s2 =	rddreg [dreg:$0x0]  }
0x2: {  	s0 =	rddreg [dreg:$0x1];
	s4 =	srdreg.scid  }
0x3: {  	s3 =	rddreg [dreg:$0x2];
	s1 =	stileid.u32;
	s11 =	simm.s32 $0x2800  }
0x4: {  	s14 =	simm.s32 $0x80;
	s15 =	simm.s32 $0x5000;
	s16 =	simm.s32 $0x7000  }
0x5: {  	s17 =	simm.s32 $0x100;
	s18 =	simm.s32 $0x9000;
	s19 =	simm.s32 $0x180  }
0x6: {  	s20 =	simm.s32 $0xB000;
	s21 =	simm.s32 $0x1;
	s22 =	simm.s32 $0x2  }
0x7: {  	s23 =	simm.s32 $0x3;
	s28 =	simm.s32 $0x4F00;
	s29 =	simm.s32 $0x4F80  }
0x8: {  	s30 =	simm.s32 $0x0;
	s5 =	sand.u32 $0x1, s4;
	s8 =	smul.u32 $0xA000, s1  }
0x9: {  	s4 =	simm.s32 $0x0;
	s31 =	sshll.u32 s1, $0x6;
	s6 =	sshll.u32 s5, $0x4  }
0xa: {  	s7 =	smul.u32 $0xA0000, s5;
	[smem:$0x7FF] =	sst s4;
	s25 =	ssub.s32 $0x2, s5  }
0xb: {  	s5 =	sadd.s32 $0x16600, s0;
	s12 =	sor.u32 $0x1C05, s31;
	s6 =	sor.u32 s1, s6  }
0xc: {  	_ =	strace $0x8000004A;
	s26 =	sshrl.u32 s25, $0x1;
	s13 =	sadd.s32 s8, s3  }
0xd: {  	s6 =	smul.u32 $0x500, s6;
	s7 =	sadd.s32 s8, s7;
	s10 =	ssub.s32 s25, s26  }
0xe: {  	s13 =	sshrl.u32 s13, $0x3;
	s25 =	simm.s32 $0x4E00;
	s24 =	sshrl.u32 s7, $0x3  }
0xf: {  	s26 =	simm.s32 $0x4E80;
	s9 =	sadd.s32 s6, s0;
	s0 =	sadd.s32 s24, s0  }
0x10: {  	s24 =	simm.s32 $0x4;
	s6 =	sadd.s32 $0xC600, s9;
	s7 =	sadd.s32 $0x2000, s9  }
0x11: {  	s8 =	sadd.s32 $0x17A00, s0;
	s9 =	smax.u32 s10, $0x1;
	s10 =	simm.s32 $0x5  }
.LBB2_1:
0x12: {  	[tilespmem:s4], [sflag:$0x5] =	stream.linear.gather [hbm4b:s6+s4], $0x2800, $0x38;
	[tilespmem:$0x17000] =	vst v63  }
0x13: {  	_ =	swait.ge [sflag:s10], $0x2800  }
0x14: {  	[sflag:s10] =	ssyncset.done $0x0  }
0x15: {  	[sflag:s10] =	ssyncadd.s32 $0xFFFFD800  }
0x16: {  	[tilespmem:s11], [sflag:$0x5] =	stream.linear.gather [hbm4b:s7+s4], $0x2800, $0x38;
	[tilespmem:$0x17000] =	vst v63  }
0x17: {  	_ =	swait.ge [sflag:s10], $0x2800  }
0x18: {  	[sflag:s10] =	ssyncset.done $0x0  }
0x19: {  	[sflag:s10] =	ssyncadd.s32 $0xFFFFD800  }
0x1a: {  	[spmem:s13], [sflag:s12] =	dma.local [hbm:s5], $0x1400  }
0x1b: {  	_ =	swait.ge [sflag:s10], $0x1400  }
0x1c: {  	[sflag:s10] =	ssyncset.done $0x0  }
0x1d: {  	[sflag:s10] =	ssyncadd.s32 $0xFFFFEC00  }
0x1e: {  	[bflag:$0x0] =	sbarrier.arrive $0xFFFF  }
0x1f: {  	[tilespmem:s15], [sflag:$0x1] =	stream.indirect.gather [hbm4b:s2+s14], $0x40, s4, s14, $0xb8;
	[tilespmem:$0x17000] =	vst v63  }
0x20: {  	_ = 	snop  }
0x21: {  	[tilespmem:s16], [sflag:$0x2] =	stream.indirect.gather [hbm4b:s2+s14], $0x40, s14, s14, $0xb8;
	[tilespmem:$0x17000] =	vst v63  }
0x22: {  	_ = 	snop  }
0x23: {  	[tilespmem:s18], [sflag:$0x3] =	stream.indirect.gather [hbm4b:s2+s14], $0x40, s17, s14, $0xb8;
	[tilespmem:$0x17000] =	vst v63  }
0x24: {  	_ = 	snop  }
0x25: {  	[tilespmem:s20], [sflag:$0x4] =	stream.indirect.gather [hbm4b:s2+s14], $0x40, s19, s14, $0xb8;
	[tilespmem:$0x17000] =	vst v63  }
0x26: {  	_ =	swait.ge [sflag:s21], $0x2000  }
0x27: {  	[sflag:s21] =	ssyncset.done $0x0  }
0x28: {  	s0 =	simm.s32 $0x2800;
	[sflag:s21] =	ssyncadd.s32 $0xFFFFE000  }
0x29: {  	[spmem:s3] =	stream.indirect.scatter.add.f32 [tilespmem:s15], [sflag:$0x5], $0x40, s0, s14, $0xb8;
	[tilespmem:$0x17000] =	vst v63  }
0x2a: {  	_ =	swait.ge [sflag:s10], $0x2000  }
0x2b: {  	[sflag:s10] =	ssyncset.done $0x0  }
0x2c: {  	s1 =	simm.s32 $0x200;
	[sflag:s10] =	ssyncadd.s32 $0xFFFFE000  }
0x2d: {  	[tilespmem:s15], [sflag:$0x1] =	stream.indirect.gather [hbm4b:s2+s14], $0x40, s1, s14, $0xb8;
	[tilespmem:$0x17000] =	vst v63  }
0x2e: {  	_ =	swait.ge [sflag:s22], $0x2000  }
0x2f: {  	[sflag:s22] =	ssyncset.done $0x0  }
0x30: {  	s1 =	simm.s32 $0x2880;
	[sflag:s22] =	ssyncadd.s32 $0xFFFFE000  }
0x31: {  	[spmem:s3] =	stream.indirect.scatter.add.f32 [tilespmem:s16], [sflag:$0x5], $0x40, s1, s14, $0xb8;
	[tilespmem:$0x17000] =	vst v63  }
0x32: {  	_ =	swait.ge [sflag:s10], $0x2000  }
0x33: {  	[sflag:s10] =	ssyncset.done $0x0  }
0x34: {  	s1 =	simm.s32 $0x280;
	[sflag:s10] =	ssyncadd.s32 $0xFFFFE000  }
0x35: {  	[tilespmem:s16], [sflag:$0x2] =	stream.indirect.gather [hbm4b:s2+s14], $0x40, s1, s14, $0xb8;
	[tilespmem:$0x17000] =	vst v63  }
0x36: {  	_ =	swait.ge [sflag:s23], $0x2000  }
0x37: {  	[sflag:s23] =	ssyncset.done $0x0  }
0x38: {  	s1 =	simm.s32 $0x2900;
	[sflag:s23] =	ssyncadd.s32 $0xFFFFE000  }
0x39: {  	[spmem:s3] =	stream.indirect.scatter.add.f32 [tilespmem:s18], [sflag:$0x5], $0x40, s1, s14, $0xb8;
	[tilespmem:$0x17000] =	vst v63  }
0x3a: {  	_ =	swait.ge [sflag:s10], $0x2000  }
0x3b: {  	[sflag:s10] =	ssyncset.done $0x0  }
0x3c: {  	s1 =	simm.s32 $0x300;
	[sflag:s10] =	ssyncadd.s32 $0xFFFFE000  }
0x3d: {  	[tilespmem:s18], [sflag:$0x3] =	stream.indirect.gather [hbm4b:s2+s14], $0x40, s1, s14, $0xb8;
	[tilespmem:$0x17000] =	vst v63  }
0x3e: {  	_ =	swait.ge [sflag:s24], $0x2000  }
0x3f: {  	[sflag:s24] =	ssyncset.done $0x0  }
0x40: {  	s1 =	simm.s32 $0x2980;
	[sflag:s24] =	ssyncadd.s32 $0xFFFFE000  }
0x41: {  	[spmem:s3] =	stream.indirect.scatter.add.f32 [tilespmem:s20], [sflag:$0x5], $0x40, s1, s14, $0xb8;
	[tilespmem:$0x17000] =	vst v63  }
0x42: {  	_ =	swait.ge [sflag:s10], $0x2000  }
0x43: {  	[sflag:s10] =	ssyncset.done $0x0  }
0x44: {  	s31 =	simm.s32 $0x800;
	s0 =	simm.s32 $0x380;
	[sflag:s10] =	ssyncadd.s32 $0xFFFFE000  }
.LBB2_2:
0x45: {  	[tilespmem:s20], [sflag:$0x4] =	stream.indirect.gather [hbm4b:s2+s14], $0x40, s0, s14, $0xb8;
	[tilespmem:$0x17000] =	vst v63  }
0x46: {  	s0 =	smov.u32 s31  }
0x47: {  	p0 =	sne.s32 s31, $0x9000;
	s31 =	sadd.s32 $0x800, s31;
	_ =	swait.ge [sflag:s21], $0x2000  }
0x48: {  	s0 =	sshra.s32 s0, $0x2;
	[sflag:s21] =	ssyncset.done $0x0  }
0x49: {  	s1 =	sadd.s32 $0x2800, s0;
	[sflag:s21] =	ssyncadd.s32 $0xFFFFE000  }
0x4a: {  	[spmem:s3] =	stream.indirect.scatter.add.f32 [tilespmem:s15], [sflag:$0x5], $0x40, s1, s14, $0xb8;
	[tilespmem:$0x17000] =	vst v63  }
0x4b: {  	_ =	swait.ge [sflag:s10], $0x2000  }
0x4c: {  	[sflag:s10] =	ssyncset.done $0x0  }
0x4d: {  	s1 =	sadd.s32 $0x200, s0;
	[sflag:s10] =	ssyncadd.s32 $0xFFFFE000  }
0x4e: {  	[tilespmem:s15], [sflag:$0x1] =	stream.indirect.gather [hbm4b:s2+s14], $0x40, s1, s14, $0xb8;
	[tilespmem:$0x17000] =	vst v63  }
0x4f: {  	_ =	swait.ge [sflag:s22], $0x2000  }
0x50: {  	[sflag:s22] =	ssyncset.done $0x0  }
0x51: {  	s1 =	sadd.s32 $0x2880, s0;
	[sflag:s22] =	ssyncadd.s32 $0xFFFFE000  }
0x52: {  	[spmem:s3] =	stream.indirect.scatter.add.f32 [tilespmem:s16], [sflag:$0x5], $0x40, s1, s14, $0xb8;
	[tilespmem:$0x17000] =	vst v63  }
0x53: {  	_ =	swait.ge [sflag:s10], $0x2000  }
0x54: {  	[sflag:s10] =	ssyncset.done $0x0  }
0x55: {  	s1 =	sadd.s32 $0x280, s0;
	[sflag:s10] =	ssyncadd.s32 $0xFFFFE000  }
0x56: {  	[tilespmem:s16], [sflag:$0x2] =	stream.indirect.gather [hbm4b:s2+s14], $0x40, s1, s14, $0xb8;
	[tilespmem:$0x17000] =	vst v63  }
0x57: {  	_ =	swait.ge [sflag:s23], $0x2000  }
0x58: {  	[sflag:s23] =	ssyncset.done $0x0  }
0x59: {  	s1 =	sadd.s32 $0x2900, s0;
	[sflag:s23] =	ssyncadd.s32 $0xFFFFE000  }
0x5a: {  	[spmem:s3] =	stream.indirect.scatter.add.f32 [tilespmem:s18], [sflag:$0x5], $0x40, s1, s14, $0xb8;
	[tilespmem:$0x17000] =	vst v63  }
0x5b: {  	_ =	swait.ge [sflag:s10], $0x2000  }
0x5c: {  	[sflag:s10] =	ssyncset.done $0x0  }
0x5d: {  	s1 =	sadd.s32 $0x300, s0;
	[sflag:s10] =	ssyncadd.s32 $0xFFFFE000  }
0x5e: {  	[tilespmem:s18], [sflag:$0x3] =	stream.indirect.gather [hbm4b:s2+s14], $0x40, s1, s14, $0xb8;
	[tilespmem:$0x17000] =	vst v63  }
0x5f: {  	_ =	swait.ge [sflag:s24], $0x2000  }
0x60: {  	[sflag:s24] =	ssyncset.done $0x0  }
.Ltmp0:
0x61: {  	s1 =	sadd.s32 $0x2980, s0;
	[sflag:s24] =	ssyncadd.s32 $0xFFFFE000;
	(pc) =	sbr.rel @p0 .LBB2_2-.Ltmp0, $4  }
0x62: {  	[spmem:s3] =	stream.indirect.scatter.add.f32 [tilespmem:s20], [sflag:$0x5], $0x40, s1, s14, $0xb8;
	[tilespmem:$0x17000] =	vst v63  }
0x63: {  	_ =	swait.ge [sflag:s10], $0x2000  }
0x64: {  	[sflag:s10] =	ssyncset.done $0x0  }
0x65: {  	s0 =	sadd.s32 $0x380, s0;
	[sflag:s10] =	ssyncadd.s32 $0xFFFFE000  }
0x66: {  	[tilespmem:s20], [sflag:$0x4] =	stream.indirect.gather [hbm4b:s2+s14], $0x40, s0, s14, $0xb8;
	[tilespmem:$0x17000] =	vst v63  }
0x67: {  	_ =	swait.ge [sflag:s21], $0x2000  }
0x68: {  	[sflag:s21] =	ssyncset.done $0x0  }
0x69: {  	[sflag:s21] =	ssyncadd.s32 $0xFFFFE000  }
0x6a: {  	[spmem:s3] =	stream.indirect.scatter.add.f32 [tilespmem:s15], [sflag:$0x5], $0x40, s25, s14, $0xb8;
	[tilespmem:$0x17000] =	vst v63  }
0x6b: {  	_ =	swait.ge [sflag:s10], $0x2000  }
0x6c: {  	[sflag:s10] =	ssyncset.done $0x0  }
0x6d: {  	[sflag:s10] =	ssyncadd.s32 $0xFFFFE000  }
0x6e: {  	_ =	swait.ge [sflag:s22], $0x2000  }
0x6f: {  	[sflag:s22] =	ssyncset.done $0x0  }
0x70: {  	[sflag:s22] =	ssyncadd.s32 $0xFFFFE000  }
0x71: {  	[spmem:s3] =	stream.indirect.scatter.add.f32 [tilespmem:s16], [sflag:$0x5], $0x40, s26, s14, $0xb8;
	[tilespmem:$0x17000] =	vst v63  }
0x72: {  	_ =	swait.ge [sflag:s10], $0x2000  }
0x73: {  	[sflag:s10] =	ssyncset.done $0x0  }
0x74: {  	[sflag:s10] =	ssyncadd.s32 $0xFFFFE000  }
0x75: {  	_ =	swait.ge [sflag:s23], $0x2000  }
0x76: {  	[sflag:s23] =	ssyncset.done $0x0  }
0x77: {  	[sflag:s23] =	ssyncadd.s32 $0xFFFFE000  }
0x78: {  	[spmem:s3] =	stream.indirect.scatter.add.f32 [tilespmem:s18], [sflag:$0x5], $0x40, s28, s14, $0xb8;
	[tilespmem:$0x17000] =	vst v63  }
0x79: {  	_ =	swait.ge [sflag:s10], $0x2000  }
0x7a: {  	[sflag:s10] =	ssyncset.done $0x0  }
0x7b: {  	[sflag:s10] =	ssyncadd.s32 $0xFFFFE000  }
0x7c: {  	_ =	swait.ge [sflag:s24], $0x2000  }
0x7d: {  	[sflag:s24] =	ssyncset.done $0x0  }
0x7e: {  	[sflag:s24] =	ssyncadd.s32 $0xFFFFE000  }
0x7f: {  	[spmem:s3] =	stream.indirect.scatter.add.f32 [tilespmem:s20], [sflag:$0x5], $0x40, s29, s14, $0xb8;
	[tilespmem:$0x17000] =	vst v63  }
0x80: {  	_ =	swait.ge [sflag:s10], $0x2000  }
0x81: {  	s30 =	sadd.s32 $0x1, s30;
	[sflag:s10] =	ssyncset.done $0x0  }
0x82: {  	p0 =	sne.s32 s30, s9;
	[sflag:s10] =	ssyncadd.s32 $0xFFFFE000  }
.Ltmp1:
0x83: {  	[bflag:$0x0] =	sbarrier.arrive $0xFFFF;
	(pc) =	sbr.rel @p0 .LBB2_1-.Ltmp1, $4  }
0x84: {  	[hbm:s8], [sflag:s12] =	dma.local [spmem:s13], $0x1400  }
0x85: {  	_ =	swait.ge [sflag:s10], $0x1400  }
0x86: {  	[sflag:s10] =	ssyncset.done $0x0  }
0x87: {  	[sflag:s10] =	ssyncadd.s32 $0xFFFFEC00  }
0x88: {  	_ =	sfence.sel $0x180000  }
0x89: {  	[bflag:$0x0] =	sbarrier.arrive $0xFFFF  }
0x8a: {  	_ =	strace $0x9000004A  }
0x8b: {  	s0 =	stileid.u32;
	[bflag:$0x2] =	sbarrier.arrive $0xFFFF  }
0x8c: {  	p0 =	sne.s32 s0, $0x0;
	s0 =	rddreg [dreg:$0x3]  }
0x8d: {  	s0 =	sadd.s32 @!p0 $0x100000, s0  }
0x8e: {  	[sflag:s0] =	ssyncadd.tile.s32 @!p0 $0x1;
	_ =	shalt  }
.Lfunc_end2:
_tile_overlayer_lowered:
.L_overlay_start_2:
0x8f: {  	(tag) =	ssettag $0x2  }
0x90: {  	s0 =	rddreg [dreg:$0x0];
	s2 =	stileid.u32  }
0x91: {  	s1 =	rddreg [dreg:$0x1];
	p0 =	sne.s32 s2, $0x0  }
0x92: {  	s3 =	rddreg [dreg:$0x2];
	[bflag:$0x3] =	sbarrier.arrive $0xFFFF;
	s2 =	simm.s32 @!p0 $0x1C05  }
0x93: {  	[timem:s3], [sflag:s2] =	dma.local @!p0 [hbm:s0], s1  }
0x94: {  	s0 =	simm.s32 @!p0 $0x5  }
0x95: {  	_ =	swait.ge @!p0 [sflag:s0], s1  }
0x96: {  	s1 =	ssub.s32 @!p0 $0x0, s1;
	[sflag:s0] =	ssyncset.done @!p0 $0x0  }
0x97: {  	[sflag:s0] =	ssyncadd.s32 @!p0 s1  }
0x98: {  	[bflag:$0x3] =	sbarrier.arrive $0xFFFF  }
0x99: {  	_ =	shalt  }

// kernel: kernel.16.cloned.1.call-start
scs
__scs_entry_jumppad:
0x0: {  	(pc) =	sbr.rel $0x88, $3  }
0x1: {  	(tag) =	ssettag $0x0;
	lr =	simm.s32 $0x1  }
0x2: {  	[smem:$0x3F99] =	sst lr;
	_ =	strace $0xD0000000  }
0x3: {  	_ = 	snop  }
0x4: {  	_ = 	snop  }
0x5: {  	_ = 	snop  }
0x6: {  	_ = 	snop  }
0x7: {  	_ = 	snop  }
__scs_overlays_trampoline_lowered:
0x8: {  	[smem:$0x3FA8] =	sst s0  }
0x9: {  	[smem:$0x3FA9] =	sst s1  }
0xa: {  	[smem:$0x3FAA] =	sst s2  }
0xb: {  	[smem:$0x3FAB] =	sst s3  }
0xc: {  	[smem:$0x3FAC] =	sst s4  }
0xd: {  	[smem:$0x3FAD] =	sst s5  }
0xe: {  	[smem:$0x3FAE] =	sst s6  }
0xf: {  	[smem:$0x3FAF] =	sst s7  }
0x10: {  	[smem:$0x3FB0] =	sst s8  }
0x11: {  	[smem:$0x3FB1] =	sst s9;
	s0 =	simm.s32 @!p0 $0x0  }
0x12: {  	s1 =	sld [smem:$0x3F97];
	s0 =	simm.s32 @p0 $0x1  }
0x13: {  	[smem:$0x3FB2] =	sst s0;
	s0 =	simm.s32 @!p1 $0x0  }
0x14: {  	s2 =	sld [smem:$0x3F96];
	s0 =	simm.s32 @p1 $0x1  }
0x15: {  	[smem:$0x3FB3] =	sst s0;
	s0 =	simm.s32 @!p2 $0x0  }
0x16: {  	s3 =	sld [smem:$0x3FDB];
	s0 =	simm.s32 @p2 $0x1  }
0x17: {  	s4 =	simm.s32 $0x1BF5;
	[smem:$0x3FB5] =	sst s0  }
0x18: {  	s0 =	sld [smem:$0x3F98];
	_ =	swait.ge [sflag:s4], $0x0  }
0x19: {  	s7 =	sld [smem:$0x3F99]  }
0x1a: {  	s8 =	sadd.s32 $0xFFFFE003, lr  }
0x1b: {  	s9 =	sadd.s32 $0xFFFFFEF7, lr;
	s5 =	simm.s32 $0xFFFFFFFF;
	p2 =	slt.u32 s8, $0xFFFFF086  }
0x1c: {  	p1 =	slt.u32 s9, $0xF7A;
	s5 =	simm.s32 @!p2 $0x0  }
0x1d: {  	s5 =	simm.s32 @p1 $0x1;
	p0 =	seq.s32 s7, s2  }
0x1e: {  	s7 =	smul.u32 @!p0 $0xF7A, s2;
	p2 =	seq.s32 @!p0 s5, $0x0  }
0x1f: {  	s9 =	smul.u32 $0xF7A, s1;
	s8 =	simm.s32 @!p0 $0x1BF5;
	p2 =	por !p2, p0  }
0x20: {  	[sflag:s8] =	ssyncset.s32 @!p0 $0xFFFFF086;
	s6 =	sadd.s32 @!p0 s3, s7;
	s7 =	simm.s32 @!p0 $0x108  }
0x21: {  	s3 =	sadd.s32 s3, s9;
	s6 =	sadd.s32 @!p0 $0x88, s6;
	s7 =	simm.s32 @p2 $0x1082  }
0x22: {  	[simem:s7], [sflag:s8] =	dma.local @!p0 [hbm:s6], $0xF7A  }
0x23: {  	s9 =	sor.u32 $0xD0000000, s2;
	s6 =	simm.s32 $0x108;
	_ =	swait.ge @!p0 [sflag:s8], $0x0  }
0x24: {  	s3 =	sadd.s32 $0x88, s3;
	s6 =	simm.s32 @!p1 $0x1082;
	[sflag:s4] =	ssyncset.s32 $0xFFFFF086  }
0x25: {  	[simem:s6], [sflag:s4] =	dma.local [hbm:s3], $0xF7A  }
0x26: {  	[smem:$0x3F99] =	sst s1;
	(tag) =	ssettag s2;
	_ =	strace s9  }
0x27: {  	s1 =	sld [smem:$0x3FA9]  }
0x28: {  	s2 =	sld [smem:$0x3FAA]  }
0x29: {  	s4 =	sld [smem:$0x3FAC]  }
0x2a: {  	p0 =	seq.s32 s5, $0x0;
	s5 =	sld [smem:$0x3FAD]  }
0x2b: {  	s6 =	sld [smem:$0x3FAE]  }
0x2c: {  	s7 =	sld [smem:$0x3FAF]  }
0x2d: {  	s3 =	simm.s32 $0x108;
	s8 =	sld [smem:$0x3FB0]  }
0x2e: {  	s3 =	simm.s32 @!p0 $0x1082;
	s9 =	sld [smem:$0x3FB1]  }
0x2f: {  	lr =	sadd.s32 s0, s3;
	s0 =	sld [smem:$0x3FA8]  }
0x30: {  	s3 =	sld [smem:$0x3FAB]  }
0x31: {  	[smem:$0x3FB4] =	sst s10  }
0x32: {  	s10 =	sld [smem:$0x3FB2];
	_ =	sdelay $0x3  }
0x33: {  	p0 =	seq.s32 s10, $0x1;
	s10 =	sld [smem:$0x3FB4];
	_ =	sdelay $0x3  }
0x34: {  	[smem:$0x3FB4] =	sst s10  }
0x35: {  	s10 =	sld [smem:$0x3FB3];
	_ =	sdelay $0x3  }
0x36: {  	p1 =	seq.s32 s10, $0x1;
	s10 =	sld [smem:$0x3FB4];
	_ =	sdelay $0x3  }
0x37: {  	[smem:$0x3FB4] =	sst s10  }
0x38: {  	s10 =	sld [smem:$0x3FB5]  }
0x39: {  	_ = 	snop;
	(pc) =	sbr.ind lr, $3  }
0x3a: {  	_ = 	snop  }
0x3b: {  	_ = 	snop  }
0x3c: {  	p2 =	seq.s32 s10, $0x1;
	s10 =	sld [smem:$0x3FB4]  }
0x3d: {  	_ =	shalt  }
0x3e: {  	_ =	shalt  }
0x3f: {  	_ =	shalt  }
0x40: {  	_ =	shalt  }
0x41: {  	_ =	shalt  }
0x42: {  	_ =	shalt  }
0x43: {  	_ =	shalt  }
0x44: {  	_ =	shalt  }
0x45: {  	_ =	shalt  }
0x46: {  	_ =	shalt  }
0x47: {  	_ =	shalt  }
0x48: {  	_ =	shalt  }
0x49: {  	_ =	shalt  }
0x4a: {  	_ =	shalt  }
0x4b: {  	_ =	shalt  }
0x4c: {  	_ =	shalt  }
0x4d: {  	_ =	shalt  }
0x4e: {  	_ =	shalt  }
0x4f: {  	_ =	shalt  }
0x50: {  	_ =	shalt  }
0x51: {  	_ =	shalt  }
0x52: {  	_ =	shalt  }
0x53: {  	_ =	shalt  }
0x54: {  	_ =	shalt  }
0x55: {  	_ =	shalt  }
0x56: {  	_ =	shalt  }
0x57: {  	_ =	shalt  }
0x58: {  	_ =	shalt  }
0x59: {  	_ =	shalt  }
0x5a: {  	_ =	shalt  }
0x5b: {  	_ =	shalt  }
0x5c: {  	_ =	shalt  }
0x5d: {  	_ =	shalt  }
0x5e: {  	_ =	shalt  }
0x5f: {  	_ =	shalt  }
0x60: {  	_ =	shalt  }
0x61: {  	_ =	shalt  }
0x62: {  	_ =	shalt  }
0x63: {  	_ =	shalt  }
0x64: {  	_ =	shalt  }
0x65: {  	_ =	shalt  }
0x66: {  	_ =	shalt  }
0x67: {  	_ =	shalt  }
0x68: {  	_ =	shalt  }
0x69: {  	_ =	shalt  }
0x6a: {  	_ =	shalt  }
0x6b: {  	_ =	shalt  }
0x6c: {  	_ =	shalt  }
0x6d: {  	_ =	shalt  }
0x6e: {  	_ =	shalt  }
0x6f: {  	_ =	shalt  }
0x70: {  	_ =	shalt  }
0x71: {  	_ =	shalt  }
0x72: {  	_ =	shalt  }
0x73: {  	_ =	shalt  }
0x74: {  	_ =	shalt  }
0x75: {  	_ =	shalt  }
0x76: {  	_ =	shalt  }
0x77: {  	_ =	shalt  }
0x78: {  	_ =	shalt  }
0x79: {  	_ =	shalt  }
0x7a: {  	_ =	shalt  }
0x7b: {  	_ =	shalt  }
0x7c: {  	_ =	shalt  }
0x7d: {  	_ =	shalt  }
0x7e: {  	_ =	shalt  }
0x7f: {  	_ =	shalt  }
0x80: {  	_ =	shalt  }
0x81: {  	_ =	shalt  }
0x82: {  	_ =	shalt  }
0x83: {  	_ =	shalt  }
0x84: {  	_ =	shalt  }
0x85: {  	_ =	shalt  }
0x86: {  	_ =	shalt  }
0x87: {  	_ =	shalt  }
.Lfunc_end0:
.L_simem_size_0:
called_computation.2_lowered:
.L_overlay_start_0:
0x88: {  	s2 =	sld [smem:$0x3FD9]  }
0x89: {  	s3 =	sld [smem:$0x3FFE];
	_ =	sdelay $0x1  }
0x8a: {  	s1 =	srdreg.scid  }
0x8b: {  	s0 =	sand.u32 $0x1, s1  }
0x8c: {  	s17 =	sshll.u32 s0, $0xA;
	s2 =	sadd.s32 s3, s2  }
0x8d: {  	s2 =	sadd.s32 s2, s17  }
0x8e: {  	[smem:$0x3FC0] =	sst s2  }
0x8f: {  	_ = 	snop  }
0x90: {  	s2 =	sld [smem:$0x3FD0];
	(tm) =	ssettm $0x1  }
0x91: {  	s18 =	sld [smem:$0x3FFB];
	_ =	sdelay $0x3  }
0x92: {  	_ =	strace s18  }
0x93: {  	s3 =	sld [smem:$0x3FFC];
	_ =	sdelay $0x3  }
0x94: {  	_ =	strace s3  }
0x95: {  	s3 =	sld [smem:$0x3FFD];
	_ =	sdelay $0x3  }
0x96: {  	_ =	strace s3  }
0x97: {  	_ =	strace $0x8FFFFFFF  }
0x98: {  	s19 =	sld [smem:$0x3FDB];
	_ =	sdelay $0x1  }
0x99: {  	s4 =	simm.s32 $_scs_section_size  }
0x9a: {  	s5 =	simm.s32 $_size__tile_overlayer_lowered;
	s6 =	simm.s32 $_tile_overlayer_lowered  }
0x9b: {  	s22 =	simm.s32 $0x1BFF;
	s21 =	sshll.u32 s6, $0x1;
	s3 =	sadd.s32 s4, s19  }
0x9c: {  	s7 =	simm.s32 $0x0;
	s20 =	sshll.u32 s5, $0x1;
	s5 =	sadd.s32 s21, s3  }
0x9d: {  	[timem:s7], [sflag:s22] =	dma.local [hbm:s5], s20  }
0x9e: {  	_ =	swait.ge [sflag:s22], s20  }
0x9f: {  	s4 =	ssub.s32 $0x0, s20;
	[sflag:s22] =	ssyncset.done $0x0  }
0xa0: {  	[sflag:s22] =	ssyncadd.s32 s4;
	_ =	sdelay $0x1  }
0xa1: {  	s23 =	simm.s32 $0x1B8B  }
0xa2: {  	_ =	swait.ge [sflag:s23], $0x1  }
0xa3: {  	[sflag:s23] =	ssyncset.done $0x0  }
0xa4: {  	s25 =	simm.s32 $0x1B8E;
	s24 =	sld [smem:$0x3FFE];
	[sflag:s23] =	ssyncadd.s32 $0xFFFFFFFF  }
0xa5: {  	s26 =	simm.s32 $execute0_lowered;
	[smem:$0x3FD2] =	sst s25  }
0xa6: {  	s5 =	sshll.u32 s26, $0x1;
	_ =	strace $0x8000004C;
	[dreg:$0x1] =	wrdreg $0xFFFFFFFF  }
0xa7: {  	s28 =	simm.s32 $_size_execute0_lowered;
	s3 =	sadd.s32 s3, s5;
	[dreg:$0x0] =	wrdreg $0x0  }
0xa8: {  	s5 =	sshll.u32 s28, $0x1;
	[dreg:$0x2] =	wrdreg s3  }
0xa9: {  	[dreg:$0x3] =	wrdreg s5  }
0xaa: {  	[dreg:$0x4] =	wrdreg $0xC0  }
0xab: {  	_ =	task [dreg:s7], $0x5FFFF  }
0xac: {  	[dreg:$0x1] =	wrdreg $0xFFFFFFFF  }
0xad: {  	[dreg:$0x0] =	wrdreg $0x60  }
0xae: {  	[dreg:$0x2] =	wrdreg s2  }
0xaf: {  	[dreg:$0x3] =	wrdreg s24  }
0xb0: {  	[dreg:$0x4] =	wrdreg $0xD0000  }
0xb1: {  	[dreg:$0x5] =	wrdreg $0x9  }
0xb2: {  	_ =	task.clear_ibuf [dreg:s7], $0x6FFFF;
	_ =	strace $0x9000004C  }
0xb3: {  	s29 =	simm.s32 $0x9;
	_ =	strace $0x8000004E  }
0xb4: {  	_ =	swait.ge [sflag:s29], $0x1  }
0xb5: {  	[sflag:s29] =	ssyncadd.s32 $0xFFFFFFFF  }
0xb6: {  	_ =	strace $0x9000004E  }
0xb7: {  	_ =	sfence  }
0xb8: {  	s30 =	sld [smem:$0x0];
	_ =	sdelay $0x2  }
0xb9: {  	s31 =	sshll.u32 s1, $0xD;
	s1 =	sshrl.u32 s1, $0x2  }
0xba: {  	s3 =	sand.u32 $0x4000, s31;
	s1 =	sadd.s32 s1, s30  }
0xbb: {  	s0 =	sor.u32 s3, s0;
	s1 =	sshll.u32 s1, $0x11  }
0xbc: {  	s0 =	sor.u32 s1, s0  }
0xbd: {  	s0 =	sadd.s32 $0x8F2B, s0  }
0xbe: {  	[sflag:s0] =	ssyncadd.remote.s32 $0x1  }
0xbf: {  	_ =	sfence.sel $0xFFFF  }
0xc0: {  	[dreg:$0x0] =	wrdreg $0xFFFFFFFF;
	(pc) =	sbr.abs _section_cstart, $3  }
0xc1: {  	[dreg:$0x1] =	wrdreg $0xFFFFFFFF  }
0xc2: {  	_ =	task.clear_ibuf [dreg:s7], $0x2FFFF;
	_ =	strace $0x9FFFFFFF  }
0xc3: {  	(tm) =	ssettm $0x7FFFFFFF  }
tec
execute0_lowered:
.L_overlay_start_1:
0x0: {  	(tag) =	ssettag $0x1  }
0x1: {  	s2 =	rddreg [dreg:$0x0]  }
0x2: {  	s0 =	rddreg [dreg:$0x1];
	s4 =	srdreg.scid  }
0x3: {  	s3 =	rddreg [dreg:$0x2];
	s1 =	stileid.u32;
	s11 =	simm.s32 $0x2800  }
0x4: {  	s14 =	simm.s32 $0x80;
	s15 =	simm.s32 $0x5000;
	s16 =	simm.s32 $0x7000  }
0x5: {  	s17 =	simm.s32 $0x100;
	s18 =	simm.s32 $0x9000;
	s19 =	simm.s32 $0x180  }
0x6: {  	s20 =	simm.s32 $0xB000;
	s21 =	simm.s32 $0x1;
	s22 =	simm.s32 $0x2  }
0x7: {  	s23 =	simm.s32 $0x3;
	s28 =	simm.s32 $0x4F00;
	s29 =	simm.s32 $0x4F80  }
0x8: {  	s30 =	simm.s32 $0x0;
	s5 =	sand.u32 $0x1, s4;
	s8 =	smul.u32 $0xA000, s1  }
0x9: {  	s4 =	simm.s32 $0x0;
	s31 =	sshll.u32 s1, $0x6;
	s6 =	sshll.u32 s5, $0x4  }
0xa: {  	s7 =	smul.u32 $0xA0000, s5;
	[smem:$0x7FF] =	sst s4;
	s25 =	ssub.s32 $0x2, s5  }
0xb: {  	s5 =	sadd.s32 $0x16600, s0;
	s12 =	sor.u32 $0x1C05, s31;
	s6 =	sor.u32 s1, s6  }
0xc: {  	_ =	strace $0x8000004D;
	s26 =	sshrl.u32 s25, $0x1;
	s13 =	sadd.s32 s8, s3  }
0xd: {  	s6 =	smul.u32 $0x500, s6;
	s7 =	sadd.s32 s8, s7;
	s10 =	ssub.s32 s25, s26  }
0xe: {  	s13 =	sshrl.u32 s13, $0x3;
	s25 =	simm.s32 $0x4E00;
	s24 =	sshrl.u32 s7, $0x3  }
0xf: {  	s26 =	simm.s32 $0x4E80;
	s9 =	sadd.s32 s6, s0;
	s0 =	sadd.s32 s24, s0  }
0x10: {  	s24 =	simm.s32 $0x4;
	s6 =	sadd.s32 $0xC600, s9;
	s7 =	sadd.s32 $0x2000, s9  }
0x11: {  	s8 =	sadd.s32 $0x17A00, s0;
	s9 =	smax.u32 s10, $0x1;
	s10 =	simm.s32 $0x5  }
.LBB2_1:
0x12: {  	[tilespmem:s4], [sflag:$0x5] =	stream.linear.gather [hbm4b:s6+s4], $0x2800, $0x38;
	[tilespmem:$0x17000] =	vst v63  }
0x13: {  	_ =	swait.ge [sflag:s10], $0x2800  }
0x14: {  	[sflag:s10] =	ssyncset.done $0x0  }
0x15: {  	[sflag:s10] =	ssyncadd.s32 $0xFFFFD800  }
0x16: {  	[tilespmem:s11], [sflag:$0x5] =	stream.linear.gather [hbm4b:s7+s4], $0x2800, $0x38;
	[tilespmem:$0x17000] =	vst v63  }
0x17: {  	_ =	swait.ge [sflag:s10], $0x2800  }
0x18: {  	[sflag:s10] =	ssyncset.done $0x0  }
0x19: {  	[sflag:s10] =	ssyncadd.s32 $0xFFFFD800  }
0x1a: {  	[spmem:s13], [sflag:s12] =	dma.local [hbm:s5], $0x1400  }
0x1b: {  	_ =	swait.ge [sflag:s10], $0x1400  }
0x1c: {  	[sflag:s10] =	ssyncset.done $0x0  }
0x1d: {  	[sflag:s10] =	ssyncadd.s32 $0xFFFFEC00  }
0x1e: {  	[bflag:$0x0] =	sbarrier.arrive $0xFFFF  }
0x1f: {  	[tilespmem:s15], [sflag:$0x1] =	stream.indirect.gather [hbm4b:s2+s14], $0x40, s4, s14, $0xb8;
	[tilespmem:$0x17000] =	vst v63  }
0x20: {  	_ = 	snop  }
0x21: {  	[tilespmem:s16], [sflag:$0x2] =	stream.indirect.gather [hbm4b:s2+s14], $0x40, s14, s14, $0xb8;
	[tilespmem:$0x17000] =	vst v63  }
0x22: {  	_ = 	snop  }
0x23: {  	[tilespmem:s18], [sflag:$0x3] =	stream.indirect.gather [hbm4b:s2+s14], $0x40, s17, s14, $0xb8;
	[tilespmem:$0x17000] =	vst v63  }
0x24: {  	_ = 	snop  }
0x25: {  	[tilespmem:s20], [sflag:$0x4] =	stream.indirect.gather [hbm4b:s2+s14], $0x40, s19, s14, $0xb8;
	[tilespmem:$0x17000] =	vst v63  }
0x26: {  	_ =	swait.ge [sflag:s21], $0x2000  }
0x27: {  	[sflag:s21] =	ssyncset.done $0x0  }
0x28: {  	s0 =	simm.s32 $0x2800;
	[sflag:s21] =	ssyncadd.s32 $0xFFFFE000  }
0x29: {  	[spmem:s3] =	stream.indirect.scatter.add.f32 [tilespmem:s15], [sflag:$0x5], $0x40, s0, s14, $0xb8;
	[tilespmem:$0x17000] =	vst v63  }
0x2a: {  	_ =	swait.ge [sflag:s10], $0x2000  }
0x2b: {  	[sflag:s10] =	ssyncset.done $0x0  }
0x2c: {  	s1 =	simm.s32 $0x200;
	[sflag:s10] =	ssyncadd.s32 $0xFFFFE000  }
0x2d: {  	[tilespmem:s15], [sflag:$0x1] =	stream.indirect.gather [hbm4b:s2+s14], $0x40, s1, s14, $0xb8;
	[tilespmem:$0x17000] =	vst v63  }
0x2e: {  	_ =	swait.ge [sflag:s22], $0x2000  }
0x2f: {  	[sflag:s22] =	ssyncset.done $0x0  }
0x30: {  	s1 =	simm.s32 $0x2880;
	[sflag:s22] =	ssyncadd.s32 $0xFFFFE000  }
0x31: {  	[spmem:s3] =	stream.indirect.scatter.add.f32 [tilespmem:s16], [sflag:$0x5], $0x40, s1, s14, $0xb8;
	[tilespmem:$0x17000] =	vst v63  }
0x32: {  	_ =	swait.ge [sflag:s10], $0x2000  }
0x33: {  	[sflag:s10] =	ssyncset.done $0x0  }
0x34: {  	s1 =	simm.s32 $0x280;
	[sflag:s10] =	ssyncadd.s32 $0xFFFFE000  }
0x35: {  	[tilespmem:s16], [sflag:$0x2] =	stream.indirect.gather [hbm4b:s2+s14], $0x40, s1, s14, $0xb8;
	[tilespmem:$0x17000] =	vst v63  }
0x36: {  	_ =	swait.ge [sflag:s23], $0x2000  }
0x37: {  	[sflag:s23] =	ssyncset.done $0x0  }
0x38: {  	s1 =	simm.s32 $0x2900;
	[sflag:s23] =	ssyncadd.s32 $0xFFFFE000  }
0x39: {  	[spmem:s3] =	stream.indirect.scatter.add.f32 [tilespmem:s18], [sflag:$0x5], $0x40, s1, s14, $0xb8;
	[tilespmem:$0x17000] =	vst v63  }
0x3a: {  	_ =	swait.ge [sflag:s10], $0x2000  }
0x3b: {  	[sflag:s10] =	ssyncset.done $0x0  }
0x3c: {  	s1 =	simm.s32 $0x300;
	[sflag:s10] =	ssyncadd.s32 $0xFFFFE000  }
0x3d: {  	[tilespmem:s18], [sflag:$0x3] =	stream.indirect.gather [hbm4b:s2+s14], $0x40, s1, s14, $0xb8;
	[tilespmem:$0x17000] =	vst v63  }
0x3e: {  	_ =	swait.ge [sflag:s24], $0x2000  }
0x3f: {  	[sflag:s24] =	ssyncset.done $0x0  }
0x40: {  	s1 =	simm.s32 $0x2980;
	[sflag:s24] =	ssyncadd.s32 $0xFFFFE000  }
0x41: {  	[spmem:s3] =	stream.indirect.scatter.add.f32 [tilespmem:s20], [sflag:$0x5], $0x40, s1, s14, $0xb8;
	[tilespmem:$0x17000] =	vst v63  }
0x42: {  	_ =	swait.ge [sflag:s10], $0x2000  }
0x43: {  	[sflag:s10] =	ssyncset.done $0x0  }
0x44: {  	s31 =	simm.s32 $0x800;
	s0 =	simm.s32 $0x380;
	[sflag:s10] =	ssyncadd.s32 $0xFFFFE000  }
.LBB2_2:
0x45: {  	[tilespmem:s20], [sflag:$0x4] =	stream.indirect.gather [hbm4b:s2+s14], $0x40, s0, s14, $0xb8;
	[tilespmem:$0x17000] =	vst v63  }
0x46: {  	s0 =	smov.u32 s31  }
0x47: {  	p0 =	sne.s32 s31, $0x9000;
	s31 =	sadd.s32 $0x800, s31;
	_ =	swait.ge [sflag:s21], $0x2000  }
0x48: {  	s0 =	sshra.s32 s0, $0x2;
	[sflag:s21] =	ssyncset.done $0x0  }
0x49: {  	s1 =	sadd.s32 $0x2800, s0;
	[sflag:s21] =	ssyncadd.s32 $0xFFFFE000  }
0x4a: {  	[spmem:s3] =	stream.indirect.scatter.add.f32 [tilespmem:s15], [sflag:$0x5], $0x40, s1, s14, $0xb8;
	[tilespmem:$0x17000] =	vst v63  }
0x4b: {  	_ =	swait.ge [sflag:s10], $0x2000  }
0x4c: {  	[sflag:s10] =	ssyncset.done $0x0  }
0x4d: {  	s1 =	sadd.s32 $0x200, s0;
	[sflag:s10] =	ssyncadd.s32 $0xFFFFE000  }
0x4e: {  	[tilespmem:s15], [sflag:$0x1] =	stream.indirect.gather [hbm4b:s2+s14], $0x40, s1, s14, $0xb8;
	[tilespmem:$0x17000] =	vst v63  }
0x4f: {  	_ =	swait.ge [sflag:s22], $0x2000  }
0x50: {  	[sflag:s22] =	ssyncset.done $0x0  }
0x51: {  	s1 =	sadd.s32 $0x2880, s0;
	[sflag:s22] =	ssyncadd.s32 $0xFFFFE000  }
0x52: {  	[spmem:s3] =	stream.indirect.scatter.add.f32 [tilespmem:s16], [sflag:$0x5], $0x40, s1, s14, $0xb8;
	[tilespmem:$0x17000] =	vst v63  }
0x53: {  	_ =	swait.ge [sflag:s10], $0x2000  }
0x54: {  	[sflag:s10] =	ssyncset.done $0x0  }
0x55: {  	s1 =	sadd.s32 $0x280, s0;
	[sflag:s10] =	ssyncadd.s32 $0xFFFFE000  }
0x56: {  	[tilespmem:s16], [sflag:$0x2] =	stream.indirect.gather [hbm4b:s2+s14], $0x40, s1, s14, $0xb8;
	[tilespmem:$0x17000] =	vst v63  }
0x57: {  	_ =	swait.ge [sflag:s23], $0x2000  }
0x58: {  	[sflag:s23] =	ssyncset.done $0x0  }
0x59: {  	s1 =	sadd.s32 $0x2900, s0;
	[sflag:s23] =	ssyncadd.s32 $0xFFFFE000  }
0x5a: {  	[spmem:s3] =	stream.indirect.scatter.add.f32 [tilespmem:s18], [sflag:$0x5], $0x40, s1, s14, $0xb8;
	[tilespmem:$0x17000] =	vst v63  }
0x5b: {  	_ =	swait.ge [sflag:s10], $0x2000  }
0x5c: {  	[sflag:s10] =	ssyncset.done $0x0  }
0x5d: {  	s1 =	sadd.s32 $0x300, s0;
	[sflag:s10] =	ssyncadd.s32 $0xFFFFE000  }
0x5e: {  	[tilespmem:s18], [sflag:$0x3] =	stream.indirect.gather [hbm4b:s2+s14], $0x40, s1, s14, $0xb8;
	[tilespmem:$0x17000] =	vst v63  }
0x5f: {  	_ =	swait.ge [sflag:s24], $0x2000  }
0x60: {  	[sflag:s24] =	ssyncset.done $0x0  }
.Ltmp0:
0x61: {  	s1 =	sadd.s32 $0x2980, s0;
	[sflag:s24] =	ssyncadd.s32 $0xFFFFE000;
	(pc) =	sbr.rel @p0 .LBB2_2-.Ltmp0, $4  }
0x62: {  	[spmem:s3] =	stream.indirect.scatter.add.f32 [tilespmem:s20], [sflag:$0x5], $0x40, s1, s14, $0xb8;
	[tilespmem:$0x17000] =	vst v63  }
0x63: {  	_ =	swait.ge [sflag:s10], $0x2000  }
0x64: {  	[sflag:s10] =	ssyncset.done $0x0  }
0x65: {  	s0 =	sadd.s32 $0x380, s0;
	[sflag:s10] =	ssyncadd.s32 $0xFFFFE000  }
0x66: {  	[tilespmem:s20], [sflag:$0x4] =	stream.indirect.gather [hbm4b:s2+s14], $0x40, s0, s14, $0xb8;
	[tilespmem:$0x17000] =	vst v63  }
0x67: {  	_ =	swait.ge [sflag:s21], $0x2000  }
0x68: {  	[sflag:s21] =	ssyncset.done $0x0  }
0x69: {  	[sflag:s21] =	ssyncadd.s32 $0xFFFFE000  }
0x6a: {  	[spmem:s3] =	stream.indirect.scatter.add.f32 [tilespmem:s15], [sflag:$0x5], $0x40, s25, s14, $0xb8;
	[tilespmem:$0x17000] =	vst v63  }
0x6b: {  	_ =	swait.ge [sflag:s10], $0x2000  }
0x6c: {  	[sflag:s10] =	ssyncset.done $0x0  }
0x6d: {  	[sflag:s10] =	ssyncadd.s32 $0xFFFFE000  }
0x6e: {  	_ =	swait.ge [sflag:s22], $0x2000  }
0x6f: {  	[sflag:s22] =	ssyncset.done $0x0  }
0x70: {  	[sflag:s22] =	ssyncadd.s32 $0xFFFFE000  }
0x71: {  	[spmem:s3] =	stream.indirect.scatter.add.f32 [tilespmem:s16], [sflag:$0x5], $0x40, s26, s14, $0xb8;
	[tilespmem:$0x17000] =	vst v63  }
0x72: {  	_ =	swait.ge [sflag:s10], $0x2000  }
0x73: {  	[sflag:s10] =	ssyncset.done $0x0  }
0x74: {  	[sflag:s10] =	ssyncadd.s32 $0xFFFFE000  }
0x75: {  	_ =	swait.ge [sflag:s23], $0x2000  }
0x76: {  	[sflag:s23] =	ssyncset.done $0x0  }
0x77: {  	[sflag:s23] =	ssyncadd.s32 $0xFFFFE000  }
0x78: {  	[spmem:s3] =	stream.indirect.scatter.add.f32 [tilespmem:s18], [sflag:$0x5], $0x40, s28, s14, $0xb8;
	[tilespmem:$0x17000] =	vst v63  }
0x79: {  	_ =	swait.ge [sflag:s10], $0x2000  }
0x7a: {  	[sflag:s10] =	ssyncset.done $0x0  }
0x7b: {  	[sflag:s10] =	ssyncadd.s32 $0xFFFFE000  }
0x7c: {  	_ =	swait.ge [sflag:s24], $0x2000  }
0x7d: {  	[sflag:s24] =	ssyncset.done $0x0  }
0x7e: {  	[sflag:s24] =	ssyncadd.s32 $0xFFFFE000  }
0x7f: {  	[spmem:s3] =	stream.indirect.scatter.add.f32 [tilespmem:s20], [sflag:$0x5], $0x40, s29, s14, $0xb8;
	[tilespmem:$0x17000] =	vst v63  }
0x80: {  	_ =	swait.ge [sflag:s10], $0x2000  }
0x81: {  	s30 =	sadd.s32 $0x1, s30;
	[sflag:s10] =	ssyncset.done $0x0  }
0x82: {  	p0 =	sne.s32 s30, s9;
	[sflag:s10] =	ssyncadd.s32 $0xFFFFE000  }
.Ltmp1:
0x83: {  	[bflag:$0x0] =	sbarrier.arrive $0xFFFF;
	(pc) =	sbr.rel @p0 .LBB2_1-.Ltmp1, $4  }
0x84: {  	[hbm:s8], [sflag:s12] =	dma.local [spmem:s13], $0x1400  }
0x85: {  	_ =	swait.ge [sflag:s10], $0x1400  }
0x86: {  	[sflag:s10] =	ssyncset.done $0x0  }
0x87: {  	[sflag:s10] =	ssyncadd.s32 $0xFFFFEC00  }
0x88: {  	_ =	sfence.sel $0x180000  }
0x89: {  	[bflag:$0x0] =	sbarrier.arrive $0xFFFF  }
0x8a: {  	_ =	strace $0x9000004D  }
0x8b: {  	s0 =	stileid.u32;
	[bflag:$0x2] =	sbarrier.arrive $0xFFFF  }
0x8c: {  	p0 =	sne.s32 s0, $0x0;
	s0 =	rddreg [dreg:$0x3]  }
0x8d: {  	s0 =	sadd.s32 @!p0 $0x100000, s0  }
0x8e: {  	[sflag:s0] =	ssyncadd.tile.s32 @!p0 $0x1;
	_ =	shalt  }
.Lfunc_end2:
_tile_overlayer_lowered:
.L_overlay_start_2:
0x8f: {  	(tag) =	ssettag $0x2  }
0x90: {  	s0 =	rddreg [dreg:$0x0];
	s2 =	stileid.u32  }
0x91: {  	s1 =	rddreg [dreg:$0x1];
	p0 =	sne.s32 s2, $0x0  }
0x92: {  	s3 =	rddreg [dreg:$0x2];
	[bflag:$0x3] =	sbarrier.arrive $0xFFFF;
	s2 =	simm.s32 @!p0 $0x1C05  }
0x93: {  	[timem:s3], [sflag:s2] =	dma.local @!p0 [hbm:s0], s1  }
0x94: {  	s0 =	simm.s32 @!p0 $0x5  }
0x95: {  	_ =	swait.ge @!p0 [sflag:s0], s1  }
0x96: {  	s1 =	ssub.s32 @!p0 $0x0, s1;
	[sflag:s0] =	ssyncset.done @!p0 $0x0  }
0x97: {  	[sflag:s0] =	ssyncadd.s32 @!p0 s1  }
0x98: {  	[bflag:$0x3] =	sbarrier.arrive $0xFFFF  }
0x99: {  	_ =	shalt  }

// kernel: kernel.19.cloned.1.call-start
scs
__scs_entry_jumppad:
0x0: {  	(pc) =	sbr.rel $0x88, $3  }
0x1: {  	(tag) =	ssettag $0x0;
	lr =	simm.s32 $0x1  }
0x2: {  	[smem:$0x3F99] =	sst lr;
	_ =	strace $0xD0000000  }
0x3: {  	_ = 	snop  }
0x4: {  	_ = 	snop  }
0x5: {  	_ = 	snop  }
0x6: {  	_ = 	snop  }
0x7: {  	_ = 	snop  }
__scs_overlays_trampoline_lowered:
0x8: {  	[smem:$0x3FA8] =	sst s0  }
0x9: {  	[smem:$0x3FA9] =	sst s1  }
0xa: {  	[smem:$0x3FAA] =	sst s2  }
0xb: {  	[smem:$0x3FAB] =	sst s3  }
0xc: {  	[smem:$0x3FAC] =	sst s4  }
0xd: {  	[smem:$0x3FAD] =	sst s5  }
0xe: {  	[smem:$0x3FAE] =	sst s6  }
0xf: {  	[smem:$0x3FAF] =	sst s7  }
0x10: {  	[smem:$0x3FB0] =	sst s8  }
0x11: {  	[smem:$0x3FB1] =	sst s9;
	s0 =	simm.s32 @!p0 $0x0  }
0x12: {  	s1 =	sld [smem:$0x3F97];
	s0 =	simm.s32 @p0 $0x1  }
0x13: {  	[smem:$0x3FB2] =	sst s0;
	s0 =	simm.s32 @!p1 $0x0  }
0x14: {  	s2 =	sld [smem:$0x3F96];
	s0 =	simm.s32 @p1 $0x1  }
0x15: {  	[smem:$0x3FB3] =	sst s0;
	s0 =	simm.s32 @!p2 $0x0  }
0x16: {  	s3 =	sld [smem:$0x3FDB];
	s0 =	simm.s32 @p2 $0x1  }
0x17: {  	s4 =	simm.s32 $0x1BF5;
	[smem:$0x3FB5] =	sst s0  }
0x18: {  	s0 =	sld [smem:$0x3F98];
	_ =	swait.ge [sflag:s4], $0x0  }
0x19: {  	s7 =	sld [smem:$0x3F99]  }
0x1a: {  	s8 =	sadd.s32 $0xFFFFE003, lr  }
0x1b: {  	s9 =	sadd.s32 $0xFFFFFEF7, lr;
	s5 =	simm.s32 $0xFFFFFFFF;
	p2 =	slt.u32 s8, $0xFFFFF086  }
0x1c: {  	p1 =	slt.u32 s9, $0xF7A;
	s5 =	simm.s32 @!p2 $0x0  }
0x1d: {  	s5 =	simm.s32 @p1 $0x1;
	p0 =	seq.s32 s7, s2  }
0x1e: {  	s7 =	smul.u32 @!p0 $0xF7A, s2;
	p2 =	seq.s32 @!p0 s5, $0x0  }
0x1f: {  	s9 =	smul.u32 $0xF7A, s1;
	s8 =	simm.s32 @!p0 $0x1BF5;
	p2 =	por !p2, p0  }
0x20: {  	[sflag:s8] =	ssyncset.s32 @!p0 $0xFFFFF086;
	s6 =	sadd.s32 @!p0 s3, s7;
	s7 =	simm.s32 @!p0 $0x108  }
0x21: {  	s3 =	sadd.s32 s3, s9;
	s6 =	sadd.s32 @!p0 $0x88, s6;
	s7 =	simm.s32 @p2 $0x1082  }
0x22: {  	[simem:s7], [sflag:s8] =	dma.local @!p0 [hbm:s6], $0xF7A  }
0x23: {  	s9 =	sor.u32 $0xD0000000, s2;
	s6 =	simm.s32 $0x108;
	_ =	swait.ge @!p0 [sflag:s8], $0x0  }
0x24: {  	s3 =	sadd.s32 $0x88, s3;
	s6 =	simm.s32 @!p1 $0x1082;
	[sflag:s4] =	ssyncset.s32 $0xFFFFF086  }
0x25: {  	[simem:s6], [sflag:s4] =	dma.local [hbm:s3], $0xF7A  }
0x26: {  	[smem:$0x3F99] =	sst s1;
	(tag) =	ssettag s2;
	_ =	strace s9  }
0x27: {  	s1 =	sld [smem:$0x3FA9]  }
0x28: {  	s2 =	sld [smem:$0x3FAA]  }
0x29: {  	s4 =	sld [smem:$0x3FAC]  }
0x2a: {  	p0 =	seq.s32 s5, $0x0;
	s5 =	sld [smem:$0x3FAD]  }
0x2b: {  	s6 =	sld [smem:$0x3FAE]  }
0x2c: {  	s7 =	sld [smem:$0x3FAF]  }
0x2d: {  	s3 =	simm.s32 $0x108;
	s8 =	sld [smem:$0x3FB0]  }
0x2e: {  	s3 =	simm.s32 @!p0 $0x1082;
	s9 =	sld [smem:$0x3FB1]  }
0x2f: {  	lr =	sadd.s32 s0, s3;
	s0 =	sld [smem:$0x3FA8]  }
0x30: {  	s3 =	sld [smem:$0x3FAB]  }
0x31: {  	[smem:$0x3FB4] =	sst s10  }
0x32: {  	s10 =	sld [smem:$0x3FB2];
	_ =	sdelay $0x3  }
0x33: {  	p0 =	seq.s32 s10, $0x1;
	s10 =	sld [smem:$0x3FB4];
	_ =	sdelay $0x3  }
0x34: {  	[smem:$0x3FB4] =	sst s10  }
0x35: {  	s10 =	sld [smem:$0x3FB3];
	_ =	sdelay $0x3  }
0x36: {  	p1 =	seq.s32 s10, $0x1;
	s10 =	sld [smem:$0x3FB4];
	_ =	sdelay $0x3  }
0x37: {  	[smem:$0x3FB4] =	sst s10  }
0x38: {  	s10 =	sld [smem:$0x3FB5]  }
0x39: {  	_ = 	snop;
	(pc) =	sbr.ind lr, $3  }
0x3a: {  	_ = 	snop  }
0x3b: {  	_ = 	snop  }
0x3c: {  	p2 =	seq.s32 s10, $0x1;
	s10 =	sld [smem:$0x3FB4]  }
0x3d: {  	_ =	shalt  }
0x3e: {  	_ =	shalt  }
0x3f: {  	_ =	shalt  }
0x40: {  	_ =	shalt  }
0x41: {  	_ =	shalt  }
0x42: {  	_ =	shalt  }
0x43: {  	_ =	shalt  }
0x44: {  	_ =	shalt  }
0x45: {  	_ =	shalt  }
0x46: {  	_ =	shalt  }
0x47: {  	_ =	shalt  }
0x48: {  	_ =	shalt  }
0x49: {  	_ =	shalt  }
0x4a: {  	_ =	shalt  }
0x4b: {  	_ =	shalt  }
0x4c: {  	_ =	shalt  }
0x4d: {  	_ =	shalt  }
0x4e: {  	_ =	shalt  }
0x4f: {  	_ =	shalt  }
0x50: {  	_ =	shalt  }
0x51: {  	_ =	shalt  }
0x52: {  	_ =	shalt  }
0x53: {  	_ =	shalt  }
0x54: {  	_ =	shalt  }
0x55: {  	_ =	shalt  }
0x56: {  	_ =	shalt  }
0x57: {  	_ =	shalt  }
0x58: {  	_ =	shalt  }
0x59: {  	_ =	shalt  }
0x5a: {  	_ =	shalt  }
0x5b: {  	_ =	shalt  }
0x5c: {  	_ =	shalt  }
0x5d: {  	_ =	shalt  }
0x5e: {  	_ =	shalt  }
0x5f: {  	_ =	shalt  }
0x60: {  	_ =	shalt  }
0x61: {  	_ =	shalt  }
0x62: {  	_ =	shalt  }
0x63: {  	_ =	shalt  }
0x64: {  	_ =	shalt  }
0x65: {  	_ =	shalt  }
0x66: {  	_ =	shalt  }
0x67: {  	_ =	shalt  }
0x68: {  	_ =	shalt  }
0x69: {  	_ =	shalt  }
0x6a: {  	_ =	shalt  }
0x6b: {  	_ =	shalt  }
0x6c: {  	_ =	shalt  }
0x6d: {  	_ =	shalt  }
0x6e: {  	_ =	shalt  }
0x6f: {  	_ =	shalt  }
0x70: {  	_ =	shalt  }
0x71: {  	_ =	shalt  }
0x72: {  	_ =	shalt  }
0x73: {  	_ =	shalt  }
0x74: {  	_ =	shalt  }
0x75: {  	_ =	shalt  }
0x76: {  	_ =	shalt  }
0x77: {  	_ =	shalt  }
0x78: {  	_ =	shalt  }
0x79: {  	_ =	shalt  }
0x7a: {  	_ =	shalt  }
0x7b: {  	_ =	shalt  }
0x7c: {  	_ =	shalt  }
0x7d: {  	_ =	shalt  }
0x7e: {  	_ =	shalt  }
0x7f: {  	_ =	shalt  }
0x80: {  	_ =	shalt  }
0x81: {  	_ =	shalt  }
0x82: {  	_ =	shalt  }
0x83: {  	_ =	shalt  }
0x84: {  	_ =	shalt  }
0x85: {  	_ =	shalt  }
0x86: {  	_ =	shalt  }
0x87: {  	_ =	shalt  }
.Lfunc_end0:
.L_simem_size_0:
called_computation.3_lowered:
.L_overlay_start_0:
0x88: {  	s2 =	sld [smem:$0x3FD9]  }
0x89: {  	s3 =	sld [smem:$0x3FFE];
	_ =	sdelay $0x1  }
0x8a: {  	s1 =	srdreg.scid  }
0x8b: {  	s0 =	sand.u32 $0x1, s1  }
0x8c: {  	s17 =	sshll.u32 s0, $0xA;
	s2 =	sadd.s32 s3, s2  }
0x8d: {  	s2 =	sadd.s32 s2, s17  }
0x8e: {  	[smem:$0x3FC0] =	sst s2  }
0x8f: {  	_ = 	snop  }
0x90: {  	s2 =	sld [smem:$0x3FD0];
	(tm) =	ssettm $0x1  }
0x91: {  	s18 =	sld [smem:$0x3FFB];
	_ =	sdelay $0x3  }
0x92: {  	_ =	strace s18  }
0x93: {  	s3 =	sld [smem:$0x3FFC];
	_ =	sdelay $0x3  }
0x94: {  	_ =	strace s3  }
0x95: {  	s3 =	sld [smem:$0x3FFD];
	_ =	sdelay $0x3  }
0x96: {  	_ =	strace s3  }
0x97: {  	_ =	strace $0x8FFFFFFF  }
0x98: {  	s19 =	sld [smem:$0x3FDB];
	_ =	sdelay $0x1  }
0x99: {  	s4 =	simm.s32 $_scs_section_size  }
0x9a: {  	s5 =	simm.s32 $_size__tile_overlayer_lowered;
	s6 =	simm.s32 $_tile_overlayer_lowered  }
0x9b: {  	s22 =	simm.s32 $0x1BFF;
	s21 =	sshll.u32 s6, $0x1;
	s3 =	sadd.s32 s4, s19  }
0x9c: {  	s7 =	simm.s32 $0x0;
	s20 =	sshll.u32 s5, $0x1;
	s5 =	sadd.s32 s21, s3  }
0x9d: {  	[timem:s7], [sflag:s22] =	dma.local [hbm:s5], s20  }
0x9e: {  	_ =	swait.ge [sflag:s22], s20  }
0x9f: {  	s4 =	ssub.s32 $0x0, s20;
	[sflag:s22] =	ssyncset.done $0x0  }
0xa0: {  	[sflag:s22] =	ssyncadd.s32 s4;
	_ =	sdelay $0x1  }
0xa1: {  	s23 =	simm.s32 $0x1B8B  }
0xa2: {  	_ =	swait.ge [sflag:s23], $0x1  }
0xa3: {  	[sflag:s23] =	ssyncset.done $0x0  }
0xa4: {  	s25 =	simm.s32 $0x1B8E;
	s24 =	sld [smem:$0x3FFE];
	[sflag:s23] =	ssyncadd.s32 $0xFFFFFFFF  }
0xa5: {  	s26 =	simm.s32 $execute0_lowered;
	[smem:$0x3FD2] =	sst s25  }
0xa6: {  	s5 =	sshll.u32 s26, $0x1;
	_ =	strace $0x8000004F;
	[dreg:$0x1] =	wrdreg $0xFFFFFFFF  }
0xa7: {  	s28 =	simm.s32 $_size_execute0_lowered;
	s3 =	sadd.s32 s3, s5;
	[dreg:$0x0] =	wrdreg $0x0  }
0xa8: {  	s5 =	sshll.u32 s28, $0x1;
	[dreg:$0x2] =	wrdreg s3  }
0xa9: {  	[dreg:$0x3] =	wrdreg s5  }
0xaa: {  	[dreg:$0x4] =	wrdreg $0xC0  }
0xab: {  	_ =	task [dreg:s7], $0x5FFFF  }
0xac: {  	[dreg:$0x1] =	wrdreg $0xFFFFFFFF  }
0xad: {  	[dreg:$0x0] =	wrdreg $0x60  }
0xae: {  	[dreg:$0x2] =	wrdreg s24  }
0xaf: {  	[dreg:$0x3] =	wrdreg s2  }
0xb0: {  	[dreg:$0x4] =	wrdreg $0x60000  }
0xb1: {  	[dreg:$0x5] =	wrdreg $0x9  }
0xb2: {  	_ =	task.clear_ibuf [dreg:s7], $0x6FFFF;
	_ =	strace $0x9000004F  }
0xb3: {  	s29 =	simm.s32 $0x9;
	_ =	strace $0x80000051  }
0xb4: {  	_ =	swait.ge [sflag:s29], $0x1  }
0xb5: {  	[sflag:s29] =	ssyncadd.s32 $0xFFFFFFFF  }
0xb6: {  	_ =	strace $0x90000051  }
0xb7: {  	_ =	sfence  }
0xb8: {  	s30 =	sld [smem:$0x0];
	_ =	sdelay $0x2  }
0xb9: {  	s31 =	sshll.u32 s1, $0xD;
	s1 =	sshrl.u32 s1, $0x2  }
0xba: {  	s3 =	sand.u32 $0x4000, s31;
	s1 =	sadd.s32 s1, s30  }
0xbb: {  	s0 =	sor.u32 s3, s0;
	s1 =	sshll.u32 s1, $0x11  }
0xbc: {  	s0 =	sor.u32 s1, s0  }
0xbd: {  	s0 =	sadd.s32 $0x8F2B, s0  }
0xbe: {  	[sflag:s0] =	ssyncadd.remote.s32 $0x1  }
0xbf: {  	_ =	sfence.sel $0xFFFF  }
0xc0: {  	[dreg:$0x0] =	wrdreg $0xFFFFFFFF;
	(pc) =	sbr.abs _section_cstart, $3  }
0xc1: {  	[dreg:$0x1] =	wrdreg $0xFFFFFFFF  }
0xc2: {  	_ =	task.clear_ibuf [dreg:s7], $0x2FFFF;
	_ =	strace $0x9FFFFFFF  }
0xc3: {  	(tm) =	ssettm $0x7FFFFFFF  }
tec
execute0_lowered:
.L_overlay_start_1:
0x0: {  	(tag) =	ssettag $0x1  }
0x1: {  	s1 =	rddreg [dreg:$0x0]  }
0x2: {  	s0 =	srdreg.scid;
	s8 =	rddreg [dreg:$0x1]  }
0x3: {  	s23 =	stileid.u32;
	s2 =	rddreg [dreg:$0x2];
	s14 =	simm.s32 $0x80  }
0x4: {  	s15 =	simm.s32 $0x5000;
	s16 =	simm.s32 $0x5400;
	s17 =	simm.s32 $0x100  }
0x5: {  	s18 =	simm.s32 $0x5800;
	s19 =	simm.s32 $0x180;
	s20 =	simm.s32 $0x5C00  }
0x6: {  	s21 =	simm.s32 $0x1;
	s22 =	simm.s32 $0x2;
	s28 =	simm.s32 $0x4F00  }
0x7: {  	s29 =	simm.s32 $0x4F80;
	s30 =	simm.s32 $0x0;
	s4 =	sand.u32 $0x1, s0  }
0x8: {  	s9 =	smul.u32 $0x1400, s23;
	s31 =	sshll.u32 s23, $0x6;
	s3 =	sshll.u32 s4, $0x4  }
0x9: {  	s6 =	ssub.s32 $0x2, s4;
	s7 =	smul.u32 $0x14000, s4;
	s4 =	sadd.s32 $0x16600, s1  }
0xa: {  	s12 =	sor.u32 $0x1C05, s31;
	s5 =	sor.u32 s23, s3;
	s3 =	simm.s32 $0x0  }
0xb: {  	s11 =	sshrl.u32 s6, $0x1;
	s13 =	sadd.s32 s9, s2;
	s23 =	simm.s32 $0x3  }
0xc: {  	s5 =	smul.u32 $0x500, s5;
	[smem:$0x7FF] =	sst s3;
	s24 =	ssub.s32 s6, s11  }
0xd: {  	s25 =	sadd.s32 s9, s7;
	s11 =	simm.s32 $0x2800;
	s13 =	sshrl.u32 s13, $0x3  }
0xe: {  	_ =	strace $0x80000050;
	s26 =	sshrl.u32 s25, $0x3;
	s9 =	smax.u32 s24, $0x1  }
0xf: {  	s24 =	simm.s32 $0x4;
	s25 =	simm.s32 $0x4E00;
	s10 =	sadd.s32 s5, s1  }
0x10: {  	s5 =	sadd.s32 $0xC000, s1;
	s8 =	sadd.s32 s8, s26;
	s26 =	simm.s32 $0x4E80  }
0x11: {  	s6 =	sadd.s32 $0xC600, s10;
	s7 =	sadd.s32 $0x2000, s10;
	s10 =	simm.s32 $0x5  }
.LBB2_1:
0x12: {  	[tilespmem:s3], [sflag:$0x5] =	stream.linear.gather [hbm4b:s6+s3], $0x2800, $0x38;
	[tilespmem:$0x7400] =	vst v63  }
0x13: {  	_ =	swait.ge [sflag:s10], $0x2800  }
0x14: {  	[sflag:s10] =	ssyncset.done $0x0  }
0x15: {  	[sflag:s10] =	ssyncadd.s32 $0xFFFFD800  }
0x16: {  	[tilespmem:s11], [sflag:$0x5] =	stream.linear.gather [hbm4b:s7+s3], $0x2800, $0x38;
	[tilespmem:$0x7400] =	vst v63  }
0x17: {  	_ =	swait.ge [sflag:s10], $0x2800  }
0x18: {  	[sflag:s10] =	ssyncset.done $0x0  }
0x19: {  	[sflag:s10] =	ssyncadd.s32 $0xFFFFD800  }
0x1a: {  	[spmem:s13], [sflag:s12] =	dma.local [hbm:s5], $0x280  }
0x1b: {  	_ =	swait.ge [sflag:s10], $0x280  }
0x1c: {  	[sflag:s10] =	ssyncset.done $0x0  }
0x1d: {  	[sflag:s10] =	ssyncadd.s32 $0xFFFFFD80  }
0x1e: {  	[bflag:$0x0] =	sbarrier.arrive $0xFFFF  }
0x1f: {  	[tilespmem:s15], [sflag:$0x1] =	stream.indirect.gather [hbm4b:s4+s14], $0x8, s3, s14, $0xb8;
	[tilespmem:$0x7400] =	vst v63  }
0x20: {  	_ = 	snop  }
0x21: {  	[tilespmem:s16], [sflag:$0x2] =	stream.indirect.gather [hbm4b:s4+s14], $0x8, s14, s14, $0xb8;
	[tilespmem:$0x7400] =	vst v63  }
0x22: {  	_ = 	snop  }
0x23: {  	[tilespmem:s18], [sflag:$0x3] =	stream.indirect.gather [hbm4b:s4+s14], $0x8, s17, s14, $0xb8;
	[tilespmem:$0x7400] =	vst v63  }
0x24: {  	_ = 	snop  }
0x25: {  	[tilespmem:s20], [sflag:$0x4] =	stream.indirect.gather [hbm4b:s4+s14], $0x8, s19, s14, $0xb8;
	[tilespmem:$0x7400] =	vst v63  }
0x26: {  	_ =	swait.ge [sflag:s21], $0x400  }
0x27: {  	[sflag:s21] =	ssyncset.done $0x0  }
0x28: {  	s1 =	simm.s32 $0x2800;
	[sflag:s21] =	ssyncadd.s32 $0xFFFFFC00  }
0x29: {  	[spmem:s2] =	stream.indirect.scatter.add.f32 [tilespmem:s15], [sflag:$0x5], $0x8, s1, s14, $0xb8;
	[tilespmem:$0x7400] =	vst v63  }
0x2a: {  	_ =	swait.ge [sflag:s10], $0x400  }
0x2b: {  	[sflag:s10] =	ssyncset.done $0x0  }
0x2c: {  	s0 =	simm.s32 $0x200;
	[sflag:s10] =	ssyncadd.s32 $0xFFFFFC00  }
0x2d: {  	[tilespmem:s15], [sflag:$0x1] =	stream.indirect.gather [hbm4b:s4+s14], $0x8, s0, s14, $0xb8;
	[tilespmem:$0x7400] =	vst v63  }
0x2e: {  	_ =	swait.ge [sflag:s22], $0x400  }
0x2f: {  	[sflag:s22] =	ssyncset.done $0x0  }
0x30: {  	s0 =	simm.s32 $0x2880;
	[sflag:s22] =	ssyncadd.s32 $0xFFFFFC00  }
0x31: {  	[spmem:s2] =	stream.indirect.scatter.add.f32 [tilespmem:s16], [sflag:$0x5], $0x8, s0, s14, $0xb8;
	[tilespmem:$0x7400] =	vst v63  }
0x32: {  	_ =	swait.ge [sflag:s10], $0x400  }
0x33: {  	[sflag:s10] =	ssyncset.done $0x0  }
0x34: {  	s0 =	simm.s32 $0x280;
	[sflag:s10] =	ssyncadd.s32 $0xFFFFFC00  }
0x35: {  	[tilespmem:s16], [sflag:$0x2] =	stream.indirect.gather [hbm4b:s4+s14], $0x8, s0, s14, $0xb8;
	[tilespmem:$0x7400] =	vst v63  }
0x36: {  	_ =	swait.ge [sflag:s23], $0x400  }
0x37: {  	[sflag:s23] =	ssyncset.done $0x0  }
0x38: {  	s0 =	simm.s32 $0x2900;
	[sflag:s23] =	ssyncadd.s32 $0xFFFFFC00  }
0x39: {  	[spmem:s2] =	stream.indirect.scatter.add.f32 [tilespmem:s18], [sflag:$0x5], $0x8, s0, s14, $0xb8;
	[tilespmem:$0x7400] =	vst v63  }
0x3a: {  	_ =	swait.ge [sflag:s10], $0x400  }
0x3b: {  	[sflag:s10] =	ssyncset.done $0x0  }
0x3c: {  	s0 =	simm.s32 $0x300;
	[sflag:s10] =	ssyncadd.s32 $0xFFFFFC00  }
0x3d: {  	[tilespmem:s18], [sflag:$0x3] =	stream.indirect.gather [hbm4b:s4+s14], $0x8, s0, s14, $0xb8;
	[tilespmem:$0x7400] =	vst v63  }
0x3e: {  	_ =	swait.ge [sflag:s24], $0x400  }
0x3f: {  	[sflag:s24] =	ssyncset.done $0x0  }
0x40: {  	s0 =	simm.s32 $0x2980;
	[sflag:s24] =	ssyncadd.s32 $0xFFFFFC00  }
0x41: {  	[spmem:s2] =	stream.indirect.scatter.add.f32 [tilespmem:s20], [sflag:$0x5], $0x8, s0, s14, $0xb8;
	[tilespmem:$0x7400] =	vst v63  }
0x42: {  	_ =	swait.ge [sflag:s10], $0x400  }
0x43: {  	[sflag:s10] =	ssyncset.done $0x0  }
0x44: {  	s31 =	simm.s32 $0x800;
	s1 =	simm.s32 $0x380;
	[sflag:s10] =	ssyncadd.s32 $0xFFFFFC00  }
.LBB2_2:
0x45: {  	[tilespmem:s20], [sflag:$0x4] =	stream.indirect.gather [hbm4b:s4+s14], $0x8, s1, s14, $0xb8;
	[tilespmem:$0x7400] =	vst v63  }
0x46: {  	s1 =	smov.u32 s31  }
0x47: {  	p0 =	sne.s32 s31, $0x9000;
	s31 =	sadd.s32 $0x800, s31;
	_ =	swait.ge [sflag:s21], $0x400  }
0x48: {  	s1 =	sshra.s32 s1, $0x2;
	[sflag:s21] =	ssyncset.done $0x0  }
0x49: {  	s0 =	sadd.s32 $0x2800, s1;
	[sflag:s21] =	ssyncadd.s32 $0xFFFFFC00  }
0x4a: {  	[spmem:s2] =	stream.indirect.scatter.add.f32 [tilespmem:s15], [sflag:$0x5], $0x8, s0, s14, $0xb8;
	[tilespmem:$0x7400] =	vst v63  }
0x4b: {  	_ =	swait.ge [sflag:s10], $0x400  }
0x4c: {  	[sflag:s10] =	ssyncset.done $0x0  }
0x4d: {  	s0 =	sadd.s32 $0x200, s1;
	[sflag:s10] =	ssyncadd.s32 $0xFFFFFC00  }
0x4e: {  	[tilespmem:s15], [sflag:$0x1] =	stream.indirect.gather [hbm4b:s4+s14], $0x8, s0, s14, $0xb8;
	[tilespmem:$0x7400] =	vst v63  }
0x4f: {  	_ =	swait.ge [sflag:s22], $0x400  }
0x50: {  	[sflag:s22] =	ssyncset.done $0x0  }
0x51: {  	s0 =	sadd.s32 $0x2880, s1;
	[sflag:s22] =	ssyncadd.s32 $0xFFFFFC00  }
0x52: {  	[spmem:s2] =	stream.indirect.scatter.add.f32 [tilespmem:s16], [sflag:$0x5], $0x8, s0, s14, $0xb8;
	[tilespmem:$0x7400] =	vst v63  }
0x53: {  	_ =	swait.ge [sflag:s10], $0x400  }
0x54: {  	[sflag:s10] =	ssyncset.done $0x0  }
0x55: {  	s0 =	sadd.s32 $0x280, s1;
	[sflag:s10] =	ssyncadd.s32 $0xFFFFFC00  }
0x56: {  	[tilespmem:s16], [sflag:$0x2] =	stream.indirect.gather [hbm4b:s4+s14], $0x8, s0, s14, $0xb8;
	[tilespmem:$0x7400] =	vst v63  }
0x57: {  	_ =	swait.ge [sflag:s23], $0x400  }
0x58: {  	[sflag:s23] =	ssyncset.done $0x0  }
0x59: {  	s0 =	sadd.s32 $0x2900, s1;
	[sflag:s23] =	ssyncadd.s32 $0xFFFFFC00  }
0x5a: {  	[spmem:s2] =	stream.indirect.scatter.add.f32 [tilespmem:s18], [sflag:$0x5], $0x8, s0, s14, $0xb8;
	[tilespmem:$0x7400] =	vst v63  }
0x5b: {  	_ =	swait.ge [sflag:s10], $0x400  }
0x5c: {  	[sflag:s10] =	ssyncset.done $0x0  }
0x5d: {  	s0 =	sadd.s32 $0x300, s1;
	[sflag:s10] =	ssyncadd.s32 $0xFFFFFC00  }
0x5e: {  	[tilespmem:s18], [sflag:$0x3] =	stream.indirect.gather [hbm4b:s4+s14], $0x8, s0, s14, $0xb8;
	[tilespmem:$0x7400] =	vst v63  }
0x5f: {  	_ =	swait.ge [sflag:s24], $0x400  }
0x60: {  	[sflag:s24] =	ssyncset.done $0x0  }
.Ltmp0:
0x61: {  	s0 =	sadd.s32 $0x2980, s1;
	[sflag:s24] =	ssyncadd.s32 $0xFFFFFC00;
	(pc) =	sbr.rel @p0 .LBB2_2-.Ltmp0, $4  }
0x62: {  	[spmem:s2] =	stream.indirect.scatter.add.f32 [tilespmem:s20], [sflag:$0x5], $0x8, s0, s14, $0xb8;
	[tilespmem:$0x7400] =	vst v63  }
0x63: {  	_ =	swait.ge [sflag:s10], $0x400  }
0x64: {  	[sflag:s10] =	ssyncset.done $0x0  }
0x65: {  	s1 =	sadd.s32 $0x380, s1;
	[sflag:s10] =	ssyncadd.s32 $0xFFFFFC00  }
0x66: {  	[tilespmem:s20], [sflag:$0x4] =	stream.indirect.gather [hbm4b:s4+s14], $0x8, s1, s14, $0xb8;
	[tilespmem:$0x7400] =	vst v63  }
0x67: {  	_ =	swait.ge [sflag:s21], $0x400  }
0x68: {  	[sflag:s21] =	ssyncset.done $0x0  }
0x69: {  	[sflag:s21] =	ssyncadd.s32 $0xFFFFFC00  }
0x6a: {  	[spmem:s2] =	stream.indirect.scatter.add.f32 [tilespmem:s15], [sflag:$0x5], $0x8, s25, s14, $0xb8;
	[tilespmem:$0x7400] =	vst v63  }
0x6b: {  	_ =	swait.ge [sflag:s10], $0x400  }
0x6c: {  	[sflag:s10] =	ssyncset.done $0x0  }
0x6d: {  	[sflag:s10] =	ssyncadd.s32 $0xFFFFFC00  }
0x6e: {  	_ =	swait.ge [sflag:s22], $0x400  }
0x6f: {  	[sflag:s22] =	ssyncset.done $0x0  }
0x70: {  	[sflag:s22] =	ssyncadd.s32 $0xFFFFFC00  }
0x71: {  	[spmem:s2] =	stream.indirect.scatter.add.f32 [tilespmem:s16], [sflag:$0x5], $0x8, s26, s14, $0xb8;
	[tilespmem:$0x7400] =	vst v63  }
0x72: {  	_ =	swait.ge [sflag:s10], $0x400  }
0x73: {  	[sflag:s10] =	ssyncset.done $0x0  }
0x74: {  	[sflag:s10] =	ssyncadd.s32 $0xFFFFFC00  }
0x75: {  	_ =	swait.ge [sflag:s23], $0x400  }
0x76: {  	[sflag:s23] =	ssyncset.done $0x0  }
0x77: {  	[sflag:s23] =	ssyncadd.s32 $0xFFFFFC00  }
0x78: {  	[spmem:s2] =	stream.indirect.scatter.add.f32 [tilespmem:s18], [sflag:$0x5], $0x8, s28, s14, $0xb8;
	[tilespmem:$0x7400] =	vst v63  }
0x79: {  	_ =	swait.ge [sflag:s10], $0x400  }
0x7a: {  	[sflag:s10] =	ssyncset.done $0x0  }
0x7b: {  	[sflag:s10] =	ssyncadd.s32 $0xFFFFFC00  }
0x7c: {  	_ =	swait.ge [sflag:s24], $0x400  }
0x7d: {  	[sflag:s24] =	ssyncset.done $0x0  }
0x7e: {  	[sflag:s24] =	ssyncadd.s32 $0xFFFFFC00  }
0x7f: {  	[spmem:s2] =	stream.indirect.scatter.add.f32 [tilespmem:s20], [sflag:$0x5], $0x8, s29, s14, $0xb8;
	[tilespmem:$0x7400] =	vst v63  }
0x80: {  	_ =	swait.ge [sflag:s10], $0x400  }
0x81: {  	s30 =	sadd.s32 $0x1, s30;
	[sflag:s10] =	ssyncset.done $0x0  }
0x82: {  	p0 =	sne.s32 s30, s9;
	[sflag:s10] =	ssyncadd.s32 $0xFFFFFC00  }
.Ltmp1:
0x83: {  	[bflag:$0x0] =	sbarrier.arrive $0xFFFF;
	(pc) =	sbr.rel @p0 .LBB2_1-.Ltmp1, $4  }
0x84: {  	[hbm:s8], [sflag:s12] =	dma.local [spmem:s13], $0x280  }
0x85: {  	_ =	swait.ge [sflag:s10], $0x280  }
0x86: {  	[sflag:s10] =	ssyncset.done $0x0  }
0x87: {  	[sflag:s10] =	ssyncadd.s32 $0xFFFFFD80  }
0x88: {  	_ =	sfence.sel $0x180000  }
0x89: {  	[bflag:$0x0] =	sbarrier.arrive $0xFFFF  }
0x8a: {  	_ =	strace $0x90000050  }
0x8b: {  	s0 =	stileid.u32;
	[bflag:$0x2] =	sbarrier.arrive $0xFFFF  }
0x8c: {  	p0 =	sne.s32 s0, $0x0;
	s0 =	rddreg [dreg:$0x3]  }
0x8d: {  	s0 =	sadd.s32 @!p0 $0x100000, s0  }
0x8e: {  	[sflag:s0] =	ssyncadd.tile.s32 @!p0 $0x1;
	_ =	shalt  }
.Lfunc_end2:
_tile_overlayer_lowered:
.L_overlay_start_2:
0x8f: {  	(tag) =	ssettag $0x2  }
0x90: {  	s0 =	rddreg [dreg:$0x0];
	s2 =	stileid.u32  }
0x91: {  	s1 =	rddreg [dreg:$0x1];
	p0 =	sne.s32 s2, $0x0  }
0x92: {  	s3 =	rddreg [dreg:$0x2];
	[bflag:$0x3] =	sbarrier.arrive $0xFFFF;
	s2 =	simm.s32 @!p0 $0x1C05  }
0x93: {  	[timem:s3], [sflag:s2] =	dma.local @!p0 [hbm:s0], s1  }
0x94: {  	s0 =	simm.s32 @!p0 $0x5  }
0x95: {  	_ =	swait.ge @!p0 [sflag:s0], s1  }
0x96: {  	s1 =	ssub.s32 @!p0 $0x0, s1;
	[sflag:s0] =	ssyncset.done @!p0 $0x0  }
0x97: {  	[sflag:s0] =	ssyncadd.s32 @!p0 s1  }
0x98: {  	[bflag:$0x3] =	sbarrier.arrive $0xFFFF  }
0x99: {  	_ =	shalt  }

</sc_bundles>
